<compile_context>
chip_gen: v7x
topology: tpu7x:2x2x1
jax: 0.10.2.dev20260603
libtpu: 0.0.44.dev20260713+nightly
codegen_flags: <defaults>
</compile_context>

<pallas_src>
import functools

import jax
import jax.numpy as jnp
from jax import lax
from jax.experimental import pallas as pl
from jax.experimental.pallas import tpu as pltpu
from jax.experimental.pallas import tpu_sc as plsc

_N = 10000
_E = 320000
_H = 128
_G = 256

_NC = 2
_NS = 16
_NW = _NC * _NS

_CH = 128
_CPW = -(-_E // (_NW * _CH))
_EP = _CPW * _CH * _NW
_CHALF = 40

_NACC = 10112
_STR = _NACC // _NS
_DW = 16

_NZP = 10240
_ZB = 64
_ZPW = _NZP // _NW
_ZC = _ZPW // _ZB

_HACC = 384
_HSTR = _HACC // _NS
_NBP = 10240
_BCW = 5

_mesh = plsc.VectorSubcoreMesh(core_axis_name="c", subcore_axis_name="s",
                               num_cores=_NC, num_subcores=_NS)


@functools.partial(
    pl.kernel,
    out_type=jax.ShapeDtypeStruct((_NZP, _H), jnp.float32),
    mesh=_mesh,
    scratch_types=[
        pltpu.VMEM((_ZB,), jnp.int32),
        pltpu.VMEM((_ZB, _H), jnp.float32),
        pltpu.SemaphoreType.DMA,
    ],
)
def _zemb_gather(table_hbm, z_hbm, out_hbm, idx_v, rows_v, sem):
    wid = lax.axis_index("c") * _NS + lax.axis_index("s")
    base = wid * _ZPW

    def chunk(c, carry):
        off = base + c * _ZB
        pltpu.sync_copy(z_hbm.at[pl.ds(off, _ZB)], idx_v)
        pltpu.async_copy(table_hbm.at[idx_v], rows_v, sem).wait()
        pltpu.sync_copy(rows_v, out_hbm.at[pl.ds(off, _ZB)])
        return carry

    lax.fori_loop(0, _ZC, chunk, 0)


@functools.partial(
    pl.kernel,
    out_type=jax.ShapeDtypeStruct((_NC, _NACC, _H), jnp.float32),
    mesh=_mesh,
    scratch_types=[
        pltpu.VMEM((_CHALF, _CH), jnp.int32),
        pltpu.VMEM((_CHALF, _CH), jnp.int32),
        pltpu.VMEM((_CH, _H), jnp.float32),
        pltpu.VMEM_SHARED((_NACC, _H), jnp.float32),
        pltpu.SemaphoreType.DMA,
    ],
)
def _segsum(y_hbm, src_hbm, dst_hbm, zeros_hbm, out_hbm,
            src_v, dst_v, rows_v, acc, sem):
    cid = lax.axis_index("c")
    sid = lax.axis_index("s")
    wid = cid * _NS + sid

    pltpu.sync_copy(zeros_hbm.at[pl.ds(sid * _STR, _STR)],
                    acc.at[pl.ds(sid * _STR, _STR)])
    plsc.subcore_barrier()

    def chunk(c, carry):
        pltpu.async_copy(y_hbm.at[src_v.at[c]], rows_v, sem).wait()
        pltpu.sync_copy(rows_v, acc.at[dst_v.at[c]], add=True)
        return carry

    for half in range(2):
        n_c = _CHALF if half == 0 else _CPW - _CHALF
        pltpu.sync_copy(src_hbm.at[wid, pl.ds(half * _CHALF, n_c)],
                        src_v.at[pl.ds(0, n_c)])
        pltpu.sync_copy(dst_hbm.at[wid, pl.ds(half * _CHALF, n_c)],
                        dst_v.at[pl.ds(0, n_c)])
        lax.fori_loop(0, n_c, chunk, 0)
    plsc.subcore_barrier()

    pltpu.sync_copy(acc.at[pl.ds(sid * _STR, _STR)],
                    out_hbm.at[cid, pl.ds(sid * _STR, _STR)])


@functools.partial(
    pl.kernel,
    out_type=(jax.ShapeDtypeStruct((_NC, _NACC, _H), jnp.float32),
              jax.ShapeDtypeStruct((_G, _H), jnp.float32)),
    mesh=_mesh,
    scratch_types=[
        pltpu.VMEM((_CHALF, _CH), jnp.int32),
        pltpu.VMEM((_BCW, _CH), jnp.int32),
        pltpu.VMEM((_CH, _H), jnp.float32),
        pltpu.VMEM_SHARED((_NACC, _H), jnp.float32),
        pltpu.VMEM_SHARED((_HACC, _H), jnp.float32),
    ],
)
def _deg_hist(dst_hbm, batch_hbm, zeros16_hbm, ones_hbm, deg_hbm, h_hbm,
              dst_v, bidx_v, ones_v, dacc, hacc):
    cid = lax.axis_index("c")
    sid = lax.axis_index("s")
    wid = cid * _NS + sid

    pltpu.sync_copy(zeros16_hbm.at[pl.ds(sid * _STR, _STR)],
                    dacc.at[pl.ds(sid * _STR, _STR)])
    pltpu.sync_copy(ones_hbm, ones_v)

    @pl.when(cid == 0)
    def _():
        pltpu.sync_copy(zeros16_hbm.at[pl.ds(sid * _HSTR, _HSTR)],
                        hacc.at[pl.ds(sid * _HSTR, _HSTR)])

    plsc.subcore_barrier()

    def dchunk(c, inner):
        pltpu.sync_copy(ones_v, dacc.at[dst_v.at[c]], add=True)
        return inner

    for half in range(2):
        n_c = _CHALF if half == 0 else _CPW - _CHALF
        pltpu.sync_copy(dst_hbm.at[wid, pl.ds(half * _CHALF, n_c)],
                        dst_v.at[pl.ds(0, n_c)])
        lax.fori_loop(0, n_c, dchunk, 0)

    @pl.when(cid == 0)
    def _():
        pltpu.sync_copy(batch_hbm.at[sid], bidx_v)

        def hchunk(c, carry):
            pltpu.sync_copy(ones_v, hacc.at[bidx_v.at[c]], add=True)
            return carry

        lax.fori_loop(0, _BCW, hchunk, 0)

    plsc.subcore_barrier()

    pltpu.sync_copy(dacc.at[pl.ds(sid * _STR, _STR)],
                    deg_hbm.at[cid, pl.ds(sid * _STR, _STR)])

    @pl.when(cid == 0)
    def _():
        pltpu.sync_copy(hacc.at[pl.ds(sid * _DW, _DW)],
                        h_hbm.at[pl.ds(sid * _DW, _DW)])


@functools.partial(
    pl.kernel,
    out_type=(jax.ShapeDtypeStruct((_G, _H), jnp.float32),
              jax.ShapeDtypeStruct((_G, _H), jnp.float32)),
    mesh=_mesh,
    scratch_types=[
        pltpu.VMEM((16,), jnp.int32),
        pltpu.VMEM((16, _H), jnp.float32),
        pltpu.SemaphoreType.DMA,
    ],
)
def _center_gather(x3_hbm, cis_hbm, cid_hbm, xs_hbm, xd_hbm, idx_v, rows_v, sem):
    wid = lax.axis_index("c") * _NS + lax.axis_index("s")
    side = wid // 16
    gchunk = wid % 16

    @pl.when(side == 0)
    def _():
        pltpu.sync_copy(cis_hbm.at[pl.ds(gchunk * 16, 16)], idx_v)

    @pl.when(side == 1)
    def _():
        pltpu.sync_copy(cid_hbm.at[pl.ds(gchunk * 16, 16)], idx_v)

    pltpu.async_copy(x3_hbm.at[idx_v], rows_v, sem).wait()

    @pl.when(side == 0)
    def _():
        pltpu.sync_copy(rows_v, xs_hbm.at[pl.ds(gchunk * 16, 16)])

    @pl.when(side == 1)
    def _():
        pltpu.sync_copy(rows_v, xd_hbm.at[pl.ds(gchunk * 16, 16)])


_RB = 1000
_NG = _N // _RB


def _mm2_body(x_ref, wl_ref, wr_ref, bl_ref, y_ref, r_ref):
    x = x_ref[...]
    y_ref[...] = jnp.dot(x, wl_ref[...], preferred_element_type=jnp.float32)
    r_ref[...] = (jnp.dot(x, wr_ref[...], preferred_element_type=jnp.float32)
                  + bl_ref[...])


def _mm2(x, wl, wr, bl):
    return pl.pallas_call(
        _mm2_body,
        grid=(_NG,),
        in_specs=[
            pl.BlockSpec((_RB, _H), lambda i: (i, 0)),
            pl.BlockSpec((_H, _H), lambda i: (0, 0)),
            pl.BlockSpec((_H, _H), lambda i: (0, 0)),
            pl.BlockSpec((1, _H), lambda i: (0, 0)),
        ],
        out_specs=[
            pl.BlockSpec((_RB, _H), lambda i: (i, 0)),
            pl.BlockSpec((_RB, _H), lambda i: (i, 0)),
        ],
        out_shape=[
            jax.ShapeDtypeStruct((_N, _H), jnp.float32),
            jax.ShapeDtypeStruct((_N, _H), jnp.float32),
        ],
    )(x, wl, wr, bl)


def _combine(p0, p1, d0, d1, r):
    inv = 1.0 / jnp.maximum(d0 + d1, 1.0)
    return (p0 + p1) * inv + r


def _combine_mm_body(p0_ref, p1_ref, d0_ref, d1_ref, r_ref,
                     wl_ref, wr_ref, bl_ref, y_ref, rn_ref):
    x = _combine(p0_ref[...], p1_ref[...], d0_ref[...], d1_ref[...], r_ref[...])
    x = jnp.maximum(x, 0.0)
    y_ref[...] = jnp.dot(x, wl_ref[...], preferred_element_type=jnp.float32)
    rn_ref[...] = (jnp.dot(x, wr_ref[...], preferred_element_type=jnp.float32)
                   + bl_ref[...])


def _combine_mm(p0, p1, d0, d1, r, wl, wr, bl):
    return pl.pallas_call(
        _combine_mm_body,
        grid=(_NG,),
        in_specs=[
            pl.BlockSpec((_RB, _H), lambda i: (i, 0)),
            pl.BlockSpec((_RB, _H), lambda i: (i, 0)),
            pl.BlockSpec((_RB, _H), lambda i: (i, 0)),
            pl.BlockSpec((_RB, _H), lambda i: (i, 0)),
            pl.BlockSpec((_RB, _H), lambda i: (i, 0)),
            pl.BlockSpec((_H, _H), lambda i: (0, 0)),
            pl.BlockSpec((_H, _H), lambda i: (0, 0)),
            pl.BlockSpec((1, _H), lambda i: (0, 0)),
        ],
        out_specs=[
            pl.BlockSpec((_RB, _H), lambda i: (i, 0)),
            pl.BlockSpec((_RB, _H), lambda i: (i, 0)),
        ],
        out_shape=[
            jax.ShapeDtypeStruct((_N, _H), jnp.float32),
            jax.ShapeDtypeStruct((_N, _H), jnp.float32),
        ],
    )(p0, p1, d0, d1, r, wl, wr, bl)


def _final_combine_body(p0_ref, p1_ref, d0_ref, d1_ref, r_ref, x_ref):
    x_ref[...] = _combine(p0_ref[...], p1_ref[...], d0_ref[...], d1_ref[...],
                          r_ref[...])


def _final_combine(p0, p1, d0, d1, r):
    return pl.pallas_call(
        _final_combine_body,
        grid=(_NG,),
        in_specs=[
            pl.BlockSpec((_RB, _H), lambda i: (i, 0)),
            pl.BlockSpec((_RB, _H), lambda i: (i, 0)),
            pl.BlockSpec((_RB, _H), lambda i: (i, 0)),
            pl.BlockSpec((_RB, _H), lambda i: (i, 0)),
            pl.BlockSpec((_RB, _H), lambda i: (i, 0)),
        ],
        out_specs=pl.BlockSpec((_RB, _H), lambda i: (i, 0)),
        out_shape=jax.ShapeDtypeStruct((_N, _H), jnp.float32),
    )(p0, p1, d0, d1, r)


def _center_idx_body(h_ref, cis_ref, cid_ref):
    h = h_ref[...]
    row = lax.broadcasted_iota(jnp.int32, (_G, _G), 0)
    col = lax.broadcasted_iota(jnp.int32, (_G, _G), 1)
    m = (col < row).astype(jnp.float32)
    ci = jnp.dot(m, h, preferred_element_type=jnp.float32)
    cii = ci.astype(jnp.int32)
    cis_ref[...] = jnp.minimum(cii, _N - 1)
    cid_ref[...] = jnp.minimum(cii + 1, _N - 1)


def _center_idx(h):
    return pl.pallas_call(
        _center_idx_body,
        out_shape=[
            jax.ShapeDtypeStruct((_G, _H), jnp.int32),
            jax.ShapeDtypeStruct((_G, _H), jnp.int32),
        ],
    )(h)


def _head_mlp_body(xs_ref, xd_ref, w1_ref, b1_ref, w2_ref, b2_ref, o_ref):
    h = jnp.dot(xs_ref[...] * xd_ref[...], w1_ref[...],
                preferred_element_type=jnp.float32) + b1_ref[...]
    h = jnp.maximum(h, 0.0)
    o_ref[...] = jnp.dot(h, w2_ref[...],
                         preferred_element_type=jnp.float32) + b2_ref[...]


def _head_mlp(xs, xd, w1, b1, w2p, b2p):
    return pl.pallas_call(
        _head_mlp_body,
        out_shape=jax.ShapeDtypeStruct((_G, _H), jnp.float32),
    )(xs, xd, w1, b1, w2p, b2p)


def kernel(z, edge_index, batch, z_emb_table, Wl, bl, Wr,
           lin1_W, lin1_b, lin2_W, lin2_b):
    z = z.astype(jnp.int32)
    src = edge_index[0].astype(jnp.int32)
    dst = edge_index[1].astype(jnp.int32)
    batch = batch.astype(jnp.int32)

    npad = _EP - _E
    src_p = jnp.concatenate([src, jnp.zeros((npad,), jnp.int32)])
    src_p = src_p.reshape(_NW, _CPW, _CH)
    dst_p = jnp.concatenate([dst, jnp.full((npad,), _N, jnp.int32)])
    dst_p = dst_p.reshape(_NW, _CPW, _CH)
    z_p = jnp.concatenate([z, jnp.zeros((_NZP - _N,), jnp.int32)])
    batch_p = jnp.concatenate([batch, jnp.full((_NBP - _N,), _G, jnp.int32)])
    batch_p = batch_p.reshape(_NS, _BCW, _CH)

    zeros_h = jnp.zeros((_NACC, _H), jnp.float32)
    ones_h = jnp.ones((_CH, _H), jnp.float32)

    x0 = _zemb_gather(z_emb_table, z_p)
    y, r = _mm2(x0[:_N], Wl[0], Wr[0], bl[0].reshape(1, _H))

    dg, hist = _deg_hist(dst_p, batch_p, zeros_h, ones_h)
    cis, cid = _center_idx(hist)

    p = _segsum(y, src_p, dst_p, zeros_h)
    y, r = _combine_mm(p[0], p[1], dg[0], dg[1], r,
                       Wl[1], Wr[1], bl[1].reshape(1, _H))

    p = _segsum(y, src_p, dst_p, zeros_h)
    y, r = _combine_mm(p[0], p[1], dg[0], dg[1], r,
                       Wl[2], Wr[2], bl[2].reshape(1, _H))

    p = _segsum(y, src_p, dst_p, zeros_h)
    x3 = _final_combine(p[0], p[1], dg[0], dg[1], r)

    xs, xd = _center_gather(x3, cis[:, 0], cid[:, 0])
    w2p = jnp.pad(lin2_W, ((0, 0), (0, _H - 1)))
    b2p = jnp.pad(lin2_b, (0, _H - 1)).reshape(1, _H)
    outp = _head_mlp(xs, xd, lin1_W, lin1_b.reshape(1, _H), w2p, b2p)
    return outp[:, :1]

# --- scband reference (transcript-rebuilt; emitter-appended) ---
"""Pipeline reference for scband-sage-7516192768895 (READ-ONLY COPY).

The authoritative reference and input builder live on the scoring server;
editing this copy changes nothing except your own understanding.
"""

import jax, jax.numpy as jnp
import numpy as np

N = 10000
E = 320000
H = 128
MAX_Z = 1000
NUM_LAYERS = 3
NUM_GRAPHS = 256


def setup_inputs(seed: int = 0) -> dict:
    key = jax.random.key(seed)
    ks = jax.random.split(key, 12)
    scale = 0.05
    z = jax.random.randint(ks[0], (N,), 0, MAX_Z, dtype=jnp.int64)
    edge_index = jax.random.randint(ks[1], (2, E), 0, N, dtype=jnp.int64)
    batch = jnp.sort(jax.random.randint(ks[2], (N,), 0, NUM_GRAPHS, dtype=jnp.int64))
    z_emb_table = jax.random.normal(ks[3], (MAX_Z, H), dtype=jnp.float32) * scale
    # SAGEConv layers: lin_l (with bias) applied to mean-aggregated neighbors, lin_r (no bias) to root
    Wl = jax.random.normal(ks[4], (NUM_LAYERS, H, H), dtype=jnp.float32) * scale
    bl = jnp.zeros((NUM_LAYERS, H), dtype=jnp.float32)
    Wr = jax.random.normal(ks[5], (NUM_LAYERS, H, H), dtype=jnp.float32) * scale
    lin1_W = jax.random.normal(ks[6], (H, H), dtype=jnp.float32) * scale
    lin1_b = jnp.zeros((H,), dtype=jnp.float32)
    lin2_W = jax.random.normal(ks[7], (H, 1), dtype=jnp.float32) * scale
    lin2_b = jnp.zeros((1,), dtype=jnp.float32)
    return {
        'z': z, 'edge_index': edge_index, 'batch': batch,
        'z_emb_table': z_emb_table, 'Wl': Wl, 'bl': bl, 'Wr': Wr,
        'lin1_W': lin1_W, 'lin1_b': lin1_b, 'lin2_W': lin2_W, 'lin2_b': lin2_b,
    }


def _sage_conv(x, src, dst, Wl_i, bl_i, Wr_i):
    # PyG SAGEConv with mean aggregation:
    # out = lin_l(mean_{j in N(i)} x_j) + lin_r(x_i)
    msg = x[src]                                   # gather [E, H]
    agg = jax.ops.segment_sum(msg, dst, num_segments=N)
    deg = jax.ops.segment_sum(jnp.ones((E,), x.dtype), dst, num_segments=N)
    agg = agg / jnp.maximum(deg, 1.0)[:, None]
    return agg @ Wl_i + bl_i + x @ Wr_i


def reference(z, edge_index, batch, z_emb_table, Wl, bl, Wr, lin1_W, lin1_b, lin2_W, lin2_b):
    # z_embedding lookup (z is 1-D -> z_emb is 2-D, no sum over dim 1)
    x = jnp.take(z_emb_table, z, axis=0)
    src = edge_index[0]
    dst = edge_index[1]
    for i in range(NUM_LAYERS):
        x = _sage_conv(x, src, dst, Wl[i], bl[i], Wr[i])
        if i < NUM_LAYERS - 1:
            x = jax.nn.relu(x)
            # dropout is identity in eval mode
    # center node pooling: first occurrence index of each graph id in sorted batch
    center_indices = jnp.searchsorted(batch, jnp.arange(NUM_GRAPHS, dtype=batch.dtype), side='left')
    x_src = x[center_indices]
    x_dst = x[center_indices + 1]
    h = x_src * x_dst
    h = jax.nn.relu(h @ lin1_W + lin1_b)
    out = h @ lin2_W + lin2_b
    return out

if __name__ == "__main__":
    import jax
    _d = setup_inputs()
    print(jax.jit(kernel)(*tuple(_d.values())))

</pallas_src>

<mosaic_0001>
#map = affine_map<(d0, d1) -> (0, 0)>
#map1 = affine_map<(d0, d1) -> (0)>
module attributes {stable_mosaic.version = 14 : i64} {
  func.func @_zemb_gather(%arg0: i32, %arg1: i32, %arg2: memref<1000x128xf32, #tpu.memory_space<hbm>>, %arg3: memref<10240xi32, #tpu.memory_space<hbm>>, %arg4: memref<10240x128xf32, #tpu.memory_space<hbm>>, %arg5: memref<64xi32, #tpu.memory_space<vmem>>, %arg6: memref<64x128xf32, #tpu.memory_space<vmem>>, %arg7: memref<!tpu.dma_semaphore, #tpu.memory_space<semaphore_mem>>) attributes {dimension_semantics = [#tpu.dimension_semantics<core_parallel>, #tpu.dimension_semantics<subcore_parallel>], iteration_bounds = array<i64: 2, 16>, scalar_prefetch = 0 : i64, scratch_operands = 3 : i64, tpu.core_type = #tpu.core_type<sc_vector_subcore>, window_params = [{transform_indices = #map}, {transform_indices = #map1}, {transform_indices = #map}]} {
    %mul3A = arith.constant 16 : i32
    %mul3A_0 = arith.muli %arg0, %mul3A : i32
    %add3A = arith.addi %mul3A_0, %arg1 : i32
    %mul3A_1 = arith.constant 320 : i32
    %mul3A_2 = arith.muli %add3A, %mul3A_1 : i32
    %scan3A = arith.constant 0 : i32
    %scan3A_3 = arith.constant 0 : i32
    %scan3A_4 = arith.constant 5 : i32
    %scan3A_5 = arith.addi %scan3A_3, %scan3A_4 : i32
    %scan3A_6 = arith.constant 1 : i32
    scf.for %scan3A_8 = %scan3A_3 to %scan3A_5 step %scan3A_6  : i32 {
      %mul3A_9 = arith.constant 64 : i32
      %mul3A_10 = arith.muli %scan3A_8, %mul3A_9 : i32
      %add3A_11 = arith.addi %mul3A_2, %mul3A_10 : i32
      "tpu.region"() ({
        %run_scoped3A = tpu.sem_alloc : memref<!tpu.dma_semaphore, #tpu.memory_space<semaphore_mem>>
        %dma_start3A_16 = tpu.memref_slice %arg3[%add3A_11] : memref<10240xi32, #tpu.memory_space<hbm>> -> memref<64xi32, #tpu.memory_space<hbm>>
        %dma_start3A_17 = tpu.memref_slice %arg3[%add3A_11] : memref<10240xi32, #tpu.memory_space<hbm>> -> memref<64xi32, #tpu.memory_space<hbm>>
        tpu.enqueue_dma source(%dma_start3A_17 : memref<64xi32, #tpu.memory_space<hbm>>) target(%arg5 : memref<64xi32, #tpu.memory_space<vmem>>) target_semaphore(%run_scoped3A : memref<!tpu.dma_semaphore, #tpu.memory_space<semaphore_mem>>)
        %dma_wait3A_18 = tpu.memref_slice %arg3[%add3A_11] : memref<10240xi32, #tpu.memory_space<hbm>> -> memref<64xi32, #tpu.memory_space<hbm>>
        %dma_wait3A_19 = tpu.memref_slice %arg3[%add3A_11] : memref<10240xi32, #tpu.memory_space<hbm>> -> memref<64xi32, #tpu.memory_space<hbm>>
        tpu.wait_dma2 semaphore(%run_scoped3A : memref<!tpu.dma_semaphore, #tpu.memory_space<semaphore_mem>>) src(%dma_wait3A_19 : memref<64xi32, #tpu.memory_space<hbm>>) dst(%arg5 : memref<64xi32, #tpu.memory_space<vmem>>)
        tpu.yield
      }) : () -> ()
      %dma_start3A = arith.constant 0 : i32
      %dma_start3A_12 = arith.constant 0 : i32
      %dma_start3A_13 = tpu.memref_slice %arg2[%dma_start3A, %dma_start3A_12] : memref<1000x128xf32, #tpu.memory_space<hbm>> -> memref<1000x128xf32, #tpu.memory_space<hbm>>
      tpu.enqueue_indirect_dma source(%dma_start3A_13 : memref<1000x128xf32, #tpu.memory_space<hbm>>) target(%arg6 : memref<64x128xf32, #tpu.memory_space<vmem>>) offsets(%arg5 : memref<64xi32, #tpu.memory_space<vmem>>) semaphore(%arg7 : memref<!tpu.dma_semaphore, #tpu.memory_space<semaphore_mem>>)
      %dma_wait3A = arith.constant 0 : i32
      %dma_wait3A_14 = arith.constant 0 : i32
      %dma_wait3A_15 = tpu.memref_slice %arg2[%dma_wait3A, %dma_wait3A_14] : memref<1000x128xf32, #tpu.memory_space<hbm>> -> memref<1000x128xf32, #tpu.memory_space<hbm>>
      tpu.wait_indirect_dma semaphore(%arg7 : memref<!tpu.dma_semaphore, #tpu.memory_space<semaphore_mem>>) src(%dma_wait3A_15 : memref<1000x128xf32, #tpu.memory_space<hbm>>) dst(%arg6 : memref<64x128xf32, #tpu.memory_space<vmem>>)
      "tpu.region"() ({
        %run_scoped3A = tpu.sem_alloc : memref<!tpu.dma_semaphore, #tpu.memory_space<semaphore_mem>>
        %dma_start3A_16 = arith.constant 0 : i32
        %dma_start3A_17 = tpu.memref_slice %arg4[%add3A_11, %dma_start3A_16] : memref<10240x128xf32, #tpu.memory_space<hbm>> -> memref<64x128xf32, #tpu.memory_space<hbm>>
        %dma_start3A_18 = arith.constant 0 : i32
        %dma_start3A_19 = tpu.memref_slice %arg4[%add3A_11, %dma_start3A_18] : memref<10240x128xf32, #tpu.memory_space<hbm>> -> memref<64x128xf32, #tpu.memory_space<hbm>>
        tpu.enqueue_dma source(%arg6 : memref<64x128xf32, #tpu.memory_space<vmem>>) target(%dma_start3A_19 : memref<64x128xf32, #tpu.memory_space<hbm>>) target_semaphore(%run_scoped3A : memref<!tpu.dma_semaphore, #tpu.memory_space<semaphore_mem>>)
        %dma_wait3A_20 = arith.constant 0 : i32
        %dma_wait3A_21 = tpu.memref_slice %arg4[%add3A_11, %dma_wait3A_20] : memref<10240x128xf32, #tpu.memory_space<hbm>> -> memref<64x128xf32, #tpu.memory_space<hbm>>
        %dma_wait3A_22 = arith.constant 0 : i32
        %dma_wait3A_23 = tpu.memref_slice %arg4[%add3A_11, %dma_wait3A_22] : memref<10240x128xf32, #tpu.memory_space<hbm>> -> memref<64x128xf32, #tpu.memory_space<hbm>>
        tpu.wait_dma2 semaphore(%run_scoped3A : memref<!tpu.dma_semaphore, #tpu.memory_space<semaphore_mem>>) src(%arg6 : memref<64x128xf32, #tpu.memory_space<vmem>>) dst(%dma_wait3A_23 : memref<64x128xf32, #tpu.memory_space<hbm>>)
        tpu.yield
      }) : () -> ()
    }
    %scan3A_7 = arith.constant 5 : i32
    return
  }
}

#map = affine_map<(d0, d1) -> (0, 0, 0)>
#map1 = affine_map<(d0, d1) -> (0, 0)>
module attributes {stable_mosaic.version = 14 : i64} {
  func.func @_deg_hist(%arg0: i32, %arg1: i32, %arg2: memref<32x79x128xi32, #tpu.memory_space<hbm>>, %arg3: memref<16x5x128xi32, #tpu.memory_space<hbm>>, %arg4: memref<10112x128xf32, #tpu.memory_space<hbm>>, %arg5: memref<128x128xf32, #tpu.memory_space<hbm>>, %arg6: memref<2x10112x128xf32, #tpu.memory_space<hbm>>, %arg7: memref<256x128xf32, #tpu.memory_space<hbm>>, %arg8: memref<40x128xi32, #tpu.memory_space<vmem>>, %arg9: memref<5x128xi32, #tpu.memory_space<vmem>>, %arg10: memref<128x128xf32, #tpu.memory_space<vmem>>, %arg11: memref<10112x128xf32, #tpu.memory_space<vmem_shared>>, %arg12: memref<384x128xf32, #tpu.memory_space<vmem_shared>>) attributes {dimension_semantics = [#tpu.dimension_semantics<core_parallel>, #tpu.dimension_semantics<subcore_parallel>], iteration_bounds = array<i64: 2, 16>, scalar_prefetch = 0 : i64, scratch_operands = 5 : i64, tpu.core_type = #tpu.core_type<sc_vector_subcore>, window_params = [{transform_indices = #map}, {transform_indices = #map}, {transform_indices = #map1}, {transform_indices = #map1}, {transform_indices = #map}, {transform_indices = #map1}]} {
    %mul3A = arith.constant 16 : i32
    %mul3A_0 = arith.muli %arg0, %mul3A : i32
    %add3A = arith.addi %mul3A_0, %arg1 : i32
    %mul3A_1 = arith.constant 632 : i32
    %mul3A_2 = arith.muli %arg1, %mul3A_1 : i32
    %mul3A_3 = arith.constant 632 : i32
    %mul3A_4 = arith.muli %arg1, %mul3A_3 : i32
    "tpu.region"() ({
      %run_scoped3A = tpu.sem_alloc : memref<!tpu.dma_semaphore, #tpu.memory_space<semaphore_mem>>
      %dma_start3A = arith.constant 0 : i32
      %dma_start3A_33 = tpu.memref_slice %arg11[%mul3A_4, %dma_start3A] : memref<10112x128xf32, #tpu.memory_space<vmem_shared>> -> memref<632x128xf32, #tpu.memory_space<vmem_shared>>
      %dma_start3A_34 = arith.constant 0 : i32
      %dma_start3A_35 = tpu.memref_slice %arg4[%mul3A_2, %dma_start3A_34] : memref<10112x128xf32, #tpu.memory_space<hbm>> -> memref<632x128xf32, #tpu.memory_space<hbm>>
      tpu.enqueue_dma source(%dma_start3A_35 : memref<632x128xf32, #tpu.memory_space<hbm>>) target(%dma_start3A_33 : memref<632x128xf32, #tpu.memory_space<vmem_shared>>) target_semaphore(%run_scoped3A : memref<!tpu.dma_semaphore, #tpu.memory_space<semaphore_mem>>)
      %dma_wait3A = arith.constant 0 : i32
      %dma_wait3A_36 = tpu.memref_slice %arg11[%mul3A_4, %dma_wait3A] : memref<10112x128xf32, #tpu.memory_space<vmem_shared>> -> memref<632x128xf32, #tpu.memory_space<vmem_shared>>
      %dma_wait3A_37 = arith.constant 0 : i32
      %dma_wait3A_38 = tpu.memref_slice %arg4[%mul3A_2, %dma_wait3A_37] : memref<10112x128xf32, #tpu.memory_space<hbm>> -> memref<632x128xf32, #tpu.memory_space<hbm>>
      tpu.wait_dma2 semaphore(%run_scoped3A : memref<!tpu.dma_semaphore, #tpu.memory_space<semaphore_mem>>) src(%dma_wait3A_38 : memref<632x128xf32, #tpu.memory_space<hbm>>) dst(%dma_wait3A_36 : memref<632x128xf32, #tpu.memory_space<vmem_shared>>)
      tpu.yield
    }) : () -> ()
    "tpu.region"() ({
      %run_scoped3A = tpu.sem_alloc : memref<!tpu.dma_semaphore, #tpu.memory_space<semaphore_mem>>
      tpu.enqueue_dma source(%arg5 : memref<128x128xf32, #tpu.memory_space<hbm>>) target(%arg10 : memref<128x128xf32, #tpu.memory_space<vmem>>) target_semaphore(%run_scoped3A : memref<!tpu.dma_semaphore, #tpu.memory_space<semaphore_mem>>)
      tpu.wait_dma2 semaphore(%run_scoped3A : memref<!tpu.dma_semaphore, #tpu.memory_space<semaphore_mem>>) src(%arg5 : memref<128x128xf32, #tpu.memory_space<hbm>>) dst(%arg10 : memref<128x128xf32, #tpu.memory_space<vmem>>)
      tpu.yield
    }) : () -> ()
    %eq3A = arith.constant 0 : i32
    %eq3A_5 = arith.cmpi eq, %arg0, %eq3A : i32
    %convert_element_type3A = arith.extui %eq3A_5 : i1 to i32
    %cond3A = arith.constant 0 : i32
    %cond3A_6 = arith.cmpi ne, %convert_element_type3A, %cond3A : i32
    scf.if %cond3A_6 {
      %mul3A_33 = arith.constant 24 : i32
      %mul3A_34 = arith.muli %arg1, %mul3A_33 : i32
      %mul3A_35 = arith.constant 24 : i32
      %mul3A_36 = arith.muli %arg1, %mul3A_35 : i32
      "tpu.region"() ({
        %run_scoped3A = tpu.sem_alloc : memref<!tpu.dma_semaphore, #tpu.memory_space<semaphore_mem>>
        %dma_start3A = arith.constant 0 : i32
        %dma_start3A_37 = tpu.memref_slice %arg12[%mul3A_36, %dma_start3A] : memref<384x128xf32, #tpu.memory_space<vmem_shared>> -> memref<24x128xf32, #tpu.memory_space<vmem_shared>>
        %dma_start3A_38 = arith.constant 0 : i32
        %dma_start3A_39 = tpu.memref_slice %arg4[%mul3A_34, %dma_start3A_38] : memref<10112x128xf32, #tpu.memory_space<hbm>> -> memref<24x128xf32, #tpu.memory_space<hbm>>
        tpu.enqueue_dma source(%dma_start3A_39 : memref<24x128xf32, #tpu.memory_space<hbm>>) target(%dma_start3A_37 : memref<24x128xf32, #tpu.memory_space<vmem_shared>>) target_semaphore(%run_scoped3A : memref<!tpu.dma_semaphore, #tpu.memory_space<semaphore_mem>>)
        %dma_wait3A = arith.constant 0 : i32
        %dma_wait3A_40 = tpu.memref_slice %arg12[%mul3A_36, %dma_wait3A] : memref<384x128xf32, #tpu.memory_space<vmem_shared>> -> memref<24x128xf32, #tpu.memory_space<vmem_shared>>
        %dma_wait3A_41 = arith.constant 0 : i32
        %dma_wait3A_42 = tpu.memref_slice %arg4[%mul3A_34, %dma_wait3A_41] : memref<10112x128xf32, #tpu.memory_space<hbm>> -> memref<24x128xf32, #tpu.memory_space<hbm>>
        tpu.wait_dma2 semaphore(%run_scoped3A : memref<!tpu.dma_semaphore, #tpu.memory_space<semaphore_mem>>) src(%dma_wait3A_42 : memref<24x128xf32, #tpu.memory_space<hbm>>) dst(%dma_wait3A_40 : memref<24x128xf32, #tpu.memory_space<vmem_shared>>)
        tpu.yield
      }) : () -> ()
    } else {
    }
    %barrier3A = arith.constant 0 : index
    tpu.barrier barrier_id(%barrier3A)
    "tpu.region"() ({
      %run_scoped3A = tpu.sem_alloc : memref<!tpu.dma_semaphore, #tpu.memory_space<semaphore_mem>>
      %dma_start3A = arith.constant 0 : i32
      %dma_start3A_33 = arith.constant 0 : i32
      %dma_start3A_34 = tpu.memref_slice %arg8[%dma_start3A, %dma_start3A_33] : memref<40x128xi32, #tpu.memory_space<vmem>> -> memref<40x128xi32, #tpu.memory_space<vmem>>
      %dma_start3A_35 = arith.constant 0 : i32
      %dma_start3A_36 = arith.constant 0 : i32
      %dma_start3A_37 = tpu.memref_slice %arg2[%add3A, %dma_start3A_35, %dma_start3A_36] : memref<32x79x128xi32, #tpu.memory_space<hbm>> -> memref<1x40x128xi32, #tpu.memory_space<hbm>>
      %dma_start3A_38 = tpu.memref_squeeze %dma_start3A_37 : memref<1x40x128xi32, #tpu.memory_space<hbm>> -> memref<40x128xi32, #tpu.memory_space<hbm>>
      %dma_start3A_39 = arith.constant 0 : i32
      %dma_start3A_40 = arith.constant 0 : i32
      %dma_start3A_41 = tpu.memref_slice %arg8[%dma_start3A_39, %dma_start3A_40] : memref<40x128xi32, #tpu.memory_space<vmem>> -> memref<40x128xi32, #tpu.memory_space<vmem>>
      %dma_start3A_42 = arith.constant 0 : i32
      %dma_start3A_43 = arith.constant 0 : i32
      %dma_start3A_44 = tpu.memref_slice %arg2[%add3A, %dma_start3A_42, %dma_start3A_43] : memref<32x79x128xi32, #tpu.memory_space<hbm>> -> memref<1x40x128xi32, #tpu.memory_space<hbm>>
      %dma_start3A_45 = tpu.memref_squeeze %dma_start3A_44 : memref<1x40x128xi32, #tpu.memory_space<hbm>> -> memref<40x128xi32, #tpu.memory_space<hbm>>
      tpu.enqueue_dma source(%dma_start3A_45 : memref<40x128xi32, #tpu.memory_space<hbm>>) target(%dma_start3A_41 : memref<40x128xi32, #tpu.memory_space<vmem>>) target_semaphore(%run_scoped3A : memref<!tpu.dma_semaphore, #tpu.memory_space<semaphore_mem>>)
      %dma_wait3A = arith.constant 0 : i32
      %dma_wait3A_46 = arith.constant 0 : i32
      %dma_wait3A_47 = tpu.memref_slice %arg8[%dma_wait3A, %dma_wait3A_46] : memref<40x128xi32, #tpu.memory_space<vmem>> -> memref<40x128xi32, #tpu.memory_space<vmem>>
      %dma_wait3A_48 = arith.constant 0 : i32
      %dma_wait3A_49 = arith.constant 0 : i32
      %dma_wait3A_50 = tpu.memref_slice %arg2[%add3A, %dma_wait3A_48, %dma_wait3A_49] : memref<32x79x128xi32, #tpu.memory_space<hbm>> -> memref<1x40x128xi32, #tpu.memory_space<hbm>>
      %dma_wait3A_51 = tpu.memref_squeeze %dma_wait3A_50 : memref<1x40x128xi32, #tpu.memory_space<hbm>> -> memref<40x128xi32, #tpu.memory_space<hbm>>
      %dma_wait3A_52 = arith.constant 0 : i32
      %dma_wait3A_53 = arith.constant 0 : i32
      %dma_wait3A_54 = tpu.memref_slice %arg8[%dma_wait3A_52, %dma_wait3A_53] : memref<40x128xi32, #tpu.memory_space<vmem>> -> memref<40x128xi32, #tpu.memory_space<vmem>>
      %dma_wait3A_55 = arith.constant 0 : i32
      %dma_wait3A_56 = arith.constant 0 : i32
      %dma_wait3A_57 = tpu.memref_slice %arg2[%add3A, %dma_wait3A_55, %dma_wait3A_56] : memref<32x79x128xi32, #tpu.memory_space<hbm>> -> memref<1x40x128xi32, #tpu.memory_space<hbm>>
      %dma_wait3A_58 = tpu.memref_squeeze %dma_wait3A_57 : memref<1x40x128xi32, #tpu.memory_space<hbm>> -> memref<40x128xi32, #tpu.memory_space<hbm>>
      tpu.wait_dma2 semaphore(%run_scoped3A : memref<!tpu.dma_semaphore, #tpu.memory_space<semaphore_mem>>) src(%dma_wait3A_58 : memref<40x128xi32, #tpu.memory_space<hbm>>) dst(%dma_wait3A_54 : memref<40x128xi32, #tpu.memory_space<vmem>>)
      tpu.yield
    }) : () -> ()
    %scan3A = arith.constant 0 : i32
    %scan3A_7 = arith.constant 0 : i32
    %scan3A_8 = arith.constant 40 : i32
    %scan3A_9 = arith.addi %scan3A_7, %scan3A_8 : i32
    %scan3A_10 = arith.constant 1 : i32
    scf.for %scan3A_33 = %scan3A_7 to %scan3A_9 step %scan3A_10  : i32 {
      "tpu.region"() ({
        %run_scoped3A = tpu.sem_alloc : memref<!tpu.dma_semaphore, #tpu.memory_space<semaphore_mem>>
        %dma_start3A = arith.constant 0 : i32
        %dma_start3A_34 = tpu.memref_slice %arg8[%scan3A_33, %dma_start3A] : memref<40x128xi32, #tpu.memory_space<vmem>> -> memref<1x128xi32, #tpu.memory_space<vmem>>
        %dma_start3A_35 = tpu.memref_squeeze %dma_start3A_34 : memref<1x128xi32, #tpu.memory_space<vmem>> -> memref<128xi32, #tpu.memory_space<vmem>>
        %dma_start3A_36 = arith.constant 0 : i32
        %dma_start3A_37 = arith.constant 0 : i32
        %dma_start3A_38 = tpu.memref_slice %arg11[%dma_start3A_36, %dma_start3A_37] : memref<10112x128xf32, #tpu.memory_space<vmem_shared>> -> memref<10112x128xf32, #tpu.memory_space<vmem_shared>>
        tpu.enqueue_indirect_dma source(%arg10 : memref<128x128xf32, #tpu.memory_space<vmem>>) target(%dma_start3A_38 : memref<10112x128xf32, #tpu.memory_space<vmem_shared>>) offsets(%dma_start3A_35 : memref<128xi32, #tpu.memory_space<vmem>>) semaphore(%run_scoped3A : memref<!tpu.dma_semaphore, #tpu.memory_space<semaphore_mem>>) {add = true}
        %dma_wait3A = arith.constant 0 : i32
        %dma_wait3A_39 = tpu.memref_slice %arg8[%scan3A_33, %dma_wait3A] : memref<40x128xi32, #tpu.memory_space<vmem>> -> memref<1x128xi32, #tpu.memory_space<vmem>>
        %dma_wait3A_40 = tpu.memref_squeeze %dma_wait3A_39 : memref<1x128xi32, #tpu.memory_space<vmem>> -> memref<128xi32, #tpu.memory_space<vmem>>
        %dma_wait3A_41 = arith.constant 0 : i32
        %dma_wait3A_42 = arith.constant 0 : i32
        %dma_wait3A_43 = tpu.memref_slice %arg11[%dma_wait3A_41, %dma_wait3A_42] : memref<10112x128xf32, #tpu.memory_space<vmem_shared>> -> memref<10112x128xf32, #tpu.memory_space<vmem_shared>>
        tpu.wait_indirect_dma semaphore(%run_scoped3A : memref<!tpu.dma_semaphore, #tpu.memory_space<semaphore_mem>>) src(%arg10 : memref<128x128xf32, #tpu.memory_space<vmem>>) dst(%dma_wait3A_43 : memref<10112x128xf32, #tpu.memory_space<vmem_shared>>)
        tpu.yield
      }) : () -> ()
    }
    %scan3A_11 = arith.constant 40 : i32
    "tpu.region"() ({
      %run_scoped3A = tpu.sem_alloc : memref<!tpu.dma_semaphore, #tpu.memory_space<semaphore_mem>>
      %dma_start3A = arith.constant 0 : i32
      %dma_start3A_33 = arith.constant 0 : i32
      %dma_start3A_34 = tpu.memref_slice %arg8[%dma_start3A, %dma_start3A_33] : memref<40x128xi32, #tpu.memory_space<vmem>> -> memref<39x128xi32, #tpu.memory_space<vmem>>
      %dma_start3A_35 = arith.constant 40 : i32
      %dma_start3A_36 = arith.constant 0 : i32
      %dma_start3A_37 = tpu.memref_slice %arg2[%add3A, %dma_start3A_35, %dma_start3A_36] : memref<32x79x128xi32, #tpu.memory_space<hbm>> -> memref<1x39x128xi32, #tpu.memory_space<hbm>>
      %dma_start3A_38 = tpu.memref_squeeze %dma_start3A_37 : memref<1x39x128xi32, #tpu.memory_space<hbm>> -> memref<39x128xi32, #tpu.memory_space<hbm>>
      %dma_start3A_39 = arith.constant 0 : i32
      %dma_start3A_40 = arith.constant 0 : i32
      %dma_start3A_41 = tpu.memref_slice %arg8[%dma_start3A_39, %dma_start3A_40] : memref<40x128xi32, #tpu.memory_space<vmem>> -> memref<39x128xi32, #tpu.memory_space<vmem>>
      %dma_start3A_42 = arith.constant 40 : i32
      %dma_start3A_43 = arith.constant 0 : i32
      %dma_start3A_44 = tpu.memref_slice %arg2[%add3A, %dma_start3A_42, %dma_start3A_43] : memref<32x79x128xi32, #tpu.memory_space<hbm>> -> memref<1x39x128xi32, #tpu.memory_space<hbm>>
      %dma_start3A_45 = tpu.memref_squeeze %dma_start3A_44 : memref<1x39x128xi32, #tpu.memory_space<hbm>> -> memref<39x128xi32, #tpu.memory_space<hbm>>
      tpu.enqueue_dma source(%dma_start3A_45 : memref<39x128xi32, #tpu.memory_space<hbm>>) target(%dma_start3A_41 : memref<39x128xi32, #tpu.memory_space<vmem>>) target_semaphore(%run_scoped3A : memref<!tpu.dma_semaphore, #tpu.memory_space<semaphore_mem>>)
      %dma_wait3A = arith.constant 0 : i32
      %dma_wait3A_46 = arith.constant 0 : i32
      %dma_wait3A_47 = tpu.memref_slice %arg8[%dma_wait3A, %dma_wait3A_46] : memref<40x128xi32, #tpu.memory_space<vmem>> -> memref<39x128xi32, #tpu.memory_space<vmem>>
      %dma_wait3A_48 = arith.constant 40 : i32
      %dma_wait3A_49 = arith.constant 0 : i32
      %dma_wait3A_50 = tpu.memref_slice %arg2[%add3A, %dma_wait3A_48, %dma_wait3A_49] : memref<32x79x128xi32, #tpu.memory_space<hbm>> -> memref<1x39x128xi32, #tpu.memory_space<hbm>>
      %dma_wait3A_51 = tpu.memref_squeeze %dma_wait3A_50 : memref<1x39x128xi32, #tpu.memory_space<hbm>> -> memref<39x128xi32, #tpu.memory_space<hbm>>
      %dma_wait3A_52 = arith.constant 0 : i32
      %dma_wait3A_53 = arith.constant 0 : i32
      %dma_wait3A_54 = tpu.memref_slice %arg8[%dma_wait3A_52, %dma_wait3A_53] : memref<40x128xi32, #tpu.memory_space<vmem>> -> memref<39x128xi32, #tpu.memory_space<vmem>>
      %dma_wait3A_55 = arith.constant 40 : i32
      %dma_wait3A_56 = arith.constant 0 : i32
      %dma_wait3A_57 = tpu.memref_slice %arg2[%add3A, %dma_wait3A_55, %dma_wait3A_56] : memref<32x79x128xi32, #tpu.memory_space<hbm>> -> memref<1x39x128xi32, #tpu.memory_space<hbm>>
      %dma_wait3A_58 = tpu.memref_squeeze %dma_wait3A_57 : memref<1x39x128xi32, #tpu.memory_space<hbm>> -> memref<39x128xi32, #tpu.memory_space<hbm>>
      tpu.wait_dma2 semaphore(%run_scoped3A : memref<!tpu.dma_semaphore, #tpu.memory_space<semaphore_mem>>) src(%dma_wait3A_58 : memref<39x128xi32, #tpu.memory_space<hbm>>) dst(%dma_wait3A_54 : memref<39x128xi32, #tpu.memory_space<vmem>>)
      tpu.yield
    }) : () -> ()
    %scan3A_12 = arith.constant 0 : i32
    %scan3A_13 = arith.constant 0 : i32
    %scan3A_14 = arith.constant 39 : i32
    %scan3A_15 = arith.addi %scan3A_13, %scan3A_14 : i32
    %scan3A_16 = arith.constant 1 : i32
    scf.for %scan3A_33 = %scan3A_13 to %scan3A_15 step %scan3A_16  : i32 {
      "tpu.region"() ({
        %run_scoped3A = tpu.sem_alloc : memref<!tpu.dma_semaphore, #tpu.memory_space<semaphore_mem>>
        %dma_start3A = arith.constant 0 : i32
        %dma_start3A_34 = tpu.memref_slice %arg8[%scan3A_33, %dma_start3A] : memref<40x128xi32, #tpu.memory_space<vmem>> -> memref<1x128xi32, #tpu.memory_space<vmem>>
        %dma_start3A_35 = tpu.memref_squeeze %dma_start3A_34 : memref<1x128xi32, #tpu.memory_space<vmem>> -> memref<128xi32, #tpu.memory_space<vmem>>
        %dma_start3A_36 = arith.constant 0 : i32
        %dma_start3A_37 = arith.constant 0 : i32
        %dma_start3A_38 = tpu.memref_slice %arg11[%dma_start3A_36, %dma_start3A_37] : memref<10112x128xf32, #tpu.memory_space<vmem_shared>> -> memref<10112x128xf32, #tpu.memory_space<vmem_shared>>
        tpu.enqueue_indirect_dma source(%arg10 : memref<128x128xf32, #tpu.memory_space<vmem>>) target(%dma_start3A_38 : memref<10112x128xf32, #tpu.memory_space<vmem_shared>>) offsets(%dma_start3A_35 : memref<128xi32, #tpu.memory_space<vmem>>) semaphore(%run_scoped3A : memref<!tpu.dma_semaphore, #tpu.memory_space<semaphore_mem>>) {add = true}
        %dma_wait3A = arith.constant 0 : i32
        %dma_wait3A_39 = tpu.memref_slice %arg8[%scan3A_33, %dma_wait3A] : memref<40x128xi32, #tpu.memory_space<vmem>> -> memref<1x128xi32, #tpu.memory_space<vmem>>
        %dma_wait3A_40 = tpu.memref_squeeze %dma_wait3A_39 : memref<1x128xi32, #tpu.memory_space<vmem>> -> memref<128xi32, #tpu.memory_space<vmem>>
        %dma_wait3A_41 = arith.constant 0 : i32
        %dma_wait3A_42 = arith.constant 0 : i32
        %dma_wait3A_43 = tpu.memref_slice %arg11[%dma_wait3A_41, %dma_wait3A_42] : memref<10112x128xf32, #tpu.memory_space<vmem_shared>> -> memref<10112x128xf32, #tpu.memory_space<vmem_shared>>
        tpu.wait_indirect_dma semaphore(%run_scoped3A : memref<!tpu.dma_semaphore, #tpu.memory_space<semaphore_mem>>) src(%arg10 : memref<128x128xf32, #tpu.memory_space<vmem>>) dst(%dma_wait3A_43 : memref<10112x128xf32, #tpu.memory_space<vmem_shared>>)
        tpu.yield
      }) : () -> ()
    }
    %scan3A_17 = arith.constant 39 : i32
    %eq3A_18 = arith.constant 0 : i32
    %eq3A_19 = arith.cmpi eq, %arg0, %eq3A_18 : i32
    %convert_element_type3A_20 = arith.extui %eq3A_19 : i1 to i32
    %cond3A_21 = arith.constant 0 : i32
    %cond3A_22 = arith.cmpi ne, %convert_element_type3A_20, %cond3A_21 : i32
    scf.if %cond3A_22 {
      "tpu.region"() ({
        %run_scoped3A = tpu.sem_alloc : memref<!tpu.dma_semaphore, #tpu.memory_space<semaphore_mem>>
        %dma_start3A = arith.constant 0 : i32
        %dma_start3A_39 = arith.constant 0 : i32
        %dma_start3A_40 = tpu.memref_slice %arg3[%arg1, %dma_start3A, %dma_start3A_39] : memref<16x5x128xi32, #tpu.memory_space<hbm>> -> memref<1x5x128xi32, #tpu.memory_space<hbm>>
        %dma_start3A_41 = tpu.memref_squeeze %dma_start3A_40 : memref<1x5x128xi32, #tpu.memory_space<hbm>> -> memref<5x128xi32, #tpu.memory_space<hbm>>
        %dma_start3A_42 = arith.constant 0 : i32
        %dma_start3A_43 = arith.constant 0 : i32
        %dma_start3A_44 = tpu.memref_slice %arg3[%arg1, %dma_start3A_42, %dma_start3A_43] : memref<16x5x128xi32, #tpu.memory_space<hbm>> -> memref<1x5x128xi32, #tpu.memory_space<hbm>>
        %dma_start3A_45 = tpu.memref_squeeze %dma_start3A_44 : memref<1x5x128xi32, #tpu.memory_space<hbm>> -> memref<5x128xi32, #tpu.memory_space<hbm>>
        tpu.enqueue_dma source(%dma_start3A_45 : memref<5x128xi32, #tpu.memory_space<hbm>>) target(%arg9 : memref<5x128xi32, #tpu.memory_space<vmem>>) target_semaphore(%run_scoped3A : memref<!tpu.dma_semaphore, #tpu.memory_space<semaphore_mem>>)
        %dma_wait3A = arith.constant 0 : i32
        %dma_wait3A_46 = arith.constant 0 : i32
        %dma_wait3A_47 = tpu.memref_slice %arg3[%arg1, %dma_wait3A, %dma_wait3A_46] : memref<16x5x128xi32, #tpu.memory_space<hbm>> -> memref<1x5x128xi32, #tpu.memory_space<hbm>>
        %dma_wait3A_48 = tpu.memref_squeeze %dma_wait3A_47 : memref<1x5x128xi32, #tpu.memory_space<hbm>> -> memref<5x128xi32, #tpu.memory_space<hbm>>
        %dma_wait3A_49 = arith.constant 0 : i32
        %dma_wait3A_50 = arith.constant 0 : i32
        %dma_wait3A_51 = tpu.memref_slice %arg3[%arg1, %dma_wait3A_49, %dma_wait3A_50] : memref<16x5x128xi32, #tpu.memory_space<hbm>> -> memref<1x5x128xi32, #tpu.memory_space<hbm>>
        %dma_wait3A_52 = tpu.memref_squeeze %dma_wait3A_51 : memref<1x5x128xi32, #tpu.memory_space<hbm>> -> memref<5x128xi32, #tpu.memory_space<hbm>>
        tpu.wait_dma2 semaphore(%run_scoped3A : memref<!tpu.dma_semaphore, #tpu.memory_space<semaphore_mem>>) src(%dma_wait3A_52 : memref<5x128xi32, #tpu.memory_space<hbm>>) dst(%arg9 : memref<5x128xi32, #tpu.memory_space<vmem>>)
        tpu.yield
      }) : () -> ()
      %scan3A_33 = arith.constant 0 : i32
      %scan3A_34 = arith.constant 0 : i32
      %scan3A_35 = arith.constant 5 : i32
      %scan3A_36 = arith.addi %scan3A_34, %scan3A_35 : i32
      %scan3A_37 = arith.constant 1 : i32
      scf.for %scan3A_39 = %scan3A_34 to %scan3A_36 step %scan3A_37  : i32 {
        "tpu.region"() ({
          %run_scoped3A = tpu.sem_alloc : memref<!tpu.dma_semaphore, #tpu.memory_space<semaphore_mem>>
          %dma_start3A = arith.constant 0 : i32
          %dma_start3A_40 = tpu.memref_slice %arg9[%scan3A_39, %dma_start3A] : memref<5x128xi32, #tpu.memory_space<vmem>> -> memref<1x128xi32, #tpu.memory_space<vmem>>
          %dma_start3A_41 = tpu.memref_squeeze %dma_start3A_40 : memref<1x128xi32, #tpu.memory_space<vmem>> -> memref<128xi32, #tpu.memory_space<vmem>>
          %dma_start3A_42 = arith.constant 0 : i32
          %dma_start3A_43 = arith.constant 0 : i32
          %dma_start3A_44 = tpu.memref_slice %arg12[%dma_start3A_42, %dma_start3A_43] : memref<384x128xf32, #tpu.memory_space<vmem_shared>> -> memref<384x128xf32, #tpu.memory_space<vmem_shared>>
          tpu.enqueue_indirect_dma source(%arg10 : memref<128x128xf32, #tpu.memory_space<vmem>>) target(%dma_start3A_44 : memref<384x128xf32, #tpu.memory_space<vmem_shared>>) offsets(%dma_start3A_41 : memref<128xi32, #tpu.memory_space<vmem>>) semaphore(%run_scoped3A : memref<!tpu.dma_semaphore, #tpu.memory_space<semaphore_mem>>) {add = true}
          %dma_wait3A = arith.constant 0 : i32
          %dma_wait3A_45 = tpu.memref_slice %arg9[%scan3A_39, %dma_wait3A] : memref<5x128xi32, #tpu.memory_space<vmem>> -> memref<1x128xi32, #tpu.memory_space<vmem>>
          %dma_wait3A_46 = tpu.memref_squeeze %dma_wait3A_45 : memref<1x128xi32, #tpu.memory_space<vmem>> -> memref<128xi32, #tpu.memory_space<vmem>>
          %dma_wait3A_47 = arith.constant 0 : i32
          %dma_wait3A_48 = arith.constant 0 : i32
          %dma_wait3A_49 = tpu.memref_slice %arg12[%dma_wait3A_47, %dma_wait3A_48] : memref<384x128xf32, #tpu.memory_space<vmem_shared>> -> memref<384x128xf32, #tpu.memory_space<vmem_shared>>
          tpu.wait_indirect_dma semaphore(%run_scoped3A : memref<!tpu.dma_semaphore, #tpu.memory_space<semaphore_mem>>) src(%arg10 : memref<128x128xf32, #tpu.memory_space<vmem>>) dst(%dma_wait3A_49 : memref<384x128xf32, #tpu.memory_space<vmem_shared>>)
          tpu.yield
        }) : () -> ()
      }
      %scan3A_38 = arith.constant 5 : i32
    } else {
    }
    %barrier3A_23 = arith.constant 0 : index
    tpu.barrier barrier_id(%barrier3A_23)
    %mul3A_24 = arith.constant 632 : i32
    %mul3A_25 = arith.muli %arg1, %mul3A_24 : i32
    %mul3A_26 = arith.constant 632 : i32
    %mul3A_27 = arith.muli %arg1, %mul3A_26 : i32
    "tpu.region"() ({
      %run_scoped3A = tpu.sem_alloc : memref<!tpu.dma_semaphore, #tpu.memory_space<semaphore_mem>>
      %dma_start3A = arith.constant 0 : i32
      %dma_start3A_33 = tpu.memref_slice %arg6[%arg0, %mul3A_27, %dma_start3A] : memref<2x10112x128xf32, #tpu.memory_space<hbm>> -> memref<1x632x128xf32, #tpu.memory_space<hbm>>
      %dma_start3A_34 = tpu.memref_squeeze %dma_start3A_33 : memref<1x632x128xf32, #tpu.memory_space<hbm>> -> memref<632x128xf32, #tpu.memory_space<hbm>>
      %dma_start3A_35 = arith.constant 0 : i32
      %dma_start3A_36 = tpu.memref_slice %arg11[%mul3A_25, %dma_start3A_35] : memref<10112x128xf32, #tpu.memory_space<vmem_shared>> -> memref<632x128xf32, #tpu.memory_space<vmem_shared>>
      tpu.enqueue_dma source(%dma_start3A_36 : memref<632x128xf32, #tpu.memory_space<vmem_shared>>) target(%dma_start3A_34 : memref<632x128xf32, #tpu.memory_space<hbm>>) target_semaphore(%run_scoped3A : memref<!tpu.dma_semaphore, #tpu.memory_space<semaphore_mem>>)
      %dma_wait3A = arith.constant 0 : i32
      %dma_wait3A_37 = tpu.memref_slice %arg6[%arg0, %mul3A_27, %dma_wait3A] : memref<2x10112x128xf32, #tpu.memory_space<hbm>> -> memref<1x632x128xf32, #tpu.memory_space<hbm>>
      %dma_wait3A_38 = tpu.memref_squeeze %dma_wait3A_37 : memref<1x632x128xf32, #tpu.memory_space<hbm>> -> memref<632x128xf32, #tpu.memory_space<hbm>>
      %dma_wait3A_39 = arith.constant 0 : i32
      %dma_wait3A_40 = tpu.memref_slice %arg11[%mul3A_25, %dma_wait3A_39] : memref<10112x128xf32, #tpu.memory_space<vmem_shared>> -> memref<632x128xf32, #tpu.memory_space<vmem_shared>>
      tpu.wait_dma2 semaphore(%run_scoped3A : memref<!tpu.dma_semaphore, #tpu.memory_space<semaphore_mem>>) src(%dma_wait3A_40 : memref<632x128xf32, #tpu.memory_space<vmem_shared>>) dst(%dma_wait3A_38 : memref<632x128xf32, #tpu.memory_space<hbm>>)
      tpu.yield
    }) : () -> ()
    %eq3A_28 = arith.constant 0 : i32
    %eq3A_29 = arith.cmpi eq, %arg0, %eq3A_28 : i32
    %convert_element_type3A_30 = arith.extui %eq3A_29 : i1 to i32
    %cond3A_31 = arith.constant 0 : i32
    %cond3A_32 = arith.cmpi ne, %convert_element_type3A_30, %cond3A_31 : i32
    scf.if %cond3A_32 {
      %mul3A_33 = arith.constant 16 : i32
      %mul3A_34 = arith.muli %arg1, %mul3A_33 : i32
      %mul3A_35 = arith.constant 16 : i32
      %mul3A_36 = arith.muli %arg1, %mul3A_35 : i32
      "tpu.region"() ({
        %run_scoped3A = tpu.sem_alloc : memref<!tpu.dma_semaphore, #tpu.memory_space<semaphore_mem>>
        %dma_start3A = arith.constant 0 : i32
        %dma_start3A_37 = tpu.memref_slice %arg7[%mul3A_36, %dma_start3A] : memref<256x128xf32, #tpu.memory_space<hbm>> -> memref<16x128xf32, #tpu.memory_space<hbm>>
        %dma_start3A_38 = arith.constant 0 : i32
        %dma_start3A_39 = tpu.memref_slice %arg12[%mul3A_34, %dma_start3A_38] : memref<384x128xf32, #tpu.memory_space<vmem_shared>> -> memref<16x128xf32, #tpu.memory_space<vmem_shared>>
        tpu.enqueue_dma source(%dma_start3A_39 : memref<16x128xf32, #tpu.memory_space<vmem_shared>>) target(%dma_start3A_37 : memref<16x128xf32, #tpu.memory_space<hbm>>) target_semaphore(%run_scoped3A : memref<!tpu.dma_semaphore, #tpu.memory_space<semaphore_mem>>)
        %dma_wait3A = arith.constant 0 : i32
        %dma_wait3A_40 = tpu.memref_slice %arg7[%mul3A_36, %dma_wait3A] : memref<256x128xf32, #tpu.memory_space<hbm>> -> memref<16x128xf32, #tpu.memory_space<hbm>>
        %dma_wait3A_41 = arith.constant 0 : i32
        %dma_wait3A_42 = tpu.memref_slice %arg12[%mul3A_34, %dma_wait3A_41] : memref<384x128xf32, #tpu.memory_space<vmem_shared>> -> memref<16x128xf32, #tpu.memory_space<vmem_shared>>
        tpu.wait_dma2 semaphore(%run_scoped3A : memref<!tpu.dma_semaphore, #tpu.memory_space<semaphore_mem>>) src(%dma_wait3A_42 : memref<16x128xf32, #tpu.memory_space<vmem_shared>>) dst(%dma_wait3A_40 : memref<16x128xf32, #tpu.memory_space<hbm>>)
        tpu.yield
      }) : () -> ()
    } else {
    }
    return
  }
}

#map = affine_map<(d0, d1) -> (0, 0)>
#map1 = affine_map<(d0, d1) -> (0, 0, 0)>
module attributes {stable_mosaic.version = 14 : i64} {
  func.func @_segsum(%arg0: i32, %arg1: i32, %arg2: memref<10000x128xf32, #tpu.memory_space<hbm>>, %arg3: memref<32x79x128xi32, #tpu.memory_space<hbm>>, %arg4: memref<32x79x128xi32, #tpu.memory_space<hbm>>, %arg5: memref<10112x128xf32, #tpu.memory_space<hbm>>, %arg6: memref<2x10112x128xf32, #tpu.memory_space<hbm>>, %arg7: memref<40x128xi32, #tpu.memory_space<vmem>>, %arg8: memref<40x128xi32, #tpu.memory_space<vmem>>, %arg9: memref<128x128xf32, #tpu.memory_space<vmem>>, %arg10: memref<10112x128xf32, #tpu.memory_space<vmem_shared>>, %arg11: memref<!tpu.dma_semaphore, #tpu.memory_space<semaphore_mem>>) attributes {dimension_semantics = [#tpu.dimension_semantics<core_parallel>, #tpu.dimension_semantics<subcore_parallel>], iteration_bounds = array<i64: 2, 16>, scalar_prefetch = 0 : i64, scratch_operands = 5 : i64, tpu.core_type = #tpu.core_type<sc_vector_subcore>, window_params = [{transform_indices = #map}, {transform_indices = #map1}, {transform_indices = #map1}, {transform_indices = #map}, {transform_indices = #map1}]} {
    %mul3A = arith.constant 16 : i32
    %mul3A_0 = arith.muli %arg0, %mul3A : i32
    %add3A = arith.addi %mul3A_0, %arg1 : i32
    %mul3A_1 = arith.constant 632 : i32
    %mul3A_2 = arith.muli %arg1, %mul3A_1 : i32
    %mul3A_3 = arith.constant 632 : i32
    %mul3A_4 = arith.muli %arg1, %mul3A_3 : i32
    "tpu.region"() ({
      %run_scoped3A = tpu.sem_alloc : memref<!tpu.dma_semaphore, #tpu.memory_space<semaphore_mem>>
      %dma_start3A = arith.constant 0 : i32
      %dma_start3A_21 = tpu.memref_slice %arg10[%mul3A_4, %dma_start3A] : memref<10112x128xf32, #tpu.memory_space<vmem_shared>> -> memref<632x128xf32, #tpu.memory_space<vmem_shared>>
      %dma_start3A_22 = arith.constant 0 : i32
      %dma_start3A_23 = tpu.memref_slice %arg5[%mul3A_2, %dma_start3A_22] : memref<10112x128xf32, #tpu.memory_space<hbm>> -> memref<632x128xf32, #tpu.memory_space<hbm>>
      tpu.enqueue_dma source(%dma_start3A_23 : memref<632x128xf32, #tpu.memory_space<hbm>>) target(%dma_start3A_21 : memref<632x128xf32, #tpu.memory_space<vmem_shared>>) target_semaphore(%run_scoped3A : memref<!tpu.dma_semaphore, #tpu.memory_space<semaphore_mem>>)
      %dma_wait3A = arith.constant 0 : i32
      %dma_wait3A_24 = tpu.memref_slice %arg10[%mul3A_4, %dma_wait3A] : memref<10112x128xf32, #tpu.memory_space<vmem_shared>> -> memref<632x128xf32, #tpu.memory_space<vmem_shared>>
      %dma_wait3A_25 = arith.constant 0 : i32
      %dma_wait3A_26 = tpu.memref_slice %arg5[%mul3A_2, %dma_wait3A_25] : memref<10112x128xf32, #tpu.memory_space<hbm>> -> memref<632x128xf32, #tpu.memory_space<hbm>>
      tpu.wait_dma2 semaphore(%run_scoped3A : memref<!tpu.dma_semaphore, #tpu.memory_space<semaphore_mem>>) src(%dma_wait3A_26 : memref<632x128xf32, #tpu.memory_space<hbm>>) dst(%dma_wait3A_24 : memref<632x128xf32, #tpu.memory_space<vmem_shared>>)
      tpu.yield
    }) : () -> ()
    %barrier3A = arith.constant 0 : index
    tpu.barrier barrier_id(%barrier3A)
    "tpu.region"() ({
      %run_scoped3A = tpu.sem_alloc : memref<!tpu.dma_semaphore, #tpu.memory_space<semaphore_mem>>
      %dma_start3A = arith.constant 0 : i32
      %dma_start3A_21 = arith.constant 0 : i32
      %dma_start3A_22 = tpu.memref_slice %arg7[%dma_start3A, %dma_start3A_21] : memref<40x128xi32, #tpu.memory_space<vmem>> -> memref<40x128xi32, #tpu.memory_space<vmem>>
      %dma_start3A_23 = arith.constant 0 : i32
      %dma_start3A_24 = arith.constant 0 : i32
      %dma_start3A_25 = tpu.memref_slice %arg3[%add3A, %dma_start3A_23, %dma_start3A_24] : memref<32x79x128xi32, #tpu.memory_space<hbm>> -> memref<1x40x128xi32, #tpu.memory_space<hbm>>
      %dma_start3A_26 = tpu.memref_squeeze %dma_start3A_25 : memref<1x40x128xi32, #tpu.memory_space<hbm>> -> memref<40x128xi32, #tpu.memory_space<hbm>>
      %dma_start3A_27 = arith.constant 0 : i32
      %dma_start3A_28 = arith.constant 0 : i32
      %dma_start3A_29 = tpu.memref_slice %arg7[%dma_start3A_27, %dma_start3A_28] : memref<40x128xi32, #tpu.memory_space<vmem>> -> memref<40x128xi32, #tpu.memory_space<vmem>>
      %dma_start3A_30 = arith.constant 0 : i32
      %dma_start3A_31 = arith.constant 0 : i32
      %dma_start3A_32 = tpu.memref_slice %arg3[%add3A, %dma_start3A_30, %dma_start3A_31] : memref<32x79x128xi32, #tpu.memory_space<hbm>> -> memref<1x40x128xi32, #tpu.memory_space<hbm>>
      %dma_start3A_33 = tpu.memref_squeeze %dma_start3A_32 : memref<1x40x128xi32, #tpu.memory_space<hbm>> -> memref<40x128xi32, #tpu.memory_space<hbm>>
      tpu.enqueue_dma source(%dma_start3A_33 : memref<40x128xi32, #tpu.memory_space<hbm>>) target(%dma_start3A_29 : memref<40x128xi32, #tpu.memory_space<vmem>>) target_semaphore(%run_scoped3A : memref<!tpu.dma_semaphore, #tpu.memory_space<semaphore_mem>>)
      %dma_wait3A = arith.constant 0 : i32
      %dma_wait3A_34 = arith.constant 0 : i32
      %dma_wait3A_35 = tpu.memref_slice %arg7[%dma_wait3A, %dma_wait3A_34] : memref<40x128xi32, #tpu.memory_space<vmem>> -> memref<40x128xi32, #tpu.memory_space<vmem>>
      %dma_wait3A_36 = arith.constant 0 : i32
      %dma_wait3A_37 = arith.constant 0 : i32
      %dma_wait3A_38 = tpu.memref_slice %arg3[%add3A, %dma_wait3A_36, %dma_wait3A_37] : memref<32x79x128xi32, #tpu.memory_space<hbm>> -> memref<1x40x128xi32, #tpu.memory_space<hbm>>
      %dma_wait3A_39 = tpu.memref_squeeze %dma_wait3A_38 : memref<1x40x128xi32, #tpu.memory_space<hbm>> -> memref<40x128xi32, #tpu.memory_space<hbm>>
      %dma_wait3A_40 = arith.constant 0 : i32
      %dma_wait3A_41 = arith.constant 0 : i32
      %dma_wait3A_42 = tpu.memref_slice %arg7[%dma_wait3A_40, %dma_wait3A_41] : memref<40x128xi32, #tpu.memory_space<vmem>> -> memref<40x128xi32, #tpu.memory_space<vmem>>
      %dma_wait3A_43 = arith.constant 0 : i32
      %dma_wait3A_44 = arith.constant 0 : i32
      %dma_wait3A_45 = tpu.memref_slice %arg3[%add3A, %dma_wait3A_43, %dma_wait3A_44] : memref<32x79x128xi32, #tpu.memory_space<hbm>> -> memref<1x40x128xi32, #tpu.memory_space<hbm>>
      %dma_wait3A_46 = tpu.memref_squeeze %dma_wait3A_45 : memref<1x40x128xi32, #tpu.memory_space<hbm>> -> memref<40x128xi32, #tpu.memory_space<hbm>>
      tpu.wait_dma2 semaphore(%run_scoped3A : memref<!tpu.dma_semaphore, #tpu.memory_space<semaphore_mem>>) src(%dma_wait3A_46 : memref<40x128xi32, #tpu.memory_space<hbm>>) dst(%dma_wait3A_42 : memref<40x128xi32, #tpu.memory_space<vmem>>)
      tpu.yield
    }) : () -> ()
    "tpu.region"() ({
      %run_scoped3A = tpu.sem_alloc : memref<!tpu.dma_semaphore, #tpu.memory_space<semaphore_mem>>
      %dma_start3A = arith.constant 0 : i32
      %dma_start3A_21 = arith.constant 0 : i32
      %dma_start3A_22 = tpu.memref_slice %arg8[%dma_start3A, %dma_start3A_21] : memref<40x128xi32, #tpu.memory_space<vmem>> -> memref<40x128xi32, #tpu.memory_space<vmem>>
      %dma_start3A_23 = arith.constant 0 : i32
      %dma_start3A_24 = arith.constant 0 : i32
      %dma_start3A_25 = tpu.memref_slice %arg4[%add3A, %dma_start3A_23, %dma_start3A_24] : memref<32x79x128xi32, #tpu.memory_space<hbm>> -> memref<1x40x128xi32, #tpu.memory_space<hbm>>
      %dma_start3A_26 = tpu.memref_squeeze %dma_start3A_25 : memref<1x40x128xi32, #tpu.memory_space<hbm>> -> memref<40x128xi32, #tpu.memory_space<hbm>>
      %dma_start3A_27 = arith.constant 0 : i32
      %dma_start3A_28 = arith.constant 0 : i32
      %dma_start3A_29 = tpu.memref_slice %arg8[%dma_start3A_27, %dma_start3A_28] : memref<40x128xi32, #tpu.memory_space<vmem>> -> memref<40x128xi32, #tpu.memory_space<vmem>>
      %dma_start3A_30 = arith.constant 0 : i32
      %dma_start3A_31 = arith.constant 0 : i32
      %dma_start3A_32 = tpu.memref_slice %arg4[%add3A, %dma_start3A_30, %dma_start3A_31] : memref<32x79x128xi32, #tpu.memory_space<hbm>> -> memref<1x40x128xi32, #tpu.memory_space<hbm>>
      %dma_start3A_33 = tpu.memref_squeeze %dma_start3A_32 : memref<1x40x128xi32, #tpu.memory_space<hbm>> -> memref<40x128xi32, #tpu.memory_space<hbm>>
      tpu.enqueue_dma source(%dma_start3A_33 : memref<40x128xi32, #tpu.memory_space<hbm>>) target(%dma_start3A_29 : memref<40x128xi32, #tpu.memory_space<vmem>>) target_semaphore(%run_scoped3A : memref<!tpu.dma_semaphore, #tpu.memory_space<semaphore_mem>>)
      %dma_wait3A = arith.constant 0 : i32
      %dma_wait3A_34 = arith.constant 0 : i32
      %dma_wait3A_35 = tpu.memref_slice %arg8[%dma_wait3A, %dma_wait3A_34] : memref<40x128xi32, #tpu.memory_space<vmem>> -> memref<40x128xi32, #tpu.memory_space<vmem>>
      %dma_wait3A_36 = arith.constant 0 : i32
      %dma_wait3A_37 = arith.constant 0 : i32
      %dma_wait3A_38 = tpu.memref_slice %arg4[%add3A, %dma_wait3A_36, %dma_wait3A_37] : memref<32x79x128xi32, #tpu.memory_space<hbm>> -> memref<1x40x128xi32, #tpu.memory_space<hbm>>
      %dma_wait3A_39 = tpu.memref_squeeze %dma_wait3A_38 : memref<1x40x128xi32, #tpu.memory_space<hbm>> -> memref<40x128xi32, #tpu.memory_space<hbm>>
      %dma_wait3A_40 = arith.constant 0 : i32
      %dma_wait3A_41 = arith.constant 0 : i32
      %dma_wait3A_42 = tpu.memref_slice %arg8[%dma_wait3A_40, %dma_wait3A_41] : memref<40x128xi32, #tpu.memory_space<vmem>> -> memref<40x128xi32, #tpu.memory_space<vmem>>
      %dma_wait3A_43 = arith.constant 0 : i32
      %dma_wait3A_44 = arith.constant 0 : i32
      %dma_wait3A_45 = tpu.memref_slice %arg4[%add3A, %dma_wait3A_43, %dma_wait3A_44] : memref<32x79x128xi32, #tpu.memory_space<hbm>> -> memref<1x40x128xi32, #tpu.memory_space<hbm>>
      %dma_wait3A_46 = tpu.memref_squeeze %dma_wait3A_45 : memref<1x40x128xi32, #tpu.memory_space<hbm>> -> memref<40x128xi32, #tpu.memory_space<hbm>>
      tpu.wait_dma2 semaphore(%run_scoped3A : memref<!tpu.dma_semaphore, #tpu.memory_space<semaphore_mem>>) src(%dma_wait3A_46 : memref<40x128xi32, #tpu.memory_space<hbm>>) dst(%dma_wait3A_42 : memref<40x128xi32, #tpu.memory_space<vmem>>)
      tpu.yield
    }) : () -> ()
    %scan3A = arith.constant 0 : i32
    %scan3A_5 = arith.constant 0 : i32
    %scan3A_6 = arith.constant 40 : i32
    %scan3A_7 = arith.addi %scan3A_5, %scan3A_6 : i32
    %scan3A_8 = arith.constant 1 : i32
    scf.for %scan3A_21 = %scan3A_5 to %scan3A_7 step %scan3A_8  : i32 {
      %dma_start3A = arith.constant 0 : i32
      %dma_start3A_22 = tpu.memref_slice %arg7[%scan3A_21, %dma_start3A] : memref<40x128xi32, #tpu.memory_space<vmem>> -> memref<1x128xi32, #tpu.memory_space<vmem>>
      %dma_start3A_23 = tpu.memref_squeeze %dma_start3A_22 : memref<1x128xi32, #tpu.memory_space<vmem>> -> memref<128xi32, #tpu.memory_space<vmem>>
      %dma_start3A_24 = arith.constant 0 : i32
      %dma_start3A_25 = arith.constant 0 : i32
      %dma_start3A_26 = tpu.memref_slice %arg2[%dma_start3A_24, %dma_start3A_25] : memref<10000x128xf32, #tpu.memory_space<hbm>> -> memref<10000x128xf32, #tpu.memory_space<hbm>>
      tpu.enqueue_indirect_dma source(%dma_start3A_26 : memref<10000x128xf32, #tpu.memory_space<hbm>>) target(%arg9 : memref<128x128xf32, #tpu.memory_space<vmem>>) offsets(%dma_start3A_23 : memref<128xi32, #tpu.memory_space<vmem>>) semaphore(%arg11 : memref<!tpu.dma_semaphore, #tpu.memory_space<semaphore_mem>>)
      %dma_wait3A = arith.constant 0 : i32
      %dma_wait3A_27 = tpu.memref_slice %arg7[%scan3A_21, %dma_wait3A] : memref<40x128xi32, #tpu.memory_space<vmem>> -> memref<1x128xi32, #tpu.memory_space<vmem>>
      %dma_wait3A_28 = tpu.memref_squeeze %dma_wait3A_27 : memref<1x128xi32, #tpu.memory_space<vmem>> -> memref<128xi32, #tpu.memory_space<vmem>>
      %dma_wait3A_29 = arith.constant 0 : i32
      %dma_wait3A_30 = arith.constant 0 : i32
      %dma_wait3A_31 = tpu.memref_slice %arg2[%dma_wait3A_29, %dma_wait3A_30] : memref<10000x128xf32, #tpu.memory_space<hbm>> -> memref<10000x128xf32, #tpu.memory_space<hbm>>
      tpu.wait_indirect_dma semaphore(%arg11 : memref<!tpu.dma_semaphore, #tpu.memory_space<semaphore_mem>>) src(%dma_wait3A_31 : memref<10000x128xf32, #tpu.memory_space<hbm>>) dst(%arg9 : memref<128x128xf32, #tpu.memory_space<vmem>>)
      "tpu.region"() ({
        %run_scoped3A = tpu.sem_alloc : memref<!tpu.dma_semaphore, #tpu.memory_space<semaphore_mem>>
        %dma_start3A_32 = arith.constant 0 : i32
        %dma_start3A_33 = tpu.memref_slice %arg8[%scan3A_21, %dma_start3A_32] : memref<40x128xi32, #tpu.memory_space<vmem>> -> memref<1x128xi32, #tpu.memory_space<vmem>>
        %dma_start3A_34 = tpu.memref_squeeze %dma_start3A_33 : memref<1x128xi32, #tpu.memory_space<vmem>> -> memref<128xi32, #tpu.memory_space<vmem>>
        %dma_start3A_35 = arith.constant 0 : i32
        %dma_start3A_36 = arith.constant 0 : i32
        %dma_start3A_37 = tpu.memref_slice %arg10[%dma_start3A_35, %dma_start3A_36] : memref<10112x128xf32, #tpu.memory_space<vmem_shared>> -> memref<10112x128xf32, #tpu.memory_space<vmem_shared>>
        tpu.enqueue_indirect_dma source(%arg9 : memref<128x128xf32, #tpu.memory_space<vmem>>) target(%dma_start3A_37 : memref<10112x128xf32, #tpu.memory_space<vmem_shared>>) offsets(%dma_start3A_34 : memref<128xi32, #tpu.memory_space<vmem>>) semaphore(%run_scoped3A : memref<!tpu.dma_semaphore, #tpu.memory_space<semaphore_mem>>) {add = true}
        %dma_wait3A_38 = arith.constant 0 : i32
        %dma_wait3A_39 = tpu.memref_slice %arg8[%scan3A_21, %dma_wait3A_38] : memref<40x128xi32, #tpu.memory_space<vmem>> -> memref<1x128xi32, #tpu.memory_space<vmem>>
        %dma_wait3A_40 = tpu.memref_squeeze %dma_wait3A_39 : memref<1x128xi32, #tpu.memory_space<vmem>> -> memref<128xi32, #tpu.memory_space<vmem>>
        %dma_wait3A_41 = arith.constant 0 : i32
        %dma_wait3A_42 = arith.constant 0 : i32
        %dma_wait3A_43 = tpu.memref_slice %arg10[%dma_wait3A_41, %dma_wait3A_42] : memref<10112x128xf32, #tpu.memory_space<vmem_shared>> -> memref<10112x128xf32, #tpu.memory_space<vmem_shared>>
        tpu.wait_indirect_dma semaphore(%run_scoped3A : memref<!tpu.dma_semaphore, #tpu.memory_space<semaphore_mem>>) src(%arg9 : memref<128x128xf32, #tpu.memory_space<vmem>>) dst(%dma_wait3A_43 : memref<10112x128xf32, #tpu.memory_space<vmem_shared>>)
        tpu.yield
      }) : () -> ()
    }
    %scan3A_9 = arith.constant 40 : i32
    "tpu.region"() ({
      %run_scoped3A = tpu.sem_alloc : memref<!tpu.dma_semaphore, #tpu.memory_space<semaphore_mem>>
      %dma_start3A = arith.constant 0 : i32
      %dma_start3A_21 = arith.constant 0 : i32
      %dma_start3A_22 = tpu.memref_slice %arg7[%dma_start3A, %dma_start3A_21] : memref<40x128xi32, #tpu.memory_space<vmem>> -> memref<39x128xi32, #tpu.memory_space<vmem>>
      %dma_start3A_23 = arith.constant 40 : i32
      %dma_start3A_24 = arith.constant 0 : i32
      %dma_start3A_25 = tpu.memref_slice %arg3[%add3A, %dma_start3A_23, %dma_start3A_24] : memref<32x79x128xi32, #tpu.memory_space<hbm>> -> memref<1x39x128xi32, #tpu.memory_space<hbm>>
      %dma_start3A_26 = tpu.memref_squeeze %dma_start3A_25 : memref<1x39x128xi32, #tpu.memory_space<hbm>> -> memref<39x128xi32, #tpu.memory_space<hbm>>
      %dma_start3A_27 = arith.constant 0 : i32
      %dma_start3A_28 = arith.constant 0 : i32
      %dma_start3A_29 = tpu.memref_slice %arg7[%dma_start3A_27, %dma_start3A_28] : memref<40x128xi32, #tpu.memory_space<vmem>> -> memref<39x128xi32, #tpu.memory_space<vmem>>
      %dma_start3A_30 = arith.constant 40 : i32
      %dma_start3A_31 = arith.constant 0 : i32
      %dma_start3A_32 = tpu.memref_slice %arg3[%add3A, %dma_start3A_30, %dma_start3A_31] : memref<32x79x128xi32, #tpu.memory_space<hbm>> -> memref<1x39x128xi32, #tpu.memory_space<hbm>>
      %dma_start3A_33 = tpu.memref_squeeze %dma_start3A_32 : memref<1x39x128xi32, #tpu.memory_space<hbm>> -> memref<39x128xi32, #tpu.memory_space<hbm>>
      tpu.enqueue_dma source(%dma_start3A_33 : memref<39x128xi32, #tpu.memory_space<hbm>>) target(%dma_start3A_29 : memref<39x128xi32, #tpu.memory_space<vmem>>) target_semaphore(%run_scoped3A : memref<!tpu.dma_semaphore, #tpu.memory_space<semaphore_mem>>)
      %dma_wait3A = arith.constant 0 : i32
      %dma_wait3A_34 = arith.constant 0 : i32
      %dma_wait3A_35 = tpu.memref_slice %arg7[%dma_wait3A, %dma_wait3A_34] : memref<40x128xi32, #tpu.memory_space<vmem>> -> memref<39x128xi32, #tpu.memory_space<vmem>>
      %dma_wait3A_36 = arith.constant 40 : i32
      %dma_wait3A_37 = arith.constant 0 : i32
      %dma_wait3A_38 = tpu.memref_slice %arg3[%add3A, %dma_wait3A_36, %dma_wait3A_37] : memref<32x79x128xi32, #tpu.memory_space<hbm>> -> memref<1x39x128xi32, #tpu.memory_space<hbm>>
      %dma_wait3A_39 = tpu.memref_squeeze %dma_wait3A_38 : memref<1x39x128xi32, #tpu.memory_space<hbm>> -> memref<39x128xi32, #tpu.memory_space<hbm>>
      %dma_wait3A_40 = arith.constant 0 : i32
      %dma_wait3A_41 = arith.constant 0 : i32
      %dma_wait3A_42 = tpu.memref_slice %arg7[%dma_wait3A_40, %dma_wait3A_41] : memref<40x128xi32, #tpu.memory_space<vmem>> -> memref<39x128xi32, #tpu.memory_space<vmem>>
      %dma_wait3A_43 = arith.constant 40 : i32
      %dma_wait3A_44 = arith.constant 0 : i32
      %dma_wait3A_45 = tpu.memref_slice %arg3[%add3A, %dma_wait3A_43, %dma_wait3A_44] : memref<32x79x128xi32, #tpu.memory_space<hbm>> -> memref<1x39x128xi32, #tpu.memory_space<hbm>>
      %dma_wait3A_46 = tpu.memref_squeeze %dma_wait3A_45 : memref<1x39x128xi32, #tpu.memory_space<hbm>> -> memref<39x128xi32, #tpu.memory_space<hbm>>
      tpu.wait_dma2 semaphore(%run_scoped3A : memref<!tpu.dma_semaphore, #tpu.memory_space<semaphore_mem>>) src(%dma_wait3A_46 : memref<39x128xi32, #tpu.memory_space<hbm>>) dst(%dma_wait3A_42 : memref<39x128xi32, #tpu.memory_space<vmem>>)
      tpu.yield
    }) : () -> ()
    "tpu.region"() ({
      %run_scoped3A = tpu.sem_alloc : memref<!tpu.dma_semaphore, #tpu.memory_space<semaphore_mem>>
      %dma_start3A = arith.constant 0 : i32
      %dma_start3A_21 = arith.constant 0 : i32
      %dma_start3A_22 = tpu.memref_slice %arg8[%dma_start3A, %dma_start3A_21] : memref<40x128xi32, #tpu.memory_space<vmem>> -> memref<39x128xi32, #tpu.memory_space<vmem>>
      %dma_start3A_23 = arith.constant 40 : i32
      %dma_start3A_24 = arith.constant 0 : i32
      %dma_start3A_25 = tpu.memref_slice %arg4[%add3A, %dma_start3A_23, %dma_start3A_24] : memref<32x79x128xi32, #tpu.memory_space<hbm>> -> memref<1x39x128xi32, #tpu.memory_space<hbm>>
      %dma_start3A_26 = tpu.memref_squeeze %dma_start3A_25 : memref<1x39x128xi32, #tpu.memory_space<hbm>> -> memref<39x128xi32, #tpu.memory_space<hbm>>
      %dma_start3A_27 = arith.constant 0 : i32
      %dma_start3A_28 = arith.constant 0 : i32
      %dma_start3A_29 = tpu.memref_slice %arg8[%dma_start3A_27, %dma_start3A_28] : memref<40x128xi32, #tpu.memory_space<vmem>> -> memref<39x128xi32, #tpu.memory_space<vmem>>
      %dma_start3A_30 = arith.constant 40 : i32
      %dma_start3A_31 = arith.constant 0 : i32
      %dma_start3A_32 = tpu.memref_slice %arg4[%add3A, %dma_start3A_30, %dma_start3A_31] : memref<32x79x128xi32, #tpu.memory_space<hbm>> -> memref<1x39x128xi32, #tpu.memory_space<hbm>>
      %dma_start3A_33 = tpu.memref_squeeze %dma_start3A_32 : memref<1x39x128xi32, #tpu.memory_space<hbm>> -> memref<39x128xi32, #tpu.memory_space<hbm>>
      tpu.enqueue_dma source(%dma_start3A_33 : memref<39x128xi32, #tpu.memory_space<hbm>>) target(%dma_start3A_29 : memref<39x128xi32, #tpu.memory_space<vmem>>) target_semaphore(%run_scoped3A : memref<!tpu.dma_semaphore, #tpu.memory_space<semaphore_mem>>)
      %dma_wait3A = arith.constant 0 : i32
      %dma_wait3A_34 = arith.constant 0 : i32
      %dma_wait3A_35 = tpu.memref_slice %arg8[%dma_wait3A, %dma_wait3A_34] : memref<40x128xi32, #tpu.memory_space<vmem>> -> memref<39x128xi32, #tpu.memory_space<vmem>>
      %dma_wait3A_36 = arith.constant 40 : i32
      %dma_wait3A_37 = arith.constant 0 : i32
      %dma_wait3A_38 = tpu.memref_slice %arg4[%add3A, %dma_wait3A_36, %dma_wait3A_37] : memref<32x79x128xi32, #tpu.memory_space<hbm>> -> memref<1x39x128xi32, #tpu.memory_space<hbm>>
      %dma_wait3A_39 = tpu.memref_squeeze %dma_wait3A_38 : memref<1x39x128xi32, #tpu.memory_space<hbm>> -> memref<39x128xi32, #tpu.memory_space<hbm>>
      %dma_wait3A_40 = arith.constant 0 : i32
      %dma_wait3A_41 = arith.constant 0 : i32
      %dma_wait3A_42 = tpu.memref_slice %arg8[%dma_wait3A_40, %dma_wait3A_41] : memref<40x128xi32, #tpu.memory_space<vmem>> -> memref<39x128xi32, #tpu.memory_space<vmem>>
      %dma_wait3A_43 = arith.constant 40 : i32
      %dma_wait3A_44 = arith.constant 0 : i32
      %dma_wait3A_45 = tpu.memref_slice %arg4[%add3A, %dma_wait3A_43, %dma_wait3A_44] : memref<32x79x128xi32, #tpu.memory_space<hbm>> -> memref<1x39x128xi32, #tpu.memory_space<hbm>>
      %dma_wait3A_46 = tpu.memref_squeeze %dma_wait3A_45 : memref<1x39x128xi32, #tpu.memory_space<hbm>> -> memref<39x128xi32, #tpu.memory_space<hbm>>
      tpu.wait_dma2 semaphore(%run_scoped3A : memref<!tpu.dma_semaphore, #tpu.memory_space<semaphore_mem>>) src(%dma_wait3A_46 : memref<39x128xi32, #tpu.memory_space<hbm>>) dst(%dma_wait3A_42 : memref<39x128xi32, #tpu.memory_space<vmem>>)
      tpu.yield
    }) : () -> ()
    %scan3A_10 = arith.constant 0 : i32
    %scan3A_11 = arith.constant 0 : i32
    %scan3A_12 = arith.constant 39 : i32
    %scan3A_13 = arith.addi %scan3A_11, %scan3A_12 : i32
    %scan3A_14 = arith.constant 1 : i32
    scf.for %scan3A_21 = %scan3A_11 to %scan3A_13 step %scan3A_14  : i32 {
      %dma_start3A = arith.constant 0 : i32
      %dma_start3A_22 = tpu.memref_slice %arg7[%scan3A_21, %dma_start3A] : memref<40x128xi32, #tpu.memory_space<vmem>> -> memref<1x128xi32, #tpu.memory_space<vmem>>
      %dma_start3A_23 = tpu.memref_squeeze %dma_start3A_22 : memref<1x128xi32, #tpu.memory_space<vmem>> -> memref<128xi32, #tpu.memory_space<vmem>>
      %dma_start3A_24 = arith.constant 0 : i32
      %dma_start3A_25 = arith.constant 0 : i32
      %dma_start3A_26 = tpu.memref_slice %arg2[%dma_start3A_24, %dma_start3A_25] : memref<10000x128xf32, #tpu.memory_space<hbm>> -> memref<10000x128xf32, #tpu.memory_space<hbm>>
      tpu.enqueue_indirect_dma source(%dma_start3A_26 : memref<10000x128xf32, #tpu.memory_space<hbm>>) target(%arg9 : memref<128x128xf32, #tpu.memory_space<vmem>>) offsets(%dma_start3A_23 : memref<128xi32, #tpu.memory_space<vmem>>) semaphore(%arg11 : memref<!tpu.dma_semaphore, #tpu.memory_space<semaphore_mem>>)
      %dma_wait3A = arith.constant 0 : i32
      %dma_wait3A_27 = tpu.memref_slice %arg7[%scan3A_21, %dma_wait3A] : memref<40x128xi32, #tpu.memory_space<vmem>> -> memref<1x128xi32, #tpu.memory_space<vmem>>
      %dma_wait3A_28 = tpu.memref_squeeze %dma_wait3A_27 : memref<1x128xi32, #tpu.memory_space<vmem>> -> memref<128xi32, #tpu.memory_space<vmem>>
      %dma_wait3A_29 = arith.constant 0 : i32
      %dma_wait3A_30 = arith.constant 0 : i32
      %dma_wait3A_31 = tpu.memref_slice %arg2[%dma_wait3A_29, %dma_wait3A_30] : memref<10000x128xf32, #tpu.memory_space<hbm>> -> memref<10000x128xf32, #tpu.memory_space<hbm>>
      tpu.wait_indirect_dma semaphore(%arg11 : memref<!tpu.dma_semaphore, #tpu.memory_space<semaphore_mem>>) src(%dma_wait3A_31 : memref<10000x128xf32, #tpu.memory_space<hbm>>) dst(%arg9 : memref<128x128xf32, #tpu.memory_space<vmem>>)
      "tpu.region"() ({
        %run_scoped3A = tpu.sem_alloc : memref<!tpu.dma_semaphore, #tpu.memory_space<semaphore_mem>>
        %dma_start3A_32 = arith.constant 0 : i32
        %dma_start3A_33 = tpu.memref_slice %arg8[%scan3A_21, %dma_start3A_32] : memref<40x128xi32, #tpu.memory_space<vmem>> -> memref<1x128xi32, #tpu.memory_space<vmem>>
        %dma_start3A_34 = tpu.memref_squeeze %dma_start3A_33 : memref<1x128xi32, #tpu.memory_space<vmem>> -> memref<128xi32, #tpu.memory_space<vmem>>
        %dma_start3A_35 = arith.constant 0 : i32
        %dma_start3A_36 = arith.constant 0 : i32
        %dma_start3A_37 = tpu.memref_slice %arg10[%dma_start3A_35, %dma_start3A_36] : memref<10112x128xf32, #tpu.memory_space<vmem_shared>> -> memref<10112x128xf32, #tpu.memory_space<vmem_shared>>
        tpu.enqueue_indirect_dma source(%arg9 : memref<128x128xf32, #tpu.memory_space<vmem>>) target(%dma_start3A_37 : memref<10112x128xf32, #tpu.memory_space<vmem_shared>>) offsets(%dma_start3A_34 : memref<128xi32, #tpu.memory_space<vmem>>) semaphore(%run_scoped3A : memref<!tpu.dma_semaphore, #tpu.memory_space<semaphore_mem>>) {add = true}
        %dma_wait3A_38 = arith.constant 0 : i32
        %dma_wait3A_39 = tpu.memref_slice %arg8[%scan3A_21, %dma_wait3A_38] : memref<40x128xi32, #tpu.memory_space<vmem>> -> memref<1x128xi32, #tpu.memory_space<vmem>>
        %dma_wait3A_40 = tpu.memref_squeeze %dma_wait3A_39 : memref<1x128xi32, #tpu.memory_space<vmem>> -> memref<128xi32, #tpu.memory_space<vmem>>
        %dma_wait3A_41 = arith.constant 0 : i32
        %dma_wait3A_42 = arith.constant 0 : i32
        %dma_wait3A_43 = tpu.memref_slice %arg10[%dma_wait3A_41, %dma_wait3A_42] : memref<10112x128xf32, #tpu.memory_space<vmem_shared>> -> memref<10112x128xf32, #tpu.memory_space<vmem_shared>>
        tpu.wait_indirect_dma semaphore(%run_scoped3A : memref<!tpu.dma_semaphore, #tpu.memory_space<semaphore_mem>>) src(%arg9 : memref<128x128xf32, #tpu.memory_space<vmem>>) dst(%dma_wait3A_43 : memref<10112x128xf32, #tpu.memory_space<vmem_shared>>)
        tpu.yield
      }) : () -> ()
    }
    %scan3A_15 = arith.constant 39 : i32
    %barrier3A_16 = arith.constant 0 : index
    tpu.barrier barrier_id(%barrier3A_16)
    %mul3A_17 = arith.constant 632 : i32
    %mul3A_18 = arith.muli %arg1, %mul3A_17 : i32
    %mul3A_19 = arith.constant 632 : i32
    %mul3A_20 = arith.muli %arg1, %mul3A_19 : i32
    "tpu.region"() ({
      %run_scoped3A = tpu.sem_alloc : memref<!tpu.dma_semaphore, #tpu.memory_space<semaphore_mem>>
      %dma_start3A = arith.constant 0 : i32
      %dma_start3A_21 = tpu.memref_slice %arg6[%arg0, %mul3A_20, %dma_start3A] : memref<2x10112x128xf32, #tpu.memory_space<hbm>> -> memref<1x632x128xf32, #tpu.memory_space<hbm>>
      %dma_start3A_22 = tpu.memref_squeeze %dma_start3A_21 : memref<1x632x128xf32, #tpu.memory_space<hbm>> -> memref<632x128xf32, #tpu.memory_space<hbm>>
      %dma_start3A_23 = arith.constant 0 : i32
      %dma_start3A_24 = tpu.memref_slice %arg10[%mul3A_18, %dma_start3A_23] : memref<10112x128xf32, #tpu.memory_space<vmem_shared>> -> memref<632x128xf32, #tpu.memory_space<vmem_shared>>
      tpu.enqueue_dma source(%dma_start3A_24 : memref<632x128xf32, #tpu.memory_space<vmem_shared>>) target(%dma_start3A_22 : memref<632x128xf32, #tpu.memory_space<hbm>>) target_semaphore(%run_scoped3A : memref<!tpu.dma_semaphore, #tpu.memory_space<semaphore_mem>>)
      %dma_wait3A = arith.constant 0 : i32
      %dma_wait3A_25 = tpu.memref_slice %arg6[%arg0, %mul3A_20, %dma_wait3A] : memref<2x10112x128xf32, #tpu.memory_space<hbm>> -> memref<1x632x128xf32, #tpu.memory_space<hbm>>
      %dma_wait3A_26 = tpu.memref_squeeze %dma_wait3A_25 : memref<1x632x128xf32, #tpu.memory_space<hbm>> -> memref<632x128xf32, #tpu.memory_space<hbm>>
      %dma_wait3A_27 = arith.constant 0 : i32
      %dma_wait3A_28 = tpu.memref_slice %arg10[%mul3A_18, %dma_wait3A_27] : memref<10112x128xf32, #tpu.memory_space<vmem_shared>> -> memref<632x128xf32, #tpu.memory_space<vmem_shared>>
      tpu.wait_dma2 semaphore(%run_scoped3A : memref<!tpu.dma_semaphore, #tpu.memory_space<semaphore_mem>>) src(%dma_wait3A_28 : memref<632x128xf32, #tpu.memory_space<vmem_shared>>) dst(%dma_wait3A_26 : memref<632x128xf32, #tpu.memory_space<hbm>>)
      tpu.yield
    }) : () -> ()
    return
  }
}

#map = affine_map<(d0, d1) -> (0, 0)>
#map1 = affine_map<(d0, d1) -> (0, 0, 0)>
module attributes {stable_mosaic.version = 14 : i64} {
  func.func @_segsum(%arg0: i32, %arg1: i32, %arg2: memref<10000x128xf32, #tpu.memory_space<hbm>>, %arg3: memref<32x79x128xi32, #tpu.memory_space<hbm>>, %arg4: memref<32x79x128xi32, #tpu.memory_space<hbm>>, %arg5: memref<10112x128xf32, #tpu.memory_space<hbm>>, %arg6: memref<2x10112x128xf32, #tpu.memory_space<hbm>>, %arg7: memref<40x128xi32, #tpu.memory_space<vmem>>, %arg8: memref<40x128xi32, #tpu.memory_space<vmem>>, %arg9: memref<128x128xf32, #tpu.memory_space<vmem>>, %arg10: memref<10112x128xf32, #tpu.memory_space<vmem_shared>>, %arg11: memref<!tpu.dma_semaphore, #tpu.memory_space<semaphore_mem>>) attributes {dimension_semantics = [#tpu.dimension_semantics<core_parallel>, #tpu.dimension_semantics<subcore_parallel>], iteration_bounds = array<i64: 2, 16>, scalar_prefetch = 0 : i64, scratch_operands = 5 : i64, tpu.core_type = #tpu.core_type<sc_vector_subcore>, window_params = [{transform_indices = #map}, {transform_indices = #map1}, {transform_indices = #map1}, {transform_indices = #map}, {transform_indices = #map1}]} {
    %mul3A = arith.constant 16 : i32
    %mul3A_0 = arith.muli %arg0, %mul3A : i32
    %add3A = arith.addi %mul3A_0, %arg1 : i32
    %mul3A_1 = arith.constant 632 : i32
    %mul3A_2 = arith.muli %arg1, %mul3A_1 : i32
    %mul3A_3 = arith.constant 632 : i32
    %mul3A_4 = arith.muli %arg1, %mul3A_3 : i32
    "tpu.region"() ({
      %run_scoped3A = tpu.sem_alloc : memref<!tpu.dma_semaphore, #tpu.memory_space<semaphore_mem>>
      %dma_start3A = arith.constant 0 : i32
      %dma_start3A_21 = tpu.memref_slice %arg10[%mul3A_4, %dma_start3A] : memref<10112x128xf32, #tpu.memory_space<vmem_shared>> -> memref<632x128xf32, #tpu.memory_space<vmem_shared>>
      %dma_start3A_22 = arith.constant 0 : i32
      %dma_start3A_23 = tpu.memref_slice %arg5[%mul3A_2, %dma_start3A_22] : memref<10112x128xf32, #tpu.memory_space<hbm>> -> memref<632x128xf32, #tpu.memory_space<hbm>>
      tpu.enqueue_dma source(%dma_start3A_23 : memref<632x128xf32, #tpu.memory_space<hbm>>) target(%dma_start3A_21 : memref<632x128xf32, #tpu.memory_space<vmem_shared>>) target_semaphore(%run_scoped3A : memref<!tpu.dma_semaphore, #tpu.memory_space<semaphore_mem>>)
      %dma_wait3A = arith.constant 0 : i32
      %dma_wait3A_24 = tpu.memref_slice %arg10[%mul3A_4, %dma_wait3A] : memref<10112x128xf32, #tpu.memory_space<vmem_shared>> -> memref<632x128xf32, #tpu.memory_space<vmem_shared>>
      %dma_wait3A_25 = arith.constant 0 : i32
      %dma_wait3A_26 = tpu.memref_slice %arg5[%mul3A_2, %dma_wait3A_25] : memref<10112x128xf32, #tpu.memory_space<hbm>> -> memref<632x128xf32, #tpu.memory_space<hbm>>
      tpu.wait_dma2 semaphore(%run_scoped3A : memref<!tpu.dma_semaphore, #tpu.memory_space<semaphore_mem>>) src(%dma_wait3A_26 : memref<632x128xf32, #tpu.memory_space<hbm>>) dst(%dma_wait3A_24 : memref<632x128xf32, #tpu.memory_space<vmem_shared>>)
      tpu.yield
    }) : () -> ()
    %barrier3A = arith.constant 0 : index
    tpu.barrier barrier_id(%barrier3A)
    "tpu.region"() ({
      %run_scoped3A = tpu.sem_alloc : memref<!tpu.dma_semaphore, #tpu.memory_space<semaphore_mem>>
      %dma_start3A = arith.constant 0 : i32
      %dma_start3A_21 = arith.constant 0 : i32
      %dma_start3A_22 = tpu.memref_slice %arg7[%dma_start3A, %dma_start3A_21] : memref<40x128xi32, #tpu.memory_space<vmem>> -> memref<40x128xi32, #tpu.memory_space<vmem>>
      %dma_start3A_23 = arith.constant 0 : i32
      %dma_start3A_24 = arith.constant 0 : i32
      %dma_start3A_25 = tpu.memref_slice %arg3[%add3A, %dma_start3A_23, %dma_start3A_24] : memref<32x79x128xi32, #tpu.memory_space<hbm>> -> memref<1x40x128xi32, #tpu.memory_space<hbm>>
      %dma_start3A_26 = tpu.memref_squeeze %dma_start3A_25 : memref<1x40x128xi32, #tpu.memory_space<hbm>> -> memref<40x128xi32, #tpu.memory_space<hbm>>
      %dma_start3A_27 = arith.constant 0 : i32
      %dma_start3A_28 = arith.constant 0 : i32
      %dma_start3A_29 = tpu.memref_slice %arg7[%dma_start3A_27, %dma_start3A_28] : memref<40x128xi32, #tpu.memory_space<vmem>> -> memref<40x128xi32, #tpu.memory_space<vmem>>
      %dma_start3A_30 = arith.constant 0 : i32
      %dma_start3A_31 = arith.constant 0 : i32
      %dma_start3A_32 = tpu.memref_slice %arg3[%add3A, %dma_start3A_30, %dma_start3A_31] : memref<32x79x128xi32, #tpu.memory_space<hbm>> -> memref<1x40x128xi32, #tpu.memory_space<hbm>>
      %dma_start3A_33 = tpu.memref_squeeze %dma_start3A_32 : memref<1x40x128xi32, #tpu.memory_space<hbm>> -> memref<40x128xi32, #tpu.memory_space<hbm>>
      tpu.enqueue_dma source(%dma_start3A_33 : memref<40x128xi32, #tpu.memory_space<hbm>>) target(%dma_start3A_29 : memref<40x128xi32, #tpu.memory_space<vmem>>) target_semaphore(%run_scoped3A : memref<!tpu.dma_semaphore, #tpu.memory_space<semaphore_mem>>)
      %dma_wait3A = arith.constant 0 : i32
      %dma_wait3A_34 = arith.constant 0 : i32
      %dma_wait3A_35 = tpu.memref_slice %arg7[%dma_wait3A, %dma_wait3A_34] : memref<40x128xi32, #tpu.memory_space<vmem>> -> memref<40x128xi32, #tpu.memory_space<vmem>>
      %dma_wait3A_36 = arith.constant 0 : i32
      %dma_wait3A_37 = arith.constant 0 : i32
      %dma_wait3A_38 = tpu.memref_slice %arg3[%add3A, %dma_wait3A_36, %dma_wait3A_37] : memref<32x79x128xi32, #tpu.memory_space<hbm>> -> memref<1x40x128xi32, #tpu.memory_space<hbm>>
      %dma_wait3A_39 = tpu.memref_squeeze %dma_wait3A_38 : memref<1x40x128xi32, #tpu.memory_space<hbm>> -> memref<40x128xi32, #tpu.memory_space<hbm>>
      %dma_wait3A_40 = arith.constant 0 : i32
      %dma_wait3A_41 = arith.constant 0 : i32
      %dma_wait3A_42 = tpu.memref_slice %arg7[%dma_wait3A_40, %dma_wait3A_41] : memref<40x128xi32, #tpu.memory_space<vmem>> -> memref<40x128xi32, #tpu.memory_space<vmem>>
      %dma_wait3A_43 = arith.constant 0 : i32
      %dma_wait3A_44 = arith.constant 0 : i32
      %dma_wait3A_45 = tpu.memref_slice %arg3[%add3A, %dma_wait3A_43, %dma_wait3A_44] : memref<32x79x128xi32, #tpu.memory_space<hbm>> -> memref<1x40x128xi32, #tpu.memory_space<hbm>>
      %dma_wait3A_46 = tpu.memref_squeeze %dma_wait3A_45 : memref<1x40x128xi32, #tpu.memory_space<hbm>> -> memref<40x128xi32, #tpu.memory_space<hbm>>
      tpu.wait_dma2 semaphore(%run_scoped3A : memref<!tpu.dma_semaphore, #tpu.memory_space<semaphore_mem>>) src(%dma_wait3A_46 : memref<40x128xi32, #tpu.memory_space<hbm>>) dst(%dma_wait3A_42 : memref<40x128xi32, #tpu.memory_space<vmem>>)
      tpu.yield
    }) : () -> ()
    "tpu.region"() ({
      %run_scoped3A = tpu.sem_alloc : memref<!tpu.dma_semaphore, #tpu.memory_space<semaphore_mem>>
      %dma_start3A = arith.constant 0 : i32
      %dma_start3A_21 = arith.constant 0 : i32
      %dma_start3A_22 = tpu.memref_slice %arg8[%dma_start3A, %dma_start3A_21] : memref<40x128xi32, #tpu.memory_space<vmem>> -> memref<40x128xi32, #tpu.memory_space<vmem>>
      %dma_start3A_23 = arith.constant 0 : i32
      %dma_start3A_24 = arith.constant 0 : i32
      %dma_start3A_25 = tpu.memref_slice %arg4[%add3A, %dma_start3A_23, %dma_start3A_24] : memref<32x79x128xi32, #tpu.memory_space<hbm>> -> memref<1x40x128xi32, #tpu.memory_space<hbm>>
      %dma_start3A_26 = tpu.memref_squeeze %dma_start3A_25 : memref<1x40x128xi32, #tpu.memory_space<hbm>> -> memref<40x128xi32, #tpu.memory_space<hbm>>
      %dma_start3A_27 = arith.constant 0 : i32
      %dma_start3A_28 = arith.constant 0 : i32
      %dma_start3A_29 = tpu.memref_slice %arg8[%dma_start3A_27, %dma_start3A_28] : memref<40x128xi32, #tpu.memory_space<vmem>> -> memref<40x128xi32, #tpu.memory_space<vmem>>
      %dma_start3A_30 = arith.constant 0 : i32
      %dma_start3A_31 = arith.constant 0 : i32
      %dma_start3A_32 = tpu.memref_slice %arg4[%add3A, %dma_start3A_30, %dma_start3A_31] : memref<32x79x128xi32, #tpu.memory_space<hbm>> -> memref<1x40x128xi32, #tpu.memory_space<hbm>>
      %dma_start3A_33 = tpu.memref_squeeze %dma_start3A_32 : memref<1x40x128xi32, #tpu.memory_space<hbm>> -> memref<40x128xi32, #tpu.memory_space<hbm>>
      tpu.enqueue_dma source(%dma_start3A_33 : memref<40x128xi32, #tpu.memory_space<hbm>>) target(%dma_start3A_29 : memref<40x128xi32, #tpu.memory_space<vmem>>) target_semaphore(%run_scoped3A : memref<!tpu.dma_semaphore, #tpu.memory_space<semaphore_mem>>)
      %dma_wait3A = arith.constant 0 : i32
      %dma_wait3A_34 = arith.constant 0 : i32
      %dma_wait3A_35 = tpu.memref_slice %arg8[%dma_wait3A, %dma_wait3A_34] : memref<40x128xi32, #tpu.memory_space<vmem>> -> memref<40x128xi32, #tpu.memory_space<vmem>>
      %dma_wait3A_36 = arith.constant 0 : i32
      %dma_wait3A_37 = arith.constant 0 : i32
      %dma_wait3A_38 = tpu.memref_slice %arg4[%add3A, %dma_wait3A_36, %dma_wait3A_37] : memref<32x79x128xi32, #tpu.memory_space<hbm>> -> memref<1x40x128xi32, #tpu.memory_space<hbm>>
      %dma_wait3A_39 = tpu.memref_squeeze %dma_wait3A_38 : memref<1x40x128xi32, #tpu.memory_space<hbm>> -> memref<40x128xi32, #tpu.memory_space<hbm>>
      %dma_wait3A_40 = arith.constant 0 : i32
      %dma_wait3A_41 = arith.constant 0 : i32
      %dma_wait3A_42 = tpu.memref_slice %arg8[%dma_wait3A_40, %dma_wait3A_41] : memref<40x128xi32, #tpu.memory_space<vmem>> -> memref<40x128xi32, #tpu.memory_space<vmem>>
      %dma_wait3A_43 = arith.constant 0 : i32
      %dma_wait3A_44 = arith.constant 0 : i32
      %dma_wait3A_45 = tpu.memref_slice %arg4[%add3A, %dma_wait3A_43, %dma_wait3A_44] : memref<32x79x128xi32, #tpu.memory_space<hbm>> -> memref<1x40x128xi32, #tpu.memory_space<hbm>>
      %dma_wait3A_46 = tpu.memref_squeeze %dma_wait3A_45 : memref<1x40x128xi32, #tpu.memory_space<hbm>> -> memref<40x128xi32, #tpu.memory_space<hbm>>
      tpu.wait_dma2 semaphore(%run_scoped3A : memref<!tpu.dma_semaphore, #tpu.memory_space<semaphore_mem>>) src(%dma_wait3A_46 : memref<40x128xi32, #tpu.memory_space<hbm>>) dst(%dma_wait3A_42 : memref<40x128xi32, #tpu.memory_space<vmem>>)
      tpu.yield
    }) : () -> ()
    %scan3A = arith.constant 0 : i32
    %scan3A_5 = arith.constant 0 : i32
    %scan3A_6 = arith.constant 40 : i32
    %scan3A_7 = arith.addi %scan3A_5, %scan3A_6 : i32
    %scan3A_8 = arith.constant 1 : i32
    scf.for %scan3A_21 = %scan3A_5 to %scan3A_7 step %scan3A_8  : i32 {
      %dma_start3A = arith.constant 0 : i32
      %dma_start3A_22 = tpu.memref_slice %arg7[%scan3A_21, %dma_start3A] : memref<40x128xi32, #tpu.memory_space<vmem>> -> memref<1x128xi32, #tpu.memory_space<vmem>>
      %dma_start3A_23 = tpu.memref_squeeze %dma_start3A_22 : memref<1x128xi32, #tpu.memory_space<vmem>> -> memref<128xi32, #tpu.memory_space<vmem>>
      %dma_start3A_24 = arith.constant 0 : i32
      %dma_start3A_25 = arith.constant 0 : i32
      %dma_start3A_26 = tpu.memref_slice %arg2[%dma_start3A_24, %dma_start3A_25] : memref<10000x128xf32, #tpu.memory_space<hbm>> -> memref<10000x128xf32, #tpu.memory_space<hbm>>
      tpu.enqueue_indirect_dma source(%dma_start3A_26 : memref<10000x128xf32, #tpu.memory_space<hbm>>) target(%arg9 : memref<128x128xf32, #tpu.memory_space<vmem>>) offsets(%dma_start3A_23 : memref<128xi32, #tpu.memory_space<vmem>>) semaphore(%arg11 : memref<!tpu.dma_semaphore, #tpu.memory_space<semaphore_mem>>)
      %dma_wait3A = arith.constant 0 : i32
      %dma_wait3A_27 = tpu.memref_slice %arg7[%scan3A_21, %dma_wait3A] : memref<40x128xi32, #tpu.memory_space<vmem>> -> memref<1x128xi32, #tpu.memory_space<vmem>>
      %dma_wait3A_28 = tpu.memref_squeeze %dma_wait3A_27 : memref<1x128xi32, #tpu.memory_space<vmem>> -> memref<128xi32, #tpu.memory_space<vmem>>
      %dma_wait3A_29 = arith.constant 0 : i32
      %dma_wait3A_30 = arith.constant 0 : i32
      %dma_wait3A_31 = tpu.memref_slice %arg2[%dma_wait3A_29, %dma_wait3A_30] : memref<10000x128xf32, #tpu.memory_space<hbm>> -> memref<10000x128xf32, #tpu.memory_space<hbm>>
      tpu.wait_indirect_dma semaphore(%arg11 : memref<!tpu.dma_semaphore, #tpu.memory_space<semaphore_mem>>) src(%dma_wait3A_31 : memref<10000x128xf32, #tpu.memory_space<hbm>>) dst(%arg9 : memref<128x128xf32, #tpu.memory_space<vmem>>)
      "tpu.region"() ({
        %run_scoped3A = tpu.sem_alloc : memref<!tpu.dma_semaphore, #tpu.memory_space<semaphore_mem>>
        %dma_start3A_32 = arith.constant 0 : i32
        %dma_start3A_33 = tpu.memref_slice %arg8[%scan3A_21, %dma_start3A_32] : memref<40x128xi32, #tpu.memory_space<vmem>> -> memref<1x128xi32, #tpu.memory_space<vmem>>
        %dma_start3A_34 = tpu.memref_squeeze %dma_start3A_33 : memref<1x128xi32, #tpu.memory_space<vmem>> -> memref<128xi32, #tpu.memory_space<vmem>>
        %dma_start3A_35 = arith.constant 0 : i32
        %dma_start3A_36 = arith.constant 0 : i32
        %dma_start3A_37 = tpu.memref_slice %arg10[%dma_start3A_35, %dma_start3A_36] : memref<10112x128xf32, #tpu.memory_space<vmem_shared>> -> memref<10112x128xf32, #tpu.memory_space<vmem_shared>>
        tpu.enqueue_indirect_dma source(%arg9 : memref<128x128xf32, #tpu.memory_space<vmem>>) target(%dma_start3A_37 : memref<10112x128xf32, #tpu.memory_space<vmem_shared>>) offsets(%dma_start3A_34 : memref<128xi32, #tpu.memory_space<vmem>>) semaphore(%run_scoped3A : memref<!tpu.dma_semaphore, #tpu.memory_space<semaphore_mem>>) {add = true}
        %dma_wait3A_38 = arith.constant 0 : i32
        %dma_wait3A_39 = tpu.memref_slice %arg8[%scan3A_21, %dma_wait3A_38] : memref<40x128xi32, #tpu.memory_space<vmem>> -> memref<1x128xi32, #tpu.memory_space<vmem>>
        %dma_wait3A_40 = tpu.memref_squeeze %dma_wait3A_39 : memref<1x128xi32, #tpu.memory_space<vmem>> -> memref<128xi32, #tpu.memory_space<vmem>>
        %dma_wait3A_41 = arith.constant 0 : i32
        %dma_wait3A_42 = arith.constant 0 : i32
        %dma_wait3A_43 = tpu.memref_slice %arg10[%dma_wait3A_41, %dma_wait3A_42] : memref<10112x128xf32, #tpu.memory_space<vmem_shared>> -> memref<10112x128xf32, #tpu.memory_space<vmem_shared>>
        tpu.wait_indirect_dma semaphore(%run_scoped3A : memref<!tpu.dma_semaphore, #tpu.memory_space<semaphore_mem>>) src(%arg9 : memref<128x128xf32, #tpu.memory_space<vmem>>) dst(%dma_wait3A_43 : memref<10112x128xf32, #tpu.memory_space<vmem_shared>>)
        tpu.yield
      }) : () -> ()
    }
    %scan3A_9 = arith.constant 40 : i32
    "tpu.region"() ({
      %run_scoped3A = tpu.sem_alloc : memref<!tpu.dma_semaphore, #tpu.memory_space<semaphore_mem>>
      %dma_start3A = arith.constant 0 : i32
      %dma_start3A_21 = arith.constant 0 : i32
      %dma_start3A_22 = tpu.memref_slice %arg7[%dma_start3A, %dma_start3A_21] : memref<40x128xi32, #tpu.memory_space<vmem>> -> memref<39x128xi32, #tpu.memory_space<vmem>>
      %dma_start3A_23 = arith.constant 40 : i32
      %dma_start3A_24 = arith.constant 0 : i32
      %dma_start3A_25 = tpu.memref_slice %arg3[%add3A, %dma_start3A_23, %dma_start3A_24] : memref<32x79x128xi32, #tpu.memory_space<hbm>> -> memref<1x39x128xi32, #tpu.memory_space<hbm>>
      %dma_start3A_26 = tpu.memref_squeeze %dma_start3A_25 : memref<1x39x128xi32, #tpu.memory_space<hbm>> -> memref<39x128xi32, #tpu.memory_space<hbm>>
      %dma_start3A_27 = arith.constant 0 : i32
      %dma_start3A_28 = arith.constant 0 : i32
      %dma_start3A_29 = tpu.memref_slice %arg7[%dma_start3A_27, %dma_start3A_28] : memref<40x128xi32, #tpu.memory_space<vmem>> -> memref<39x128xi32, #tpu.memory_space<vmem>>
      %dma_start3A_30 = arith.constant 40 : i32
      %dma_start3A_31 = arith.constant 0 : i32
      %dma_start3A_32 = tpu.memref_slice %arg3[%add3A, %dma_start3A_30, %dma_start3A_31] : memref<32x79x128xi32, #tpu.memory_space<hbm>> -> memref<1x39x128xi32, #tpu.memory_space<hbm>>
      %dma_start3A_33 = tpu.memref_squeeze %dma_start3A_32 : memref<1x39x128xi32, #tpu.memory_space<hbm>> -> memref<39x128xi32, #tpu.memory_space<hbm>>
      tpu.enqueue_dma source(%dma_start3A_33 : memref<39x128xi32, #tpu.memory_space<hbm>>) target(%dma_start3A_29 : memref<39x128xi32, #tpu.memory_space<vmem>>) target_semaphore(%run_scoped3A : memref<!tpu.dma_semaphore, #tpu.memory_space<semaphore_mem>>)
      %dma_wait3A = arith.constant 0 : i32
      %dma_wait3A_34 = arith.constant 0 : i32
      %dma_wait3A_35 = tpu.memref_slice %arg7[%dma_wait3A, %dma_wait3A_34] : memref<40x128xi32, #tpu.memory_space<vmem>> -> memref<39x128xi32, #tpu.memory_space<vmem>>
      %dma_wait3A_36 = arith.constant 40 : i32
      %dma_wait3A_37 = arith.constant 0 : i32
      %dma_wait3A_38 = tpu.memref_slice %arg3[%add3A, %dma_wait3A_36, %dma_wait3A_37] : memref<32x79x128xi32, #tpu.memory_space<hbm>> -> memref<1x39x128xi32, #tpu.memory_space<hbm>>
      %dma_wait3A_39 = tpu.memref_squeeze %dma_wait3A_38 : memref<1x39x128xi32, #tpu.memory_space<hbm>> -> memref<39x128xi32, #tpu.memory_space<hbm>>
      %dma_wait3A_40 = arith.constant 0 : i32
      %dma_wait3A_41 = arith.constant 0 : i32
      %dma_wait3A_42 = tpu.memref_slice %arg7[%dma_wait3A_40, %dma_wait3A_41] : memref<40x128xi32, #tpu.memory_space<vmem>> -> memref<39x128xi32, #tpu.memory_space<vmem>>
      %dma_wait3A_43 = arith.constant 40 : i32
      %dma_wait3A_44 = arith.constant 0 : i32
      %dma_wait3A_45 = tpu.memref_slice %arg3[%add3A, %dma_wait3A_43, %dma_wait3A_44] : memref<32x79x128xi32, #tpu.memory_space<hbm>> -> memref<1x39x128xi32, #tpu.memory_space<hbm>>
      %dma_wait3A_46 = tpu.memref_squeeze %dma_wait3A_45 : memref<1x39x128xi32, #tpu.memory_space<hbm>> -> memref<39x128xi32, #tpu.memory_space<hbm>>
      tpu.wait_dma2 semaphore(%run_scoped3A : memref<!tpu.dma_semaphore, #tpu.memory_space<semaphore_mem>>) src(%dma_wait3A_46 : memref<39x128xi32, #tpu.memory_space<hbm>>) dst(%dma_wait3A_42 : memref<39x128xi32, #tpu.memory_space<vmem>>)
      tpu.yield
    }) : () -> ()
    "tpu.region"() ({
      %run_scoped3A = tpu.sem_alloc : memref<!tpu.dma_semaphore, #tpu.memory_space<semaphore_mem>>
      %dma_start3A = arith.constant 0 : i32
      %dma_start3A_21 = arith.constant 0 : i32
      %dma_start3A_22 = tpu.memref_slice %arg8[%dma_start3A, %dma_start3A_21] : memref<40x128xi32, #tpu.memory_space<vmem>> -> memref<39x128xi32, #tpu.memory_space<vmem>>
      %dma_start3A_23 = arith.constant 40 : i32
      %dma_start3A_24 = arith.constant 0 : i32
      %dma_start3A_25 = tpu.memref_slice %arg4[%add3A, %dma_start3A_23, %dma_start3A_24] : memref<32x79x128xi32, #tpu.memory_space<hbm>> -> memref<1x39x128xi32, #tpu.memory_space<hbm>>
      %dma_start3A_26 = tpu.memref_squeeze %dma_start3A_25 : memref<1x39x128xi32, #tpu.memory_space<hbm>> -> memref<39x128xi32, #tpu.memory_space<hbm>>
      %dma_start3A_27 = arith.constant 0 : i32
      %dma_start3A_28 = arith.constant 0 : i32
      %dma_start3A_29 = tpu.memref_slice %arg8[%dma_start3A_27, %dma_start3A_28] : memref<40x128xi32, #tpu.memory_space<vmem>> -> memref<39x128xi32, #tpu.memory_space<vmem>>
      %dma_start3A_30 = arith.constant 40 : i32
      %dma_start3A_31 = arith.constant 0 : i32
      %dma_start3A_32 = tpu.memref_slice %arg4[%add3A, %dma_start3A_30, %dma_start3A_31] : memref<32x79x128xi32, #tpu.memory_space<hbm>> -> memref<1x39x128xi32, #tpu.memory_space<hbm>>
      %dma_start3A_33 = tpu.memref_squeeze %dma_start3A_32 : memref<1x39x128xi32, #tpu.memory_space<hbm>> -> memref<39x128xi32, #tpu.memory_space<hbm>>
      tpu.enqueue_dma source(%dma_start3A_33 : memref<39x128xi32, #tpu.memory_space<hbm>>) target(%dma_start3A_29 : memref<39x128xi32, #tpu.memory_space<vmem>>) target_semaphore(%run_scoped3A : memref<!tpu.dma_semaphore, #tpu.memory_space<semaphore_mem>>)
      %dma_wait3A = arith.constant 0 : i32
      %dma_wait3A_34 = arith.constant 0 : i32
      %dma_wait3A_35 = tpu.memref_slice %arg8[%dma_wait3A, %dma_wait3A_34] : memref<40x128xi32, #tpu.memory_space<vmem>> -> memref<39x128xi32, #tpu.memory_space<vmem>>
      %dma_wait3A_36 = arith.constant 40 : i32
      %dma_wait3A_37 = arith.constant 0 : i32
      %dma_wait3A_38 = tpu.memref_slice %arg4[%add3A, %dma_wait3A_36, %dma_wait3A_37] : memref<32x79x128xi32, #tpu.memory_space<hbm>> -> memref<1x39x128xi32, #tpu.memory_space<hbm>>
      %dma_wait3A_39 = tpu.memref_squeeze %dma_wait3A_38 : memref<1x39x128xi32, #tpu.memory_space<hbm>> -> memref<39x128xi32, #tpu.memory_space<hbm>>
      %dma_wait3A_40 = arith.constant 0 : i32
      %dma_wait3A_41 = arith.constant 0 : i32
      %dma_wait3A_42 = tpu.memref_slice %arg8[%dma_wait3A_40, %dma_wait3A_41] : memref<40x128xi32, #tpu.memory_space<vmem>> -> memref<39x128xi32, #tpu.memory_space<vmem>>
      %dma_wait3A_43 = arith.constant 40 : i32
      %dma_wait3A_44 = arith.constant 0 : i32
      %dma_wait3A_45 = tpu.memref_slice %arg4[%add3A, %dma_wait3A_43, %dma_wait3A_44] : memref<32x79x128xi32, #tpu.memory_space<hbm>> -> memref<1x39x128xi32, #tpu.memory_space<hbm>>
      %dma_wait3A_46 = tpu.memref_squeeze %dma_wait3A_45 : memref<1x39x128xi32, #tpu.memory_space<hbm>> -> memref<39x128xi32, #tpu.memory_space<hbm>>
      tpu.wait_dma2 semaphore(%run_scoped3A : memref<!tpu.dma_semaphore, #tpu.memory_space<semaphore_mem>>) src(%dma_wait3A_46 : memref<39x128xi32, #tpu.memory_space<hbm>>) dst(%dma_wait3A_42 : memref<39x128xi32, #tpu.memory_space<vmem>>)
      tpu.yield
    }) : () -> ()
    %scan3A_10 = arith.constant 0 : i32
    %scan3A_11 = arith.constant 0 : i32
    %scan3A_12 = arith.constant 39 : i32
    %scan3A_13 = arith.addi %scan3A_11, %scan3A_12 : i32
    %scan3A_14 = arith.constant 1 : i32
    scf.for %scan3A_21 = %scan3A_11 to %scan3A_13 step %scan3A_14  : i32 {
      %dma_start3A = arith.constant 0 : i32
      %dma_start3A_22 = tpu.memref_slice %arg7[%scan3A_21, %dma_start3A] : memref<40x128xi32, #tpu.memory_space<vmem>> -> memref<1x128xi32, #tpu.memory_space<vmem>>
      %dma_start3A_23 = tpu.memref_squeeze %dma_start3A_22 : memref<1x128xi32, #tpu.memory_space<vmem>> -> memref<128xi32, #tpu.memory_space<vmem>>
      %dma_start3A_24 = arith.constant 0 : i32
      %dma_start3A_25 = arith.constant 0 : i32
      %dma_start3A_26 = tpu.memref_slice %arg2[%dma_start3A_24, %dma_start3A_25] : memref<10000x128xf32, #tpu.memory_space<hbm>> -> memref<10000x128xf32, #tpu.memory_space<hbm>>
      tpu.enqueue_indirect_dma source(%dma_start3A_26 : memref<10000x128xf32, #tpu.memory_space<hbm>>) target(%arg9 : memref<128x128xf32, #tpu.memory_space<vmem>>) offsets(%dma_start3A_23 : memref<128xi32, #tpu.memory_space<vmem>>) semaphore(%arg11 : memref<!tpu.dma_semaphore, #tpu.memory_space<semaphore_mem>>)
      %dma_wait3A = arith.constant 0 : i32
      %dma_wait3A_27 = tpu.memref_slice %arg7[%scan3A_21, %dma_wait3A] : memref<40x128xi32, #tpu.memory_space<vmem>> -> memref<1x128xi32, #tpu.memory_space<vmem>>
      %dma_wait3A_28 = tpu.memref_squeeze %dma_wait3A_27 : memref<1x128xi32, #tpu.memory_space<vmem>> -> memref<128xi32, #tpu.memory_space<vmem>>
      %dma_wait3A_29 = arith.constant 0 : i32
      %dma_wait3A_30 = arith.constant 0 : i32
      %dma_wait3A_31 = tpu.memref_slice %arg2[%dma_wait3A_29, %dma_wait3A_30] : memref<10000x128xf32, #tpu.memory_space<hbm>> -> memref<10000x128xf32, #tpu.memory_space<hbm>>
      tpu.wait_indirect_dma semaphore(%arg11 : memref<!tpu.dma_semaphore, #tpu.memory_space<semaphore_mem>>) src(%dma_wait3A_31 : memref<10000x128xf32, #tpu.memory_space<hbm>>) dst(%arg9 : memref<128x128xf32, #tpu.memory_space<vmem>>)
      "tpu.region"() ({
        %run_scoped3A = tpu.sem_alloc : memref<!tpu.dma_semaphore, #tpu.memory_space<semaphore_mem>>
        %dma_start3A_32 = arith.constant 0 : i32
        %dma_start3A_33 = tpu.memref_slice %arg8[%scan3A_21, %dma_start3A_32] : memref<40x128xi32, #tpu.memory_space<vmem>> -> memref<1x128xi32, #tpu.memory_space<vmem>>
        %dma_start3A_34 = tpu.memref_squeeze %dma_start3A_33 : memref<1x128xi32, #tpu.memory_space<vmem>> -> memref<128xi32, #tpu.memory_space<vmem>>
        %dma_start3A_35 = arith.constant 0 : i32
        %dma_start3A_36 = arith.constant 0 : i32
        %dma_start3A_37 = tpu.memref_slice %arg10[%dma_start3A_35, %dma_start3A_36] : memref<10112x128xf32, #tpu.memory_space<vmem_shared>> -> memref<10112x128xf32, #tpu.memory_space<vmem_shared>>
        tpu.enqueue_indirect_dma source(%arg9 : memref<128x128xf32, #tpu.memory_space<vmem>>) target(%dma_start3A_37 : memref<10112x128xf32, #tpu.memory_space<vmem_shared>>) offsets(%dma_start3A_34 : memref<128xi32, #tpu.memory_space<vmem>>) semaphore(%run_scoped3A : memref<!tpu.dma_semaphore, #tpu.memory_space<semaphore_mem>>) {add = true}
        %dma_wait3A_38 = arith.constant 0 : i32
        %dma_wait3A_39 = tpu.memref_slice %arg8[%scan3A_21, %dma_wait3A_38] : memref<40x128xi32, #tpu.memory_space<vmem>> -> memref<1x128xi32, #tpu.memory_space<vmem>>
        %dma_wait3A_40 = tpu.memref_squeeze %dma_wait3A_39 : memref<1x128xi32, #tpu.memory_space<vmem>> -> memref<128xi32, #tpu.memory_space<vmem>>
        %dma_wait3A_41 = arith.constant 0 : i32
        %dma_wait3A_42 = arith.constant 0 : i32
        %dma_wait3A_43 = tpu.memref_slice %arg10[%dma_wait3A_41, %dma_wait3A_42] : memref<10112x128xf32, #tpu.memory_space<vmem_shared>> -> memref<10112x128xf32, #tpu.memory_space<vmem_shared>>
        tpu.wait_indirect_dma semaphore(%run_scoped3A : memref<!tpu.dma_semaphore, #tpu.memory_space<semaphore_mem>>) src(%arg9 : memref<128x128xf32, #tpu.memory_space<vmem>>) dst(%dma_wait3A_43 : memref<10112x128xf32, #tpu.memory_space<vmem_shared>>)
        tpu.yield
      }) : () -> ()
    }
    %scan3A_15 = arith.constant 39 : i32
    %barrier3A_16 = arith.constant 0 : index
    tpu.barrier barrier_id(%barrier3A_16)
    %mul3A_17 = arith.constant 632 : i32
    %mul3A_18 = arith.muli %arg1, %mul3A_17 : i32
    %mul3A_19 = arith.constant 632 : i32
    %mul3A_20 = arith.muli %arg1, %mul3A_19 : i32
    "tpu.region"() ({
      %run_scoped3A = tpu.sem_alloc : memref<!tpu.dma_semaphore, #tpu.memory_space<semaphore_mem>>
      %dma_start3A = arith.constant 0 : i32
      %dma_start3A_21 = tpu.memref_slice %arg6[%arg0, %mul3A_20, %dma_start3A] : memref<2x10112x128xf32, #tpu.memory_space<hbm>> -> memref<1x632x128xf32, #tpu.memory_space<hbm>>
      %dma_start3A_22 = tpu.memref_squeeze %dma_start3A_21 : memref<1x632x128xf32, #tpu.memory_space<hbm>> -> memref<632x128xf32, #tpu.memory_space<hbm>>
      %dma_start3A_23 = arith.constant 0 : i32
      %dma_start3A_24 = tpu.memref_slice %arg10[%mul3A_18, %dma_start3A_23] : memref<10112x128xf32, #tpu.memory_space<vmem_shared>> -> memref<632x128xf32, #tpu.memory_space<vmem_shared>>
      tpu.enqueue_dma source(%dma_start3A_24 : memref<632x128xf32, #tpu.memory_space<vmem_shared>>) target(%dma_start3A_22 : memref<632x128xf32, #tpu.memory_space<hbm>>) target_semaphore(%run_scoped3A : memref<!tpu.dma_semaphore, #tpu.memory_space<semaphore_mem>>)
      %dma_wait3A = arith.constant 0 : i32
      %dma_wait3A_25 = tpu.memref_slice %arg6[%arg0, %mul3A_20, %dma_wait3A] : memref<2x10112x128xf32, #tpu.memory_space<hbm>> -> memref<1x632x128xf32, #tpu.memory_space<hbm>>
      %dma_wait3A_26 = tpu.memref_squeeze %dma_wait3A_25 : memref<1x632x128xf32, #tpu.memory_space<hbm>> -> memref<632x128xf32, #tpu.memory_space<hbm>>
      %dma_wait3A_27 = arith.constant 0 : i32
      %dma_wait3A_28 = tpu.memref_slice %arg10[%mul3A_18, %dma_wait3A_27] : memref<10112x128xf32, #tpu.memory_space<vmem_shared>> -> memref<632x128xf32, #tpu.memory_space<vmem_shared>>
      tpu.wait_dma2 semaphore(%run_scoped3A : memref<!tpu.dma_semaphore, #tpu.memory_space<semaphore_mem>>) src(%dma_wait3A_28 : memref<632x128xf32, #tpu.memory_space<vmem_shared>>) dst(%dma_wait3A_26 : memref<632x128xf32, #tpu.memory_space<hbm>>)
      tpu.yield
    }) : () -> ()
    return
  }
}

#map = affine_map<(d0, d1) -> (0, 0)>
#map1 = affine_map<(d0, d1) -> (0, 0, 0)>
module attributes {stable_mosaic.version = 14 : i64} {
  func.func @_segsum(%arg0: i32, %arg1: i32, %arg2: memref<10000x128xf32, #tpu.memory_space<hbm>>, %arg3: memref<32x79x128xi32, #tpu.memory_space<hbm>>, %arg4: memref<32x79x128xi32, #tpu.memory_space<hbm>>, %arg5: memref<10112x128xf32, #tpu.memory_space<hbm>>, %arg6: memref<2x10112x128xf32, #tpu.memory_space<hbm>>, %arg7: memref<40x128xi32, #tpu.memory_space<vmem>>, %arg8: memref<40x128xi32, #tpu.memory_space<vmem>>, %arg9: memref<128x128xf32, #tpu.memory_space<vmem>>, %arg10: memref<10112x128xf32, #tpu.memory_space<vmem_shared>>, %arg11: memref<!tpu.dma_semaphore, #tpu.memory_space<semaphore_mem>>) attributes {dimension_semantics = [#tpu.dimension_semantics<core_parallel>, #tpu.dimension_semantics<subcore_parallel>], iteration_bounds = array<i64: 2, 16>, scalar_prefetch = 0 : i64, scratch_operands = 5 : i64, tpu.core_type = #tpu.core_type<sc_vector_subcore>, window_params = [{transform_indices = #map}, {transform_indices = #map1}, {transform_indices = #map1}, {transform_indices = #map}, {transform_indices = #map1}]} {
    %mul3A = arith.constant 16 : i32
    %mul3A_0 = arith.muli %arg0, %mul3A : i32
    %add3A = arith.addi %mul3A_0, %arg1 : i32
    %mul3A_1 = arith.constant 632 : i32
    %mul3A_2 = arith.muli %arg1, %mul3A_1 : i32
    %mul3A_3 = arith.constant 632 : i32
    %mul3A_4 = arith.muli %arg1, %mul3A_3 : i32
    "tpu.region"() ({
      %run_scoped3A = tpu.sem_alloc : memref<!tpu.dma_semaphore, #tpu.memory_space<semaphore_mem>>
      %dma_start3A = arith.constant 0 : i32
      %dma_start3A_21 = tpu.memref_slice %arg10[%mul3A_4, %dma_start3A] : memref<10112x128xf32, #tpu.memory_space<vmem_shared>> -> memref<632x128xf32, #tpu.memory_space<vmem_shared>>
      %dma_start3A_22 = arith.constant 0 : i32
      %dma_start3A_23 = tpu.memref_slice %arg5[%mul3A_2, %dma_start3A_22] : memref<10112x128xf32, #tpu.memory_space<hbm>> -> memref<632x128xf32, #tpu.memory_space<hbm>>
      tpu.enqueue_dma source(%dma_start3A_23 : memref<632x128xf32, #tpu.memory_space<hbm>>) target(%dma_start3A_21 : memref<632x128xf32, #tpu.memory_space<vmem_shared>>) target_semaphore(%run_scoped3A : memref<!tpu.dma_semaphore, #tpu.memory_space<semaphore_mem>>)
      %dma_wait3A = arith.constant 0 : i32
      %dma_wait3A_24 = tpu.memref_slice %arg10[%mul3A_4, %dma_wait3A] : memref<10112x128xf32, #tpu.memory_space<vmem_shared>> -> memref<632x128xf32, #tpu.memory_space<vmem_shared>>
      %dma_wait3A_25 = arith.constant 0 : i32
      %dma_wait3A_26 = tpu.memref_slice %arg5[%mul3A_2, %dma_wait3A_25] : memref<10112x128xf32, #tpu.memory_space<hbm>> -> memref<632x128xf32, #tpu.memory_space<hbm>>
      tpu.wait_dma2 semaphore(%run_scoped3A : memref<!tpu.dma_semaphore, #tpu.memory_space<semaphore_mem>>) src(%dma_wait3A_26 : memref<632x128xf32, #tpu.memory_space<hbm>>) dst(%dma_wait3A_24 : memref<632x128xf32, #tpu.memory_space<vmem_shared>>)
      tpu.yield
    }) : () -> ()
    %barrier3A = arith.constant 0 : index
    tpu.barrier barrier_id(%barrier3A)
    "tpu.region"() ({
      %run_scoped3A = tpu.sem_alloc : memref<!tpu.dma_semaphore, #tpu.memory_space<semaphore_mem>>
      %dma_start3A = arith.constant 0 : i32
      %dma_start3A_21 = arith.constant 0 : i32
      %dma_start3A_22 = tpu.memref_slice %arg7[%dma_start3A, %dma_start3A_21] : memref<40x128xi32, #tpu.memory_space<vmem>> -> memref<40x128xi32, #tpu.memory_space<vmem>>
      %dma_start3A_23 = arith.constant 0 : i32
      %dma_start3A_24 = arith.constant 0 : i32
      %dma_start3A_25 = tpu.memref_slice %arg3[%add3A, %dma_start3A_23, %dma_start3A_24] : memref<32x79x128xi32, #tpu.memory_space<hbm>> -> memref<1x40x128xi32, #tpu.memory_space<hbm>>
      %dma_start3A_26 = tpu.memref_squeeze %dma_start3A_25 : memref<1x40x128xi32, #tpu.memory_space<hbm>> -> memref<40x128xi32, #tpu.memory_space<hbm>>
      %dma_start3A_27 = arith.constant 0 : i32
      %dma_start3A_28 = arith.constant 0 : i32
      %dma_start3A_29 = tpu.memref_slice %arg7[%dma_start3A_27, %dma_start3A_28] : memref<40x128xi32, #tpu.memory_space<vmem>> -> memref<40x128xi32, #tpu.memory_space<vmem>>
      %dma_start3A_30 = arith.constant 0 : i32
      %dma_start3A_31 = arith.constant 0 : i32
      %dma_start3A_32 = tpu.memref_slice %arg3[%add3A, %dma_start3A_30, %dma_start3A_31] : memref<32x79x128xi32, #tpu.memory_space<hbm>> -> memref<1x40x128xi32, #tpu.memory_space<hbm>>
      %dma_start3A_33 = tpu.memref_squeeze %dma_start3A_32 : memref<1x40x128xi32, #tpu.memory_space<hbm>> -> memref<40x128xi32, #tpu.memory_space<hbm>>
      tpu.enqueue_dma source(%dma_start3A_33 : memref<40x128xi32, #tpu.memory_space<hbm>>) target(%dma_start3A_29 : memref<40x128xi32, #tpu.memory_space<vmem>>) target_semaphore(%run_scoped3A : memref<!tpu.dma_semaphore, #tpu.memory_space<semaphore_mem>>)
      %dma_wait3A = arith.constant 0 : i32
      %dma_wait3A_34 = arith.constant 0 : i32
      %dma_wait3A_35 = tpu.memref_slice %arg7[%dma_wait3A, %dma_wait3A_34] : memref<40x128xi32, #tpu.memory_space<vmem>> -> memref<40x128xi32, #tpu.memory_space<vmem>>
      %dma_wait3A_36 = arith.constant 0 : i32
      %dma_wait3A_37 = arith.constant 0 : i32
      %dma_wait3A_38 = tpu.memref_slice %arg3[%add3A, %dma_wait3A_36, %dma_wait3A_37] : memref<32x79x128xi32, #tpu.memory_space<hbm>> -> memref<1x40x128xi32, #tpu.memory_space<hbm>>
      %dma_wait3A_39 = tpu.memref_squeeze %dma_wait3A_38 : memref<1x40x128xi32, #tpu.memory_space<hbm>> -> memref<40x128xi32, #tpu.memory_space<hbm>>
      %dma_wait3A_40 = arith.constant 0 : i32
      %dma_wait3A_41 = arith.constant 0 : i32
      %dma_wait3A_42 = tpu.memref_slice %arg7[%dma_wait3A_40, %dma_wait3A_41] : memref<40x128xi32, #tpu.memory_space<vmem>> -> memref<40x128xi32, #tpu.memory_space<vmem>>
      %dma_wait3A_43 = arith.constant 0 : i32
      %dma_wait3A_44 = arith.constant 0 : i32
      %dma_wait3A_45 = tpu.memref_slice %arg3[%add3A, %dma_wait3A_43, %dma_wait3A_44] : memref<32x79x128xi32, #tpu.memory_space<hbm>> -> memref<1x40x128xi32, #tpu.memory_space<hbm>>
      %dma_wait3A_46 = tpu.memref_squeeze %dma_wait3A_45 : memref<1x40x128xi32, #tpu.memory_space<hbm>> -> memref<40x128xi32, #tpu.memory_space<hbm>>
      tpu.wait_dma2 semaphore(%run_scoped3A : memref<!tpu.dma_semaphore, #tpu.memory_space<semaphore_mem>>) src(%dma_wait3A_46 : memref<40x128xi32, #tpu.memory_space<hbm>>) dst(%dma_wait3A_42 : memref<40x128xi32, #tpu.memory_space<vmem>>)
      tpu.yield
    }) : () -> ()
    "tpu.region"() ({
      %run_scoped3A = tpu.sem_alloc : memref<!tpu.dma_semaphore, #tpu.memory_space<semaphore_mem>>
      %dma_start3A = arith.constant 0 : i32
      %dma_start3A_21 = arith.constant 0 : i32
      %dma_start3A_22 = tpu.memref_slice %arg8[%dma_start3A, %dma_start3A_21] : memref<40x128xi32, #tpu.memory_space<vmem>> -> memref<40x128xi32, #tpu.memory_space<vmem>>
      %dma_start3A_23 = arith.constant 0 : i32
      %dma_start3A_24 = arith.constant 0 : i32
      %dma_start3A_25 = tpu.memref_slice %arg4[%add3A, %dma_start3A_23, %dma_start3A_24] : memref<32x79x128xi32, #tpu.memory_space<hbm>> -> memref<1x40x128xi32, #tpu.memory_space<hbm>>
      %dma_start3A_26 = tpu.memref_squeeze %dma_start3A_25 : memref<1x40x128xi32, #tpu.memory_space<hbm>> -> memref<40x128xi32, #tpu.memory_space<hbm>>
      %dma_start3A_27 = arith.constant 0 : i32
      %dma_start3A_28 = arith.constant 0 : i32
      %dma_start3A_29 = tpu.memref_slice %arg8[%dma_start3A_27, %dma_start3A_28] : memref<40x128xi32, #tpu.memory_space<vmem>> -> memref<40x128xi32, #tpu.memory_space<vmem>>
      %dma_start3A_30 = arith.constant 0 : i32
      %dma_start3A_31 = arith.constant 0 : i32
      %dma_start3A_32 = tpu.memref_slice %arg4[%add3A, %dma_start3A_30, %dma_start3A_31] : memref<32x79x128xi32, #tpu.memory_space<hbm>> -> memref<1x40x128xi32, #tpu.memory_space<hbm>>
      %dma_start3A_33 = tpu.memref_squeeze %dma_start3A_32 : memref<1x40x128xi32, #tpu.memory_space<hbm>> -> memref<40x128xi32, #tpu.memory_space<hbm>>
      tpu.enqueue_dma source(%dma_start3A_33 : memref<40x128xi32, #tpu.memory_space<hbm>>) target(%dma_start3A_29 : memref<40x128xi32, #tpu.memory_space<vmem>>) target_semaphore(%run_scoped3A : memref<!tpu.dma_semaphore, #tpu.memory_space<semaphore_mem>>)
      %dma_wait3A = arith.constant 0 : i32
      %dma_wait3A_34 = arith.constant 0 : i32
      %dma_wait3A_35 = tpu.memref_slice %arg8[%dma_wait3A, %dma_wait3A_34] : memref<40x128xi32, #tpu.memory_space<vmem>> -> memref<40x128xi32, #tpu.memory_space<vmem>>
      %dma_wait3A_36 = arith.constant 0 : i32
      %dma_wait3A_37 = arith.constant 0 : i32
      %dma_wait3A_38 = tpu.memref_slice %arg4[%add3A, %dma_wait3A_36, %dma_wait3A_37] : memref<32x79x128xi32, #tpu.memory_space<hbm>> -> memref<1x40x128xi32, #tpu.memory_space<hbm>>
      %dma_wait3A_39 = tpu.memref_squeeze %dma_wait3A_38 : memref<1x40x128xi32, #tpu.memory_space<hbm>> -> memref<40x128xi32, #tpu.memory_space<hbm>>
      %dma_wait3A_40 = arith.constant 0 : i32
      %dma_wait3A_41 = arith.constant 0 : i32
      %dma_wait3A_42 = tpu.memref_slice %arg8[%dma_wait3A_40, %dma_wait3A_41] : memref<40x128xi32, #tpu.memory_space<vmem>> -> memref<40x128xi32, #tpu.memory_space<vmem>>
      %dma_wait3A_43 = arith.constant 0 : i32
      %dma_wait3A_44 = arith.constant 0 : i32
      %dma_wait3A_45 = tpu.memref_slice %arg4[%add3A, %dma_wait3A_43, %dma_wait3A_44] : memref<32x79x128xi32, #tpu.memory_space<hbm>> -> memref<1x40x128xi32, #tpu.memory_space<hbm>>
      %dma_wait3A_46 = tpu.memref_squeeze %dma_wait3A_45 : memref<1x40x128xi32, #tpu.memory_space<hbm>> -> memref<40x128xi32, #tpu.memory_space<hbm>>
      tpu.wait_dma2 semaphore(%run_scoped3A : memref<!tpu.dma_semaphore, #tpu.memory_space<semaphore_mem>>) src(%dma_wait3A_46 : memref<40x128xi32, #tpu.memory_space<hbm>>) dst(%dma_wait3A_42 : memref<40x128xi32, #tpu.memory_space<vmem>>)
      tpu.yield
    }) : () -> ()
    %scan3A = arith.constant 0 : i32
    %scan3A_5 = arith.constant 0 : i32
    %scan3A_6 = arith.constant 40 : i32
    %scan3A_7 = arith.addi %scan3A_5, %scan3A_6 : i32
    %scan3A_8 = arith.constant 1 : i32
    scf.for %scan3A_21 = %scan3A_5 to %scan3A_7 step %scan3A_8  : i32 {
      %dma_start3A = arith.constant 0 : i32
      %dma_start3A_22 = tpu.memref_slice %arg7[%scan3A_21, %dma_start3A] : memref<40x128xi32, #tpu.memory_space<vmem>> -> memref<1x128xi32, #tpu.memory_space<vmem>>
      %dma_start3A_23 = tpu.memref_squeeze %dma_start3A_22 : memref<1x128xi32, #tpu.memory_space<vmem>> -> memref<128xi32, #tpu.memory_space<vmem>>
      %dma_start3A_24 = arith.constant 0 : i32
      %dma_start3A_25 = arith.constant 0 : i32
      %dma_start3A_26 = tpu.memref_slice %arg2[%dma_start3A_24, %dma_start3A_25] : memref<10000x128xf32, #tpu.memory_space<hbm>> -> memref<10000x128xf32, #tpu.memory_space<hbm>>
      tpu.enqueue_indirect_dma source(%dma_start3A_26 : memref<10000x128xf32, #tpu.memory_space<hbm>>) target(%arg9 : memref<128x128xf32, #tpu.memory_space<vmem>>) offsets(%dma_start3A_23 : memref<128xi32, #tpu.memory_space<vmem>>) semaphore(%arg11 : memref<!tpu.dma_semaphore, #tpu.memory_space<semaphore_mem>>)
      %dma_wait3A = arith.constant 0 : i32
      %dma_wait3A_27 = tpu.memref_slice %arg7[%scan3A_21, %dma_wait3A] : memref<40x128xi32, #tpu.memory_space<vmem>> -> memref<1x128xi32, #tpu.memory_space<vmem>>
      %dma_wait3A_28 = tpu.memref_squeeze %dma_wait3A_27 : memref<1x128xi32, #tpu.memory_space<vmem>> -> memref<128xi32, #tpu.memory_space<vmem>>
      %dma_wait3A_29 = arith.constant 0 : i32
      %dma_wait3A_30 = arith.constant 0 : i32
      %dma_wait3A_31 = tpu.memref_slice %arg2[%dma_wait3A_29, %dma_wait3A_30] : memref<10000x128xf32, #tpu.memory_space<hbm>> -> memref<10000x128xf32, #tpu.memory_space<hbm>>
      tpu.wait_indirect_dma semaphore(%arg11 : memref<!tpu.dma_semaphore, #tpu.memory_space<semaphore_mem>>) src(%dma_wait3A_31 : memref<10000x128xf32, #tpu.memory_space<hbm>>) dst(%arg9 : memref<128x128xf32, #tpu.memory_space<vmem>>)
      "tpu.region"() ({
        %run_scoped3A = tpu.sem_alloc : memref<!tpu.dma_semaphore, #tpu.memory_space<semaphore_mem>>
        %dma_start3A_32 = arith.constant 0 : i32
        %dma_start3A_33 = tpu.memref_slice %arg8[%scan3A_21, %dma_start3A_32] : memref<40x128xi32, #tpu.memory_space<vmem>> -> memref<1x128xi32, #tpu.memory_space<vmem>>
        %dma_start3A_34 = tpu.memref_squeeze %dma_start3A_33 : memref<1x128xi32, #tpu.memory_space<vmem>> -> memref<128xi32, #tpu.memory_space<vmem>>
        %dma_start3A_35 = arith.constant 0 : i32
        %dma_start3A_36 = arith.constant 0 : i32
        %dma_start3A_37 = tpu.memref_slice %arg10[%dma_start3A_35, %dma_start3A_36] : memref<10112x128xf32, #tpu.memory_space<vmem_shared>> -> memref<10112x128xf32, #tpu.memory_space<vmem_shared>>
        tpu.enqueue_indirect_dma source(%arg9 : memref<128x128xf32, #tpu.memory_space<vmem>>) target(%dma_start3A_37 : memref<10112x128xf32, #tpu.memory_space<vmem_shared>>) offsets(%dma_start3A_34 : memref<128xi32, #tpu.memory_space<vmem>>) semaphore(%run_scoped3A : memref<!tpu.dma_semaphore, #tpu.memory_space<semaphore_mem>>) {add = true}
        %dma_wait3A_38 = arith.constant 0 : i32
        %dma_wait3A_39 = tpu.memref_slice %arg8[%scan3A_21, %dma_wait3A_38] : memref<40x128xi32, #tpu.memory_space<vmem>> -> memref<1x128xi32, #tpu.memory_space<vmem>>
        %dma_wait3A_40 = tpu.memref_squeeze %dma_wait3A_39 : memref<1x128xi32, #tpu.memory_space<vmem>> -> memref<128xi32, #tpu.memory_space<vmem>>
        %dma_wait3A_41 = arith.constant 0 : i32
        %dma_wait3A_42 = arith.constant 0 : i32
        %dma_wait3A_43 = tpu.memref_slice %arg10[%dma_wait3A_41, %dma_wait3A_42] : memref<10112x128xf32, #tpu.memory_space<vmem_shared>> -> memref<10112x128xf32, #tpu.memory_space<vmem_shared>>
        tpu.wait_indirect_dma semaphore(%run_scoped3A : memref<!tpu.dma_semaphore, #tpu.memory_space<semaphore_mem>>) src(%arg9 : memref<128x128xf32, #tpu.memory_space<vmem>>) dst(%dma_wait3A_43 : memref<10112x128xf32, #tpu.memory_space<vmem_shared>>)
        tpu.yield
      }) : () -> ()
    }
    %scan3A_9 = arith.constant 40 : i32
    "tpu.region"() ({
      %run_scoped3A = tpu.sem_alloc : memref<!tpu.dma_semaphore, #tpu.memory_space<semaphore_mem>>
      %dma_start3A = arith.constant 0 : i32
      %dma_start3A_21 = arith.constant 0 : i32
      %dma_start3A_22 = tpu.memref_slice %arg7[%dma_start3A, %dma_start3A_21] : memref<40x128xi32, #tpu.memory_space<vmem>> -> memref<39x128xi32, #tpu.memory_space<vmem>>
      %dma_start3A_23 = arith.constant 40 : i32
      %dma_start3A_24 = arith.constant 0 : i32
      %dma_start3A_25 = tpu.memref_slice %arg3[%add3A, %dma_start3A_23, %dma_start3A_24] : memref<32x79x128xi32, #tpu.memory_space<hbm>> -> memref<1x39x128xi32, #tpu.memory_space<hbm>>
      %dma_start3A_26 = tpu.memref_squeeze %dma_start3A_25 : memref<1x39x128xi32, #tpu.memory_space<hbm>> -> memref<39x128xi32, #tpu.memory_space<hbm>>
      %dma_start3A_27 = arith.constant 0 : i32
      %dma_start3A_28 = arith.constant 0 : i32
      %dma_start3A_29 = tpu.memref_slice %arg7[%dma_start3A_27, %dma_start3A_28] : memref<40x128xi32, #tpu.memory_space<vmem>> -> memref<39x128xi32, #tpu.memory_space<vmem>>
      %dma_start3A_30 = arith.constant 40 : i32
      %dma_start3A_31 = arith.constant 0 : i32
      %dma_start3A_32 = tpu.memref_slice %arg3[%add3A, %dma_start3A_30, %dma_start3A_31] : memref<32x79x128xi32, #tpu.memory_space<hbm>> -> memref<1x39x128xi32, #tpu.memory_space<hbm>>
      %dma_start3A_33 = tpu.memref_squeeze %dma_start3A_32 : memref<1x39x128xi32, #tpu.memory_space<hbm>> -> memref<39x128xi32, #tpu.memory_space<hbm>>
      tpu.enqueue_dma source(%dma_start3A_33 : memref<39x128xi32, #tpu.memory_space<hbm>>) target(%dma_start3A_29 : memref<39x128xi32, #tpu.memory_space<vmem>>) target_semaphore(%run_scoped3A : memref<!tpu.dma_semaphore, #tpu.memory_space<semaphore_mem>>)
      %dma_wait3A = arith.constant 0 : i32
      %dma_wait3A_34 = arith.constant 0 : i32
      %dma_wait3A_35 = tpu.memref_slice %arg7[%dma_wait3A, %dma_wait3A_34] : memref<40x128xi32, #tpu.memory_space<vmem>> -> memref<39x128xi32, #tpu.memory_space<vmem>>
      %dma_wait3A_36 = arith.constant 40 : i32
      %dma_wait3A_37 = arith.constant 0 : i32
      %dma_wait3A_38 = tpu.memref_slice %arg3[%add3A, %dma_wait3A_36, %dma_wait3A_37] : memref<32x79x128xi32, #tpu.memory_space<hbm>> -> memref<1x39x128xi32, #tpu.memory_space<hbm>>
      %dma_wait3A_39 = tpu.memref_squeeze %dma_wait3A_38 : memref<1x39x128xi32, #tpu.memory_space<hbm>> -> memref<39x128xi32, #tpu.memory_space<hbm>>
      %dma_wait3A_40 = arith.constant 0 : i32
      %dma_wait3A_41 = arith.constant 0 : i32
      %dma_wait3A_42 = tpu.memref_slice %arg7[%dma_wait3A_40, %dma_wait3A_41] : memref<40x128xi32, #tpu.memory_space<vmem>> -> memref<39x128xi32, #tpu.memory_space<vmem>>
      %dma_wait3A_43 = arith.constant 40 : i32
      %dma_wait3A_44 = arith.constant 0 : i32
      %dma_wait3A_45 = tpu.memref_slice %arg3[%add3A, %dma_wait3A_43, %dma_wait3A_44] : memref<32x79x128xi32, #tpu.memory_space<hbm>> -> memref<1x39x128xi32, #tpu.memory_space<hbm>>
      %dma_wait3A_46 = tpu.memref_squeeze %dma_wait3A_45 : memref<1x39x128xi32, #tpu.memory_space<hbm>> -> memref<39x128xi32, #tpu.memory_space<hbm>>
      tpu.wait_dma2 semaphore(%run_scoped3A : memref<!tpu.dma_semaphore, #tpu.memory_space<semaphore_mem>>) src(%dma_wait3A_46 : memref<39x128xi32, #tpu.memory_space<hbm>>) dst(%dma_wait3A_42 : memref<39x128xi32, #tpu.memory_space<vmem>>)
      tpu.yield
    }) : () -> ()
    "tpu.region"() ({
      %run_scoped3A = tpu.sem_alloc : memref<!tpu.dma_semaphore, #tpu.memory_space<semaphore_mem>>
      %dma_start3A = arith.constant 0 : i32
      %dma_start3A_21 = arith.constant 0 : i32
      %dma_start3A_22 = tpu.memref_slice %arg8[%dma_start3A, %dma_start3A_21] : memref<40x128xi32, #tpu.memory_space<vmem>> -> memref<39x128xi32, #tpu.memory_space<vmem>>
      %dma_start3A_23 = arith.constant 40 : i32
      %dma_start3A_24 = arith.constant 0 : i32
      %dma_start3A_25 = tpu.memref_slice %arg4[%add3A, %dma_start3A_23, %dma_start3A_24] : memref<32x79x128xi32, #tpu.memory_space<hbm>> -> memref<1x39x128xi32, #tpu.memory_space<hbm>>
      %dma_start3A_26 = tpu.memref_squeeze %dma_start3A_25 : memref<1x39x128xi32, #tpu.memory_space<hbm>> -> memref<39x128xi32, #tpu.memory_space<hbm>>
      %dma_start3A_27 = arith.constant 0 : i32
      %dma_start3A_28 = arith.constant 0 : i32
      %dma_start3A_29 = tpu.memref_slice %arg8[%dma_start3A_27, %dma_start3A_28] : memref<40x128xi32, #tpu.memory_space<vmem>> -> memref<39x128xi32, #tpu.memory_space<vmem>>
      %dma_start3A_30 = arith.constant 40 : i32
      %dma_start3A_31 = arith.constant 0 : i32
      %dma_start3A_32 = tpu.memref_slice %arg4[%add3A, %dma_start3A_30, %dma_start3A_31] : memref<32x79x128xi32, #tpu.memory_space<hbm>> -> memref<1x39x128xi32, #tpu.memory_space<hbm>>
      %dma_start3A_33 = tpu.memref_squeeze %dma_start3A_32 : memref<1x39x128xi32, #tpu.memory_space<hbm>> -> memref<39x128xi32, #tpu.memory_space<hbm>>
      tpu.enqueue_dma source(%dma_start3A_33 : memref<39x128xi32, #tpu.memory_space<hbm>>) target(%dma_start3A_29 : memref<39x128xi32, #tpu.memory_space<vmem>>) target_semaphore(%run_scoped3A : memref<!tpu.dma_semaphore, #tpu.memory_space<semaphore_mem>>)
      %dma_wait3A = arith.constant 0 : i32
      %dma_wait3A_34 = arith.constant 0 : i32
      %dma_wait3A_35 = tpu.memref_slice %arg8[%dma_wait3A, %dma_wait3A_34] : memref<40x128xi32, #tpu.memory_space<vmem>> -> memref<39x128xi32, #tpu.memory_space<vmem>>
      %dma_wait3A_36 = arith.constant 40 : i32
      %dma_wait3A_37 = arith.constant 0 : i32
      %dma_wait3A_38 = tpu.memref_slice %arg4[%add3A, %dma_wait3A_36, %dma_wait3A_37] : memref<32x79x128xi32, #tpu.memory_space<hbm>> -> memref<1x39x128xi32, #tpu.memory_space<hbm>>
      %dma_wait3A_39 = tpu.memref_squeeze %dma_wait3A_38 : memref<1x39x128xi32, #tpu.memory_space<hbm>> -> memref<39x128xi32, #tpu.memory_space<hbm>>
      %dma_wait3A_40 = arith.constant 0 : i32
      %dma_wait3A_41 = arith.constant 0 : i32
      %dma_wait3A_42 = tpu.memref_slice %arg8[%dma_wait3A_40, %dma_wait3A_41] : memref<40x128xi32, #tpu.memory_space<vmem>> -> memref<39x128xi32, #tpu.memory_space<vmem>>
      %dma_wait3A_43 = arith.constant 40 : i32
      %dma_wait3A_44 = arith.constant 0 : i32
      %dma_wait3A_45 = tpu.memref_slice %arg4[%add3A, %dma_wait3A_43, %dma_wait3A_44] : memref<32x79x128xi32, #tpu.memory_space<hbm>> -> memref<1x39x128xi32, #tpu.memory_space<hbm>>
      %dma_wait3A_46 = tpu.memref_squeeze %dma_wait3A_45 : memref<1x39x128xi32, #tpu.memory_space<hbm>> -> memref<39x128xi32, #tpu.memory_space<hbm>>
      tpu.wait_dma2 semaphore(%run_scoped3A : memref<!tpu.dma_semaphore, #tpu.memory_space<semaphore_mem>>) src(%dma_wait3A_46 : memref<39x128xi32, #tpu.memory_space<hbm>>) dst(%dma_wait3A_42 : memref<39x128xi32, #tpu.memory_space<vmem>>)
      tpu.yield
    }) : () -> ()
    %scan3A_10 = arith.constant 0 : i32
    %scan3A_11 = arith.constant 0 : i32
    %scan3A_12 = arith.constant 39 : i32
    %scan3A_13 = arith.addi %scan3A_11, %scan3A_12 : i32
    %scan3A_14 = arith.constant 1 : i32
    scf.for %scan3A_21 = %scan3A_11 to %scan3A_13 step %scan3A_14  : i32 {
      %dma_start3A = arith.constant 0 : i32
      %dma_start3A_22 = tpu.memref_slice %arg7[%scan3A_21, %dma_start3A] : memref<40x128xi32, #tpu.memory_space<vmem>> -> memref<1x128xi32, #tpu.memory_space<vmem>>
      %dma_start3A_23 = tpu.memref_squeeze %dma_start3A_22 : memref<1x128xi32, #tpu.memory_space<vmem>> -> memref<128xi32, #tpu.memory_space<vmem>>
      %dma_start3A_24 = arith.constant 0 : i32
      %dma_start3A_25 = arith.constant 0 : i32
      %dma_start3A_26 = tpu.memref_slice %arg2[%dma_start3A_24, %dma_start3A_25] : memref<10000x128xf32, #tpu.memory_space<hbm>> -> memref<10000x128xf32, #tpu.memory_space<hbm>>
      tpu.enqueue_indirect_dma source(%dma_start3A_26 : memref<10000x128xf32, #tpu.memory_space<hbm>>) target(%arg9 : memref<128x128xf32, #tpu.memory_space<vmem>>) offsets(%dma_start3A_23 : memref<128xi32, #tpu.memory_space<vmem>>) semaphore(%arg11 : memref<!tpu.dma_semaphore, #tpu.memory_space<semaphore_mem>>)
      %dma_wait3A = arith.constant 0 : i32
      %dma_wait3A_27 = tpu.memref_slice %arg7[%scan3A_21, %dma_wait3A] : memref<40x128xi32, #tpu.memory_space<vmem>> -> memref<1x128xi32, #tpu.memory_space<vmem>>
      %dma_wait3A_28 = tpu.memref_squeeze %dma_wait3A_27 : memref<1x128xi32, #tpu.memory_space<vmem>> -> memref<128xi32, #tpu.memory_space<vmem>>
      %dma_wait3A_29 = arith.constant 0 : i32
      %dma_wait3A_30 = arith.constant 0 : i32
      %dma_wait3A_31 = tpu.memref_slice %arg2[%dma_wait3A_29, %dma_wait3A_30] : memref<10000x128xf32, #tpu.memory_space<hbm>> -> memref<10000x128xf32, #tpu.memory_space<hbm>>
      tpu.wait_indirect_dma semaphore(%arg11 : memref<!tpu.dma_semaphore, #tpu.memory_space<semaphore_mem>>) src(%dma_wait3A_31 : memref<10000x128xf32, #tpu.memory_space<hbm>>) dst(%arg9 : memref<128x128xf32, #tpu.memory_space<vmem>>)
      "tpu.region"() ({
        %run_scoped3A = tpu.sem_alloc : memref<!tpu.dma_semaphore, #tpu.memory_space<semaphore_mem>>
        %dma_start3A_32 = arith.constant 0 : i32
        %dma_start3A_33 = tpu.memref_slice %arg8[%scan3A_21, %dma_start3A_32] : memref<40x128xi32, #tpu.memory_space<vmem>> -> memref<1x128xi32, #tpu.memory_space<vmem>>
        %dma_start3A_34 = tpu.memref_squeeze %dma_start3A_33 : memref<1x128xi32, #tpu.memory_space<vmem>> -> memref<128xi32, #tpu.memory_space<vmem>>
        %dma_start3A_35 = arith.constant 0 : i32
        %dma_start3A_36 = arith.constant 0 : i32
        %dma_start3A_37 = tpu.memref_slice %arg10[%dma_start3A_35, %dma_start3A_36] : memref<10112x128xf32, #tpu.memory_space<vmem_shared>> -> memref<10112x128xf32, #tpu.memory_space<vmem_shared>>
        tpu.enqueue_indirect_dma source(%arg9 : memref<128x128xf32, #tpu.memory_space<vmem>>) target(%dma_start3A_37 : memref<10112x128xf32, #tpu.memory_space<vmem_shared>>) offsets(%dma_start3A_34 : memref<128xi32, #tpu.memory_space<vmem>>) semaphore(%run_scoped3A : memref<!tpu.dma_semaphore, #tpu.memory_space<semaphore_mem>>) {add = true}
        %dma_wait3A_38 = arith.constant 0 : i32
        %dma_wait3A_39 = tpu.memref_slice %arg8[%scan3A_21, %dma_wait3A_38] : memref<40x128xi32, #tpu.memory_space<vmem>> -> memref<1x128xi32, #tpu.memory_space<vmem>>
        %dma_wait3A_40 = tpu.memref_squeeze %dma_wait3A_39 : memref<1x128xi32, #tpu.memory_space<vmem>> -> memref<128xi32, #tpu.memory_space<vmem>>
        %dma_wait3A_41 = arith.constant 0 : i32
        %dma_wait3A_42 = arith.constant 0 : i32
        %dma_wait3A_43 = tpu.memref_slice %arg10[%dma_wait3A_41, %dma_wait3A_42] : memref<10112x128xf32, #tpu.memory_space<vmem_shared>> -> memref<10112x128xf32, #tpu.memory_space<vmem_shared>>
        tpu.wait_indirect_dma semaphore(%run_scoped3A : memref<!tpu.dma_semaphore, #tpu.memory_space<semaphore_mem>>) src(%arg9 : memref<128x128xf32, #tpu.memory_space<vmem>>) dst(%dma_wait3A_43 : memref<10112x128xf32, #tpu.memory_space<vmem_shared>>)
        tpu.yield
      }) : () -> ()
    }
    %scan3A_15 = arith.constant 39 : i32
    %barrier3A_16 = arith.constant 0 : index
    tpu.barrier barrier_id(%barrier3A_16)
    %mul3A_17 = arith.constant 632 : i32
    %mul3A_18 = arith.muli %arg1, %mul3A_17 : i32
    %mul3A_19 = arith.constant 632 : i32
    %mul3A_20 = arith.muli %arg1, %mul3A_19 : i32
    "tpu.region"() ({
      %run_scoped3A = tpu.sem_alloc : memref<!tpu.dma_semaphore, #tpu.memory_space<semaphore_mem>>
      %dma_start3A = arith.constant 0 : i32
      %dma_start3A_21 = tpu.memref_slice %arg6[%arg0, %mul3A_20, %dma_start3A] : memref<2x10112x128xf32, #tpu.memory_space<hbm>> -> memref<1x632x128xf32, #tpu.memory_space<hbm>>
      %dma_start3A_22 = tpu.memref_squeeze %dma_start3A_21 : memref<1x632x128xf32, #tpu.memory_space<hbm>> -> memref<632x128xf32, #tpu.memory_space<hbm>>
      %dma_start3A_23 = arith.constant 0 : i32
      %dma_start3A_24 = tpu.memref_slice %arg10[%mul3A_18, %dma_start3A_23] : memref<10112x128xf32, #tpu.memory_space<vmem_shared>> -> memref<632x128xf32, #tpu.memory_space<vmem_shared>>
      tpu.enqueue_dma source(%dma_start3A_24 : memref<632x128xf32, #tpu.memory_space<vmem_shared>>) target(%dma_start3A_22 : memref<632x128xf32, #tpu.memory_space<hbm>>) target_semaphore(%run_scoped3A : memref<!tpu.dma_semaphore, #tpu.memory_space<semaphore_mem>>)
      %dma_wait3A = arith.constant 0 : i32
      %dma_wait3A_25 = tpu.memref_slice %arg6[%arg0, %mul3A_20, %dma_wait3A] : memref<2x10112x128xf32, #tpu.memory_space<hbm>> -> memref<1x632x128xf32, #tpu.memory_space<hbm>>
      %dma_wait3A_26 = tpu.memref_squeeze %dma_wait3A_25 : memref<1x632x128xf32, #tpu.memory_space<hbm>> -> memref<632x128xf32, #tpu.memory_space<hbm>>
      %dma_wait3A_27 = arith.constant 0 : i32
      %dma_wait3A_28 = tpu.memref_slice %arg10[%mul3A_18, %dma_wait3A_27] : memref<10112x128xf32, #tpu.memory_space<vmem_shared>> -> memref<632x128xf32, #tpu.memory_space<vmem_shared>>
      tpu.wait_dma2 semaphore(%run_scoped3A : memref<!tpu.dma_semaphore, #tpu.memory_space<semaphore_mem>>) src(%dma_wait3A_28 : memref<632x128xf32, #tpu.memory_space<vmem_shared>>) dst(%dma_wait3A_26 : memref<632x128xf32, #tpu.memory_space<hbm>>)
      tpu.yield
    }) : () -> ()
    return
  }
}

#map = affine_map<(d0, d1) -> (0, 0)>
#map1 = affine_map<(d0, d1) -> (0)>
module attributes {stable_mosaic.version = 14 : i64} {
  func.func @_center_gather(%arg0: i32, %arg1: i32, %arg2: memref<10000x128xf32, #tpu.memory_space<hbm>>, %arg3: memref<256xi32, #tpu.memory_space<hbm>>, %arg4: memref<256xi32, #tpu.memory_space<hbm>>, %arg5: memref<256x128xf32, #tpu.memory_space<hbm>>, %arg6: memref<256x128xf32, #tpu.memory_space<hbm>>, %arg7: memref<16xi32, #tpu.memory_space<vmem>>, %arg8: memref<16x128xf32, #tpu.memory_space<vmem>>, %arg9: memref<!tpu.dma_semaphore, #tpu.memory_space<semaphore_mem>>) attributes {dimension_semantics = [#tpu.dimension_semantics<core_parallel>, #tpu.dimension_semantics<subcore_parallel>], iteration_bounds = array<i64: 2, 16>, scalar_prefetch = 0 : i64, scratch_operands = 3 : i64, tpu.core_type = #tpu.core_type<sc_vector_subcore>, window_params = [{transform_indices = #map}, {transform_indices = #map1}, {transform_indices = #map1}, {transform_indices = #map}, {transform_indices = #map}]} {
    %mul3A = arith.constant 16 : i32
    %mul3A_0 = arith.muli %arg0, %mul3A : i32
    %add3A = arith.addi %mul3A_0, %arg1 : i32
    %jit3A = arith.constant 16 : i32
    %div3A = arith.divsi %add3A, %jit3A : i32
    %sign3A = arith.constant 0 : i32
    %sign3A_1 = arith.cmpi sgt, %add3A, %sign3A : i32
    %sign3A_2 = arith.extui %sign3A_1 : i1 to i32
    %sign3A_3 = arith.constant 0 : i32
    %sign3A_4 = arith.cmpi slt, %add3A, %sign3A_3 : i32
    %sign3A_5 = arith.extui %sign3A_4 : i1 to i32
    %sign3A_6 = arith.subi %sign3A_2, %sign3A_5 : i32
    %sign3A_7 = arith.constant 0 : i32
    %sign3A_8 = arith.cmpi sgt, %jit3A, %sign3A_7 : i32
    %sign3A_9 = arith.extui %sign3A_8 : i1 to i32
    %sign3A_10 = arith.constant 0 : i32
    %sign3A_11 = arith.cmpi slt, %jit3A, %sign3A_10 : i32
    %sign3A_12 = arith.extui %sign3A_11 : i1 to i32
    %sign3A_13 = arith.subi %sign3A_9, %sign3A_12 : i32
    %ne3A = arith.cmpi ne, %sign3A_6, %sign3A_13 : i32
    %rem3A = arith.remsi %add3A, %jit3A : i32
    %ne3A_14 = arith.constant 0 : i32
    %ne3A_15 = arith.cmpi ne, %rem3A, %ne3A_14 : i32
    %and3A = arith.andi %ne3A, %ne3A_15 : i1
    %sub3A = arith.constant 1 : i32
    %sub3A_16 = arith.subi %div3A, %sub3A : i32
    %select_n3A = arith.select %and3A, %sub3A_16, %div3A : i32
    %jit3A_17 = arith.constant 16 : i32
    %eq3A = arith.constant 0 : i32
    %eq3A_18 = arith.cmpi eq, %jit3A_17, %eq3A : i32
    %jit3A_19 = arith.constant 1 : i32
    %select_n3A_20 = arith.select %eq3A_18, %jit3A_19, %jit3A_17 : i32
    %rem3A_21 = arith.remsi %add3A, %select_n3A_20 : i32
    %ne3A_22 = arith.constant 0 : i32
    %ne3A_23 = arith.cmpi ne, %rem3A_21, %ne3A_22 : i32
    %lt3A = arith.constant 0 : i32
    %lt3A_24 = arith.cmpi slt, %rem3A_21, %lt3A : i32
    %lt3A_25 = arith.constant 0 : i32
    %lt3A_26 = arith.cmpi slt, %select_n3A_20, %lt3A_25 : i32
    %ne3A_27 = arith.xori %lt3A_24, %lt3A_26 : i1
    %and3A_28 = arith.andi %ne3A_27, %ne3A_23 : i1
    %add3A_29 = arith.addi %rem3A_21, %select_n3A_20 : i32
    %select_n3A_30 = arith.select %and3A_28, %add3A_29, %rem3A_21 : i32
    %eq3A_31 = arith.constant 0 : i32
    %eq3A_32 = arith.cmpi eq, %select_n3A, %eq3A_31 : i32
    %convert_element_type3A = arith.extui %eq3A_32 : i1 to i32
    %cond3A = arith.constant 0 : i32
    %cond3A_33 = arith.cmpi ne, %convert_element_type3A, %cond3A : i32
    scf.if %cond3A_33 {
      %mul3A_53 = arith.constant 16 : i32
      %mul3A_54 = arith.muli %select_n3A_30, %mul3A_53 : i32
      "tpu.region"() ({
        %run_scoped3A = tpu.sem_alloc : memref<!tpu.dma_semaphore, #tpu.memory_space<semaphore_mem>>
        %dma_start3A_55 = tpu.memref_slice %arg3[%mul3A_54] : memref<256xi32, #tpu.memory_space<hbm>> -> memref<16xi32, #tpu.memory_space<hbm>>
        %dma_start3A_56 = tpu.memref_slice %arg3[%mul3A_54] : memref<256xi32, #tpu.memory_space<hbm>> -> memref<16xi32, #tpu.memory_space<hbm>>
        tpu.enqueue_dma source(%dma_start3A_56 : memref<16xi32, #tpu.memory_space<hbm>>) target(%arg7 : memref<16xi32, #tpu.memory_space<vmem>>) target_semaphore(%run_scoped3A : memref<!tpu.dma_semaphore, #tpu.memory_space<semaphore_mem>>)
        %dma_wait3A_57 = tpu.memref_slice %arg3[%mul3A_54] : memref<256xi32, #tpu.memory_space<hbm>> -> memref<16xi32, #tpu.memory_space<hbm>>
        %dma_wait3A_58 = tpu.memref_slice %arg3[%mul3A_54] : memref<256xi32, #tpu.memory_space<hbm>> -> memref<16xi32, #tpu.memory_space<hbm>>
        tpu.wait_dma2 semaphore(%run_scoped3A : memref<!tpu.dma_semaphore, #tpu.memory_space<semaphore_mem>>) src(%dma_wait3A_58 : memref<16xi32, #tpu.memory_space<hbm>>) dst(%arg7 : memref<16xi32, #tpu.memory_space<vmem>>)
        tpu.yield
      }) : () -> ()
    } else {
    }
    %eq3A_34 = arith.constant 1 : i32
    %eq3A_35 = arith.cmpi eq, %select_n3A, %eq3A_34 : i32
    %convert_element_type3A_36 = arith.extui %eq3A_35 : i1 to i32
    %cond3A_37 = arith.constant 0 : i32
    %cond3A_38 = arith.cmpi ne, %convert_element_type3A_36, %cond3A_37 : i32
    scf.if %cond3A_38 {
      %mul3A_53 = arith.constant 16 : i32
      %mul3A_54 = arith.muli %select_n3A_30, %mul3A_53 : i32
      "tpu.region"() ({
        %run_scoped3A = tpu.sem_alloc : memref<!tpu.dma_semaphore, #tpu.memory_space<semaphore_mem>>
        %dma_start3A_55 = tpu.memref_slice %arg4[%mul3A_54] : memref<256xi32, #tpu.memory_space<hbm>> -> memref<16xi32, #tpu.memory_space<hbm>>
        %dma_start3A_56 = tpu.memref_slice %arg4[%mul3A_54] : memref<256xi32, #tpu.memory_space<hbm>> -> memref<16xi32, #tpu.memory_space<hbm>>
        tpu.enqueue_dma source(%dma_start3A_56 : memref<16xi32, #tpu.memory_space<hbm>>) target(%arg7 : memref<16xi32, #tpu.memory_space<vmem>>) target_semaphore(%run_scoped3A : memref<!tpu.dma_semaphore, #tpu.memory_space<semaphore_mem>>)
        %dma_wait3A_57 = tpu.memref_slice %arg4[%mul3A_54] : memref<256xi32, #tpu.memory_space<hbm>> -> memref<16xi32, #tpu.memory_space<hbm>>
        %dma_wait3A_58 = tpu.memref_slice %arg4[%mul3A_54] : memref<256xi32, #tpu.memory_space<hbm>> -> memref<16xi32, #tpu.memory_space<hbm>>
        tpu.wait_dma2 semaphore(%run_scoped3A : memref<!tpu.dma_semaphore, #tpu.memory_space<semaphore_mem>>) src(%dma_wait3A_58 : memref<16xi32, #tpu.memory_space<hbm>>) dst(%arg7 : memref<16xi32, #tpu.memory_space<vmem>>)
        tpu.yield
      }) : () -> ()
    } else {
    }
    %dma_start3A = arith.constant 0 : i32
    %dma_start3A_39 = arith.constant 0 : i32
    %dma_start3A_40 = tpu.memref_slice %arg2[%dma_start3A, %dma_start3A_39] : memref<10000x128xf32, #tpu.memory_space<hbm>> -> memref<10000x128xf32, #tpu.memory_space<hbm>>
    tpu.enqueue_indirect_dma source(%dma_start3A_40 : memref<10000x128xf32, #tpu.memory_space<hbm>>) target(%arg8 : memref<16x128xf32, #tpu.memory_space<vmem>>) offsets(%arg7 : memref<16xi32, #tpu.memory_space<vmem>>) semaphore(%arg9 : memref<!tpu.dma_semaphore, #tpu.memory_space<semaphore_mem>>)
    %dma_wait3A = arith.constant 0 : i32
    %dma_wait3A_41 = arith.constant 0 : i32
    %dma_wait3A_42 = tpu.memref_slice %arg2[%dma_wait3A, %dma_wait3A_41] : memref<10000x128xf32, #tpu.memory_space<hbm>> -> memref<10000x128xf32, #tpu.memory_space<hbm>>
    tpu.wait_indirect_dma semaphore(%arg9 : memref<!tpu.dma_semaphore, #tpu.memory_space<semaphore_mem>>) src(%dma_wait3A_42 : memref<10000x128xf32, #tpu.memory_space<hbm>>) dst(%arg8 : memref<16x128xf32, #tpu.memory_space<vmem>>)
    %eq3A_43 = arith.constant 0 : i32
    %eq3A_44 = arith.cmpi eq, %select_n3A, %eq3A_43 : i32
    %convert_element_type3A_45 = arith.extui %eq3A_44 : i1 to i32
    %cond3A_46 = arith.constant 0 : i32
    %cond3A_47 = arith.cmpi ne, %convert_element_type3A_45, %cond3A_46 : i32
    scf.if %cond3A_47 {
      %mul3A_53 = arith.constant 16 : i32
      %mul3A_54 = arith.muli %select_n3A_30, %mul3A_53 : i32
      "tpu.region"() ({
        %run_scoped3A = tpu.sem_alloc : memref<!tpu.dma_semaphore, #tpu.memory_space<semaphore_mem>>
        %dma_start3A_55 = arith.constant 0 : i32
        %dma_start3A_56 = tpu.memref_slice %arg5[%mul3A_54, %dma_start3A_55] : memref<256x128xf32, #tpu.memory_space<hbm>> -> memref<16x128xf32, #tpu.memory_space<hbm>>
        %dma_start3A_57 = arith.constant 0 : i32
        %dma_start3A_58 = tpu.memref_slice %arg5[%mul3A_54, %dma_start3A_57] : memref<256x128xf32, #tpu.memory_space<hbm>> -> memref<16x128xf32, #tpu.memory_space<hbm>>
        tpu.enqueue_dma source(%arg8 : memref<16x128xf32, #tpu.memory_space<vmem>>) target(%dma_start3A_58 : memref<16x128xf32, #tpu.memory_space<hbm>>) target_semaphore(%run_scoped3A : memref<!tpu.dma_semaphore, #tpu.memory_space<semaphore_mem>>)
        %dma_wait3A_59 = arith.constant 0 : i32
        %dma_wait3A_60 = tpu.memref_slice %arg5[%mul3A_54, %dma_wait3A_59] : memref<256x128xf32, #tpu.memory_space<hbm>> -> memref<16x128xf32, #tpu.memory_space<hbm>>
        %dma_wait3A_61 = arith.constant 0 : i32
        %dma_wait3A_62 = tpu.memref_slice %arg5[%mul3A_54, %dma_wait3A_61] : memref<256x128xf32, #tpu.memory_space<hbm>> -> memref<16x128xf32, #tpu.memory_space<hbm>>
        tpu.wait_dma2 semaphore(%run_scoped3A : memref<!tpu.dma_semaphore, #tpu.memory_space<semaphore_mem>>) src(%arg8 : memref<16x128xf32, #tpu.memory_space<vmem>>) dst(%dma_wait3A_62 : memref<16x128xf32, #tpu.memory_space<hbm>>)
        tpu.yield
      }) : () -> ()
    } else {
    }
    %eq3A_48 = arith.constant 1 : i32
    %eq3A_49 = arith.cmpi eq, %select_n3A, %eq3A_48 : i32
    %convert_element_type3A_50 = arith.extui %eq3A_49 : i1 to i32
    %cond3A_51 = arith.constant 0 : i32
    %cond3A_52 = arith.cmpi ne, %convert_element_type3A_50, %cond3A_51 : i32
    scf.if %cond3A_52 {
      %mul3A_53 = arith.constant 16 : i32
      %mul3A_54 = arith.muli %select_n3A_30, %mul3A_53 : i32
      "tpu.region"() ({
        %run_scoped3A = tpu.sem_alloc : memref<!tpu.dma_semaphore, #tpu.memory_space<semaphore_mem>>
        %dma_start3A_55 = arith.constant 0 : i32
        %dma_start3A_56 = tpu.memref_slice %arg6[%mul3A_54, %dma_start3A_55] : memref<256x128xf32, #tpu.memory_space<hbm>> -> memref<16x128xf32, #tpu.memory_space<hbm>>
        %dma_start3A_57 = arith.constant 0 : i32
        %dma_start3A_58 = tpu.memref_slice %arg6[%mul3A_54, %dma_start3A_57] : memref<256x128xf32, #tpu.memory_space<hbm>> -> memref<16x128xf32, #tpu.memory_space<hbm>>
        tpu.enqueue_dma source(%arg8 : memref<16x128xf32, #tpu.memory_space<vmem>>) target(%dma_start3A_58 : memref<16x128xf32, #tpu.memory_space<hbm>>) target_semaphore(%run_scoped3A : memref<!tpu.dma_semaphore, #tpu.memory_space<semaphore_mem>>)
        %dma_wait3A_59 = arith.constant 0 : i32
        %dma_wait3A_60 = tpu.memref_slice %arg6[%mul3A_54, %dma_wait3A_59] : memref<256x128xf32, #tpu.memory_space<hbm>> -> memref<16x128xf32, #tpu.memory_space<hbm>>
        %dma_wait3A_61 = arith.constant 0 : i32
        %dma_wait3A_62 = tpu.memref_slice %arg6[%mul3A_54, %dma_wait3A_61] : memref<256x128xf32, #tpu.memory_space<hbm>> -> memref<16x128xf32, #tpu.memory_space<hbm>>
        tpu.wait_dma2 semaphore(%run_scoped3A : memref<!tpu.dma_semaphore, #tpu.memory_space<semaphore_mem>>) src(%arg8 : memref<16x128xf32, #tpu.memory_space<vmem>>) dst(%dma_wait3A_62 : memref<16x128xf32, #tpu.memory_space<hbm>>)
        tpu.yield
      }) : () -> ()
    } else {
    }
    return
  }
}

module attributes {stable_mosaic.version = 14 : i64} {
  func.func @_mm2_body(%arg0: i32, %arg1: memref<1000x128xf32, #tpu.memory_space<vmem>>, %arg2: memref<128x128xf32, #tpu.memory_space<vmem>>, %arg3: memref<128x128xf32, #tpu.memory_space<vmem>>, %arg4: memref<1x128xf32, #tpu.memory_space<vmem>>, %arg5: memref<1000x128xf32, #tpu.memory_space<vmem>>, %arg6: memref<1000x128xf32, #tpu.memory_space<vmem>>) attributes {dimension_semantics = [#tpu.dimension_semantics<arbitrary>], iteration_bounds = array<i64: 10>, scalar_prefetch = 0 : i64, scratch_operands = 0 : i64, tpu.core_type = #tpu.core_type<tc>, window_params = [{transform_indices = @transform_0, window_bounds = array<i64: 1000, 128>}, {pipeline_mode = #tpu.pipeline_mode<synchronous>, transform_indices = @transform_1, window_bounds = array<i64: 128, 128>}, {pipeline_mode = #tpu.pipeline_mode<synchronous>, transform_indices = @transform_2, window_bounds = array<i64: 128, 128>}, {pipeline_mode = #tpu.pipeline_mode<synchronous>, transform_indices = @transform_3, window_bounds = array<i64: 1, 128>}, {transform_indices = @transform_4, window_bounds = array<i64: 1000, 128>}, {transform_indices = @transform_5, window_bounds = array<i64: 1000, 128>}]} {
    %get3A = arith.constant 0 : index
    %get3A_0 = arith.constant 0 : index
    %get3A_1 = vector.load %arg1[%get3A, %get3A_0] : memref<1000x128xf32, #tpu.memory_space<vmem>>, vector<1000x128xf32>
    %get3A_2 = arith.constant 0 : index
    %get3A_3 = arith.constant 0 : index
    %get3A_4 = vector.load %arg2[%get3A_2, %get3A_3] : memref<128x128xf32, #tpu.memory_space<vmem>>, vector<128x128xf32>
    %dot_general3A = arith.constant dense<0.000000e+00> : vector<1000x128xf32>
    %dot_general3A_5 = tpu.matmul %get3A_1, %get3A_4, %dot_general3A {dimension_numbers = #tpu.dot_dimension_numbers<[1], [0], [0], [1], [0, 0, 1, 1], [], []>, transpose_lhs_hint = false} : vector<1000x128xf32>, vector<128x128xf32>, vector<1000x128xf32> -> vector<1000x128xf32>
    %swap3A = arith.constant 0 : index
    %swap3A_6 = arith.constant 0 : index
    %swap3A_7 = vector.load %arg5[%swap3A, %swap3A_6] : memref<1000x128xf32, #tpu.memory_space<vmem>>, vector<1000x128xf32>
    tpu.vector_store %arg5[%swap3A, %swap3A_6], %dot_general3A_5 {strides = array<i32>} : memref<1000x128xf32, #tpu.memory_space<vmem>>, vector<1000x128xf32>,
    %get3A_8 = arith.constant 0 : index
    %get3A_9 = arith.constant 0 : index
    %get3A_10 = vector.load %arg3[%get3A_8, %get3A_9] : memref<128x128xf32, #tpu.memory_space<vmem>>, vector<128x128xf32>
    %dot_general3A_11 = arith.constant dense<0.000000e+00> : vector<1000x128xf32>
    %dot_general3A_12 = tpu.matmul %get3A_1, %get3A_10, %dot_general3A_11 {dimension_numbers = #tpu.dot_dimension_numbers<[1], [0], [0], [1], [0, 0, 1, 1], [], []>, transpose_lhs_hint = false} : vector<1000x128xf32>, vector<128x128xf32>, vector<1000x128xf32> -> vector<1000x128xf32>
    %get3A_13 = arith.constant 0 : index
    %get3A_14 = arith.constant 0 : index
    %get3A_15 = vector.load %arg4[%get3A_13, %get3A_14] : memref<1x128xf32, #tpu.memory_space<vmem>>, vector<1x128xf32>
    %add3A = vector.broadcast %get3A_15 : vector<1x128xf32> to vector<1000x128xf32>
    %add3A_16 = arith.addf %dot_general3A_12, %add3A : vector<1000x128xf32>
    %swap3A_17 = arith.constant 0 : index
    %swap3A_18 = arith.constant 0 : index
    %swap3A_19 = vector.load %arg6[%swap3A_17, %swap3A_18] : memref<1000x128xf32, #tpu.memory_space<vmem>>, vector<1000x128xf32>
    tpu.vector_store %arg6[%swap3A_17, %swap3A_18], %add3A_16 {strides = array<i32>} : memref<1000x128xf32, #tpu.memory_space<vmem>>, vector<1000x128xf32>,
    return
  }
  func.func @transform_0(%arg0: i32) -> (i32, i32) {
    %c0_i32 = arith.constant 0 : i32
    %c0_i32_0 = arith.constant 0 : i32
    return %arg0, %c0_i32 : i32, i32
  }
  func.func @transform_1(%arg0: i32) -> (i32, i32) {
    %c0_i32 = arith.constant 0 : i32
    %c0_i32_0 = arith.constant 0 : i32
    %c0_i32_1 = arith.constant 0 : i32
    return %c0_i32, %c0_i32_0 : i32, i32
  }
  func.func @transform_2(%arg0: i32) -> (i32, i32) {
    %c0_i32 = arith.constant 0 : i32
    %c0_i32_0 = arith.constant 0 : i32
    %c0_i32_1 = arith.constant 0 : i32
    return %c0_i32, %c0_i32_0 : i32, i32
  }
  func.func @transform_3(%arg0: i32) -> (i32, i32) {
    %c0_i32 = arith.constant 0 : i32
    %c0_i32_0 = arith.constant 0 : i32
    %c0_i32_1 = arith.constant 0 : i32
    return %c0_i32, %c0_i32_0 : i32, i32
  }
  func.func @transform_4(%arg0: i32) -> (i32, i32) {
    %c0_i32 = arith.constant 0 : i32
    %c0_i32_0 = arith.constant 0 : i32
    return %arg0, %c0_i32 : i32, i32
  }
  func.func @transform_5(%arg0: i32) -> (i32, i32) {
    %c0_i32 = arith.constant 0 : i32
    %c0_i32_0 = arith.constant 0 : i32
    return %arg0, %c0_i32 : i32, i32
  }
}

module attributes {stable_mosaic.version = 14 : i64} {
  func.func @_combine_mm_body(%arg0: i32, %arg1: memref<1000x128xf32, #tpu.memory_space<vmem>>, %arg2: memref<1000x128xf32, #tpu.memory_space<vmem>>, %arg3: memref<1000x128xf32, #tpu.memory_space<vmem>>, %arg4: memref<1000x128xf32, #tpu.memory_space<vmem>>, %arg5: memref<1000x128xf32, #tpu.memory_space<vmem>>, %arg6: memref<128x128xf32, #tpu.memory_space<vmem>>, %arg7: memref<128x128xf32, #tpu.memory_space<vmem>>, %arg8: memref<1x128xf32, #tpu.memory_space<vmem>>, %arg9: memref<1000x128xf32, #tpu.memory_space<vmem>>, %arg10: memref<1000x128xf32, #tpu.memory_space<vmem>>) attributes {dimension_semantics = [#tpu.dimension_semantics<arbitrary>], iteration_bounds = array<i64: 10>, scalar_prefetch = 0 : i64, scratch_operands = 0 : i64, tpu.core_type = #tpu.core_type<tc>, window_params = [{transform_indices = @transform_0, window_bounds = array<i64: 1000, 128>}, {transform_indices = @transform_1, window_bounds = array<i64: 1000, 128>}, {transform_indices = @transform_2, window_bounds = array<i64: 1000, 128>}, {transform_indices = @transform_3, window_bounds = array<i64: 1000, 128>}, {transform_indices = @transform_4, window_bounds = array<i64: 1000, 128>}, {pipeline_mode = #tpu.pipeline_mode<synchronous>, transform_indices = @transform_5, window_bounds = array<i64: 128, 128>}, {pipeline_mode = #tpu.pipeline_mode<synchronous>, transform_indices = @transform_6, window_bounds = array<i64: 128, 128>}, {pipeline_mode = #tpu.pipeline_mode<synchronous>, transform_indices = @transform_7, window_bounds = array<i64: 1, 128>}, {transform_indices = @transform_8, window_bounds = array<i64: 1000, 128>}, {transform_indices = @transform_9, window_bounds = array<i64: 1000, 128>}]} {
    %get3A = arith.constant 0 : index
    %get3A_0 = arith.constant 0 : index
    %get3A_1 = vector.load %arg1[%get3A, %get3A_0] : memref<1000x128xf32, #tpu.memory_space<vmem>>, vector<1000x128xf32>
    %get3A_2 = arith.constant 0 : index
    %get3A_3 = arith.constant 0 : index
    %get3A_4 = vector.load %arg2[%get3A_2, %get3A_3] : memref<1000x128xf32, #tpu.memory_space<vmem>>, vector<1000x128xf32>
    %get3A_5 = arith.constant 0 : index
    %get3A_6 = arith.constant 0 : index
    %get3A_7 = vector.load %arg3[%get3A_5, %get3A_6] : memref<1000x128xf32, #tpu.memory_space<vmem>>, vector<1000x128xf32>
    %get3A_8 = arith.constant 0 : index
    %get3A_9 = arith.constant 0 : index
    %get3A_10 = vector.load %arg4[%get3A_8, %get3A_9] : memref<1000x128xf32, #tpu.memory_space<vmem>>, vector<1000x128xf32>
    %get3A_11 = arith.constant 0 : index
    %get3A_12 = arith.constant 0 : index
    %get3A_13 = vector.load %arg5[%get3A_11, %get3A_12] : memref<1000x128xf32, #tpu.memory_space<vmem>>, vector<1000x128xf32>
    %add3A = arith.addf %get3A_7, %get3A_10 : vector<1000x128xf32>
    %max3A = arith.constant 1.000000e+00 : f32
    %max3A_14 = vector.broadcast %max3A : f32 to vector<1000x128xf32>
    %max3A_15 = arith.maximumf %add3A, %max3A_14 : vector<1000x128xf32>
    %div3A = arith.constant 1.000000e+00 : f32
    %div3A_16 = vector.broadcast %div3A : f32 to vector<1000x128xf32>
    %div3A_17 = arith.divf %div3A_16, %max3A_15 : vector<1000x128xf32>
    %add3A_18 = arith.addf %get3A_1, %get3A_4 : vector<1000x128xf32>
    %mul3A = arith.mulf %add3A_18, %div3A_17 : vector<1000x128xf32>
    %add3A_19 = arith.addf %mul3A, %get3A_13 : vector<1000x128xf32>
    %max3A_20 = arith.constant 0.000000e+00 : f32
    %max3A_21 = vector.broadcast %max3A_20 : f32 to vector<1000x128xf32>
    %max3A_22 = arith.maximumf %add3A_19, %max3A_21 : vector<1000x128xf32>
    %get3A_23 = arith.constant 0 : index
    %get3A_24 = arith.constant 0 : index
    %get3A_25 = vector.load %arg6[%get3A_23, %get3A_24] : memref<128x128xf32, #tpu.memory_space<vmem>>, vector<128x128xf32>
    %dot_general3A = arith.constant dense<0.000000e+00> : vector<1000x128xf32>
    %dot_general3A_26 = tpu.matmul %max3A_22, %get3A_25, %dot_general3A {dimension_numbers = #tpu.dot_dimension_numbers<[1], [0], [0], [1], [0, 0, 1, 1], [], []>, transpose_lhs_hint = false} : vector<1000x128xf32>, vector<128x128xf32>, vector<1000x128xf32> -> vector<1000x128xf32>
    %swap3A = arith.constant 0 : index
    %swap3A_27 = arith.constant 0 : index
    %swap3A_28 = vector.load %arg9[%swap3A, %swap3A_27] : memref<1000x128xf32, #tpu.memory_space<vmem>>, vector<1000x128xf32>
    tpu.vector_store %arg9[%swap3A, %swap3A_27], %dot_general3A_26 {strides = array<i32>} : memref<1000x128xf32, #tpu.memory_space<vmem>>, vector<1000x128xf32>,
    %get3A_29 = arith.constant 0 : index
    %get3A_30 = arith.constant 0 : index
    %get3A_31 = vector.load %arg7[%get3A_29, %get3A_30] : memref<128x128xf32, #tpu.memory_space<vmem>>, vector<128x128xf32>
    %dot_general3A_32 = arith.constant dense<0.000000e+00> : vector<1000x128xf32>
    %dot_general3A_33 = tpu.matmul %max3A_22, %get3A_31, %dot_general3A_32 {dimension_numbers = #tpu.dot_dimension_numbers<[1], [0], [0], [1], [0, 0, 1, 1], [], []>, transpose_lhs_hint = false} : vector<1000x128xf32>, vector<128x128xf32>, vector<1000x128xf32> -> vector<1000x128xf32>
    %get3A_34 = arith.constant 0 : index
    %get3A_35 = arith.constant 0 : index
    %get3A_36 = vector.load %arg8[%get3A_34, %get3A_35] : memref<1x128xf32, #tpu.memory_space<vmem>>, vector<1x128xf32>
    %add3A_37 = vector.broadcast %get3A_36 : vector<1x128xf32> to vector<1000x128xf32>
    %add3A_38 = arith.addf %dot_general3A_33, %add3A_37 : vector<1000x128xf32>
    %swap3A_39 = arith.constant 0 : index
    %swap3A_40 = arith.constant 0 : index
    %swap3A_41 = vector.load %arg10[%swap3A_39, %swap3A_40] : memref<1000x128xf32, #tpu.memory_space<vmem>>, vector<1000x128xf32>
    tpu.vector_store %arg10[%swap3A_39, %swap3A_40], %add3A_38 {strides = array<i32>} : memref<1000x128xf32, #tpu.memory_space<vmem>>, vector<1000x128xf32>,
    return
  }
  func.func @transform_0(%arg0: i32) -> (i32, i32) {
    %c0_i32 = arith.constant 0 : i32
    %c0_i32_0 = arith.constant 0 : i32
    return %arg0, %c0_i32 : i32, i32
  }
  func.func @transform_1(%arg0: i32) -> (i32, i32) {
    %c0_i32 = arith.constant 0 : i32
    %c0_i32_0 = arith.constant 0 : i32
    return %arg0, %c0_i32 : i32, i32
  }
  func.func @transform_2(%arg0: i32) -> (i32, i32) {
    %c0_i32 = arith.constant 0 : i32
    %c0_i32_0 = arith.constant 0 : i32
    return %arg0, %c0_i32 : i32, i32
  }
  func.func @transform_3(%arg0: i32) -> (i32, i32) {
    %c0_i32 = arith.constant 0 : i32
    %c0_i32_0 = arith.constant 0 : i32
    return %arg0, %c0_i32 : i32, i32
  }
  func.func @transform_4(%arg0: i32) -> (i32, i32) {
    %c0_i32 = arith.constant 0 : i32
    %c0_i32_0 = arith.constant 0 : i32
    return %arg0, %c0_i32 : i32, i32
  }
  func.func @transform_5(%arg0: i32) -> (i32, i32) {
    %c0_i32 = arith.constant 0 : i32
    %c0_i32_0 = arith.constant 0 : i32
    %c0_i32_1 = arith.constant 0 : i32
    return %c0_i32, %c0_i32_0 : i32, i32
  }
  func.func @transform_6(%arg0: i32) -> (i32, i32) {
    %c0_i32 = arith.constant 0 : i32
    %c0_i32_0 = arith.constant 0 : i32
    %c0_i32_1 = arith.constant 0 : i32
    return %c0_i32, %c0_i32_0 : i32, i32
  }
  func.func @transform_7(%arg0: i32) -> (i32, i32) {
    %c0_i32 = arith.constant 0 : i32
    %c0_i32_0 = arith.constant 0 : i32
    %c0_i32_1 = arith.constant 0 : i32
    return %c0_i32, %c0_i32_0 : i32, i32
  }
  func.func @transform_8(%arg0: i32) -> (i32, i32) {
    %c0_i32 = arith.constant 0 : i32
    %c0_i32_0 = arith.constant 0 : i32
    return %arg0, %c0_i32 : i32, i32
  }
  func.func @transform_9(%arg0: i32) -> (i32, i32) {
    %c0_i32 = arith.constant 0 : i32
    %c0_i32_0 = arith.constant 0 : i32
    return %arg0, %c0_i32 : i32, i32
  }
}

module attributes {stable_mosaic.version = 14 : i64} {
  func.func @_center_idx_body(%arg0: memref<256x128xf32, #tpu.memory_space<vmem>>, %arg1: memref<256x128xi32, #tpu.memory_space<vmem>>, %arg2: memref<256x128xi32, #tpu.memory_space<vmem>>) attributes {dimension_semantics = [], scalar_prefetch = 0 : i64, scratch_operands = 0 : i64, tpu.core_type = #tpu.core_type<tc>} {
    %get3A = arith.constant 0 : index
    %get3A_0 = arith.constant 0 : index
    %get3A_1 = vector.load %arg0[%get3A, %get3A_0] : memref<256x128xf32, #tpu.memory_space<vmem>>, vector<256x128xf32>
    %iota3A = tpu.iota {dimensions = array<i32: 0>} : vector<256x256xi32>
    %iota3A_2 = tpu.iota {dimensions = array<i32: 1>} : vector<256x256xi32>
    %lt3A = arith.cmpi slt, %iota3A_2, %iota3A : vector<256x256xi32>
    %convert_element_type3A = arith.extui %lt3A : vector<256x256xi1> to vector<256x256xi32>
    %convert_element_type3A_3 = arith.sitofp %convert_element_type3A : vector<256x256xi32> to vector<256x256xf32>
    %dot_general3A = arith.constant dense<0.000000e+00> : vector<256x128xf32>
    %dot_general3A_4 = tpu.matmul %convert_element_type3A_3, %get3A_1, %dot_general3A {dimension_numbers = #tpu.dot_dimension_numbers<[1], [0], [0], [1], [0, 0, 1, 1], [], []>, transpose_lhs_hint = false} : vector<256x256xf32>, vector<256x128xf32>, vector<256x128xf32> -> vector<256x128xf32>
    %convert_element_type3A_5 = arith.fptosi %dot_general3A_4 : vector<256x128xf32> to vector<256x128xi32>
    %min3A = arith.constant 9999 : i32
    %min3A_6 = vector.broadcast %min3A : i32 to vector<256x128xi32>
    %min3A_7 = arith.minsi %convert_element_type3A_5, %min3A_6 : vector<256x128xi32>
    %swap3A = arith.constant 0 : index
    %swap3A_8 = arith.constant 0 : index
    %swap3A_9 = vector.load %arg1[%swap3A, %swap3A_8] : memref<256x128xi32, #tpu.memory_space<vmem>>, vector<256x128xi32>
    tpu.vector_store %arg1[%swap3A, %swap3A_8], %min3A_7 {strides = array<i32>} : memref<256x128xi32, #tpu.memory_space<vmem>>, vector<256x128xi32>,
    %add3A = arith.constant 1 : i32
    %add3A_10 = vector.broadcast %add3A : i32 to vector<256x128xi32>
    %add3A_11 = arith.addi %convert_element_type3A_5, %add3A_10 : vector<256x128xi32>
    %min3A_12 = arith.constant 9999 : i32
    %min3A_13 = vector.broadcast %min3A_12 : i32 to vector<256x128xi32>
    %min3A_14 = arith.minsi %add3A_11, %min3A_13 : vector<256x128xi32>
    %swap3A_15 = arith.constant 0 : index
    %swap3A_16 = arith.constant 0 : index
    %swap3A_17 = vector.load %arg2[%swap3A_15, %swap3A_16] : memref<256x128xi32, #tpu.memory_space<vmem>>, vector<256x128xi32>
    tpu.vector_store %arg2[%swap3A_15, %swap3A_16], %min3A_14 {strides = array<i32>} : memref<256x128xi32, #tpu.memory_space<vmem>>, vector<256x128xi32>,
    return
  }
}

module attributes {stable_mosaic.version = 14 : i64} {
  func.func @_final_combine_body(%arg0: i32, %arg1: memref<1000x128xf32, #tpu.memory_space<vmem>>, %arg2: memref<1000x128xf32, #tpu.memory_space<vmem>>, %arg3: memref<1000x128xf32, #tpu.memory_space<vmem>>, %arg4: memref<1000x128xf32, #tpu.memory_space<vmem>>, %arg5: memref<1000x128xf32, #tpu.memory_space<vmem>>, %arg6: memref<1000x128xf32, #tpu.memory_space<vmem>>) attributes {dimension_semantics = [#tpu.dimension_semantics<arbitrary>], iteration_bounds = array<i64: 10>, scalar_prefetch = 0 : i64, scratch_operands = 0 : i64, tpu.core_type = #tpu.core_type<tc>, window_params = [{transform_indices = @transform_0, window_bounds = array<i64: 1000, 128>}, {transform_indices = @transform_1, window_bounds = array<i64: 1000, 128>}, {transform_indices = @transform_2, window_bounds = array<i64: 1000, 128>}, {transform_indices = @transform_3, window_bounds = array<i64: 1000, 128>}, {transform_indices = @transform_4, window_bounds = array<i64: 1000, 128>}, {transform_indices = @transform_5, window_bounds = array<i64: 1000, 128>}]} {
    %get3A = arith.constant 0 : index
    %get3A_0 = arith.constant 0 : index
    %get3A_1 = vector.load %arg1[%get3A, %get3A_0] : memref<1000x128xf32, #tpu.memory_space<vmem>>, vector<1000x128xf32>
    %get3A_2 = arith.constant 0 : index
    %get3A_3 = arith.constant 0 : index
    %get3A_4 = vector.load %arg2[%get3A_2, %get3A_3] : memref<1000x128xf32, #tpu.memory_space<vmem>>, vector<1000x128xf32>
    %get3A_5 = arith.constant 0 : index
    %get3A_6 = arith.constant 0 : index
    %get3A_7 = vector.load %arg3[%get3A_5, %get3A_6] : memref<1000x128xf32, #tpu.memory_space<vmem>>, vector<1000x128xf32>
    %get3A_8 = arith.constant 0 : index
    %get3A_9 = arith.constant 0 : index
    %get3A_10 = vector.load %arg4[%get3A_8, %get3A_9] : memref<1000x128xf32, #tpu.memory_space<vmem>>, vector<1000x128xf32>
    %get3A_11 = arith.constant 0 : index
    %get3A_12 = arith.constant 0 : index
    %get3A_13 = vector.load %arg5[%get3A_11, %get3A_12] : memref<1000x128xf32, #tpu.memory_space<vmem>>, vector<1000x128xf32>
    %add3A = arith.addf %get3A_7, %get3A_10 : vector<1000x128xf32>
    %max3A = arith.constant 1.000000e+00 : f32
    %max3A_14 = vector.broadcast %max3A : f32 to vector<1000x128xf32>
    %max3A_15 = arith.maximumf %add3A, %max3A_14 : vector<1000x128xf32>
    %div3A = arith.constant 1.000000e+00 : f32
    %div3A_16 = vector.broadcast %div3A : f32 to vector<1000x128xf32>
    %div3A_17 = arith.divf %div3A_16, %max3A_15 : vector<1000x128xf32>
    %add3A_18 = arith.addf %get3A_1, %get3A_4 : vector<1000x128xf32>
    %mul3A = arith.mulf %add3A_18, %div3A_17 : vector<1000x128xf32>
    %add3A_19 = arith.addf %mul3A, %get3A_13 : vector<1000x128xf32>
    %swap3A = arith.constant 0 : index
    %swap3A_20 = arith.constant 0 : index
    %swap3A_21 = vector.load %arg6[%swap3A, %swap3A_20] : memref<1000x128xf32, #tpu.memory_space<vmem>>, vector<1000x128xf32>
    tpu.vector_store %arg6[%swap3A, %swap3A_20], %add3A_19 {strides = array<i32>} : memref<1000x128xf32, #tpu.memory_space<vmem>>, vector<1000x128xf32>,
    return
  }
  func.func @transform_0(%arg0: i32) -> (i32, i32) {
    %c0_i32 = arith.constant 0 : i32
    %c0_i32_0 = arith.constant 0 : i32
    return %arg0, %c0_i32 : i32, i32
  }
  func.func @transform_1(%arg0: i32) -> (i32, i32) {
    %c0_i32 = arith.constant 0 : i32
    %c0_i32_0 = arith.constant 0 : i32
    return %arg0, %c0_i32 : i32, i32
  }
  func.func @transform_2(%arg0: i32) -> (i32, i32) {
    %c0_i32 = arith.constant 0 : i32
    %c0_i32_0 = arith.constant 0 : i32
    return %arg0, %c0_i32 : i32, i32
  }
  func.func @transform_3(%arg0: i32) -> (i32, i32) {
    %c0_i32 = arith.constant 0 : i32
    %c0_i32_0 = arith.constant 0 : i32
    return %arg0, %c0_i32 : i32, i32
  }
  func.func @transform_4(%arg0: i32) -> (i32, i32) {
    %c0_i32 = arith.constant 0 : i32
    %c0_i32_0 = arith.constant 0 : i32
    return %arg0, %c0_i32 : i32, i32
  }
  func.func @transform_5(%arg0: i32) -> (i32, i32) {
    %c0_i32 = arith.constant 0 : i32
    %c0_i32_0 = arith.constant 0 : i32
    return %arg0, %c0_i32 : i32, i32
  }
}

module attributes {stable_mosaic.version = 14 : i64} {
  func.func @_head_mlp_body(%arg0: memref<256x128xf32, #tpu.memory_space<vmem>>, %arg1: memref<256x128xf32, #tpu.memory_space<vmem>>, %arg2: memref<128x128xf32, #tpu.memory_space<vmem>>, %arg3: memref<1x128xf32, #tpu.memory_space<vmem>>, %arg4: memref<128x128xf32, #tpu.memory_space<vmem>>, %arg5: memref<1x128xf32, #tpu.memory_space<vmem>>, %arg6: memref<256x128xf32, #tpu.memory_space<vmem>>) attributes {dimension_semantics = [], scalar_prefetch = 0 : i64, scratch_operands = 0 : i64, tpu.core_type = #tpu.core_type<tc>} {
    %get3A = arith.constant 0 : index
    %get3A_0 = arith.constant 0 : index
    %get3A_1 = vector.load %arg0[%get3A, %get3A_0] : memref<256x128xf32, #tpu.memory_space<vmem>>, vector<256x128xf32>
    %get3A_2 = arith.constant 0 : index
    %get3A_3 = arith.constant 0 : index
    %get3A_4 = vector.load %arg1[%get3A_2, %get3A_3] : memref<256x128xf32, #tpu.memory_space<vmem>>, vector<256x128xf32>
    %mul3A = arith.mulf %get3A_1, %get3A_4 : vector<256x128xf32>
    %get3A_5 = arith.constant 0 : index
    %get3A_6 = arith.constant 0 : index
    %get3A_7 = vector.load %arg2[%get3A_5, %get3A_6] : memref<128x128xf32, #tpu.memory_space<vmem>>, vector<128x128xf32>
    %dot_general3A = arith.constant dense<0.000000e+00> : vector<256x128xf32>
    %dot_general3A_8 = tpu.matmul %mul3A, %get3A_7, %dot_general3A {dimension_numbers = #tpu.dot_dimension_numbers<[1], [0], [0], [1], [0, 0, 1, 1], [], []>, transpose_lhs_hint = false} : vector<256x128xf32>, vector<128x128xf32>, vector<256x128xf32> -> vector<256x128xf32>
    %get3A_9 = arith.constant 0 : index
    %get3A_10 = arith.constant 0 : index
    %get3A_11 = vector.load %arg3[%get3A_9, %get3A_10] : memref<1x128xf32, #tpu.memory_space<vmem>>, vector<1x128xf32>
    %add3A = vector.broadcast %get3A_11 : vector<1x128xf32> to vector<256x128xf32>
    %add3A_12 = arith.addf %dot_general3A_8, %add3A : vector<256x128xf32>
    %max3A = arith.constant 0.000000e+00 : f32
    %max3A_13 = vector.broadcast %max3A : f32 to vector<256x128xf32>
    %max3A_14 = arith.maximumf %add3A_12, %max3A_13 : vector<256x128xf32>
    %get3A_15 = arith.constant 0 : index
    %get3A_16 = arith.constant 0 : index
    %get3A_17 = vector.load %arg4[%get3A_15, %get3A_16] : memref<128x128xf32, #tpu.memory_space<vmem>>, vector<128x128xf32>
    %dot_general3A_18 = arith.constant dense<0.000000e+00> : vector<256x128xf32>
    %dot_general3A_19 = tpu.matmul %max3A_14, %get3A_17, %dot_general3A_18 {dimension_numbers = #tpu.dot_dimension_numbers<[1], [0], [0], [1], [0, 0, 1, 1], [], []>, transpose_lhs_hint = false} : vector<256x128xf32>, vector<128x128xf32>, vector<256x128xf32> -> vector<256x128xf32>
    %get3A_20 = arith.constant 0 : index
    %get3A_21 = arith.constant 0 : index
    %get3A_22 = vector.load %arg5[%get3A_20, %get3A_21] : memref<1x128xf32, #tpu.memory_space<vmem>>, vector<1x128xf32>
    %add3A_23 = vector.broadcast %get3A_22 : vector<1x128xf32> to vector<256x128xf32>
    %add3A_24 = arith.addf %dot_general3A_19, %add3A_23 : vector<256x128xf32>
    %swap3A = arith.constant 0 : index
    %swap3A_25 = arith.constant 0 : index
    %swap3A_26 = vector.load %arg6[%swap3A, %swap3A_25] : memref<256x128xf32, #tpu.memory_space<vmem>>, vector<256x128xf32>
    tpu.vector_store %arg6[%swap3A, %swap3A_25], %add3A_24 {strides = array<i32>} : memref<256x128xf32, #tpu.memory_space<vmem>>, vector<256x128xf32>,
    return
  }
}

</mosaic_0001>

<sc_bundles>
// kernel: kernel.14.cloned.1.call-start
scs
__scs_entry_jumppad:
0x0: {  	(pc) =	sbr.rel $0x88, $3  }
0x1: {  	(tag) =	ssettag $0x0;
	lr =	simm.s32 $0x1  }
0x2: {  	[smem:$0x3F96] =	sst lr;
	_ =	strace $0xD0000000  }
0x3: {  	_ = 	snop  }
0x4: {  	_ = 	snop  }
0x5: {  	_ = 	snop  }
0x6: {  	_ = 	snop  }
0x7: {  	_ = 	snop  }
__scs_overlays_trampoline_lowered:
0x8: {  	[smem:$0x3FA5] =	sst s0  }
0x9: {  	[smem:$0x3FA6] =	sst s1  }
0xa: {  	[smem:$0x3FA7] =	sst s2  }
0xb: {  	[smem:$0x3FA8] =	sst s3  }
0xc: {  	[smem:$0x3FA9] =	sst s4  }
0xd: {  	[smem:$0x3FAA] =	sst s5  }
0xe: {  	[smem:$0x3FAB] =	sst s6  }
0xf: {  	[smem:$0x3FAC] =	sst s7  }
0x10: {  	[smem:$0x3FAD] =	sst s8  }
0x11: {  	[smem:$0x3FAE] =	sst s9;
	s0 =	simm.s32 @!p0 $0x0  }
0x12: {  	s1 =	sld [smem:$0x3F94];
	s0 =	simm.s32 @p0 $0x1  }
0x13: {  	[smem:$0x3FAF] =	sst s0;
	s0 =	simm.s32 @!p1 $0x0  }
0x14: {  	s2 =	sld [smem:$0x3F93];
	s0 =	simm.s32 @p1 $0x1  }
0x15: {  	[smem:$0x3FB0] =	sst s0;
	s0 =	simm.s32 @!p2 $0x0  }
0x16: {  	s3 =	sld [smem:$0x3FDB];
	s0 =	simm.s32 @p2 $0x1  }
0x17: {  	s4 =	simm.s32 $0x1BF5;
	[smem:$0x3FB2] =	sst s0  }
0x18: {  	s0 =	sld [smem:$0x3F95];
	_ =	swait.ge [sflag:s4], $0x0  }
0x19: {  	s7 =	sld [smem:$0x3F96]  }
0x1a: {  	s8 =	sadd.s32 $0xFFFFE003, lr  }
0x1b: {  	s9 =	sadd.s32 $0xFFFFFEF7, lr;
	s5 =	simm.s32 $0xFFFFFFFF;
	p2 =	slt.u32 s8, $0xFFFFF086  }
0x1c: {  	p1 =	slt.u32 s9, $0xF7A;
	s5 =	simm.s32 @!p2 $0x0  }
0x1d: {  	s5 =	simm.s32 @p1 $0x1;
	p0 =	seq.s32 s7, s2  }
0x1e: {  	s7 =	smul.u32 @!p0 $0xF7A, s2;
	p2 =	seq.s32 @!p0 s5, $0x0  }
0x1f: {  	s9 =	smul.u32 $0xF7A, s1;
	s8 =	simm.s32 @!p0 $0x1BF5;
	p2 =	por !p2, p0  }
0x20: {  	[sflag:s8] =	ssyncset.s32 @!p0 $0xFFFFF086;
	s6 =	sadd.s32 @!p0 s3, s7;
	s7 =	simm.s32 @!p0 $0x108  }
0x21: {  	s3 =	sadd.s32 s3, s9;
	s6 =	sadd.s32 @!p0 $0x88, s6;
	s7 =	simm.s32 @p2 $0x1082  }
0x22: {  	[simem:s7], [sflag:s8] =	dma.local @!p0 [hbm:s6], $0xF7A  }
0x23: {  	s9 =	sor.u32 $0xD0000000, s2;
	s6 =	simm.s32 $0x108;
	_ =	swait.ge @!p0 [sflag:s8], $0x0  }
0x24: {  	s3 =	sadd.s32 $0x88, s3;
	s6 =	simm.s32 @!p1 $0x1082;
	[sflag:s4] =	ssyncset.s32 $0xFFFFF086  }
0x25: {  	[simem:s6], [sflag:s4] =	dma.local [hbm:s3], $0xF7A  }
0x26: {  	[smem:$0x3F96] =	sst s1;
	(tag) =	ssettag s2;
	_ =	strace s9  }
0x27: {  	s1 =	sld [smem:$0x3FA6]  }
0x28: {  	s2 =	sld [smem:$0x3FA7]  }
0x29: {  	s4 =	sld [smem:$0x3FA9]  }
0x2a: {  	p0 =	seq.s32 s5, $0x0;
	s5 =	sld [smem:$0x3FAA]  }
0x2b: {  	s6 =	sld [smem:$0x3FAB]  }
0x2c: {  	s7 =	sld [smem:$0x3FAC]  }
0x2d: {  	s3 =	simm.s32 $0x108;
	s8 =	sld [smem:$0x3FAD]  }
0x2e: {  	s3 =	simm.s32 @!p0 $0x1082;
	s9 =	sld [smem:$0x3FAE]  }
0x2f: {  	lr =	sadd.s32 s0, s3;
	s0 =	sld [smem:$0x3FA5]  }
0x30: {  	s3 =	sld [smem:$0x3FA8]  }
0x31: {  	[smem:$0x3FB1] =	sst s10  }
0x32: {  	s10 =	sld [smem:$0x3FAF];
	_ =	sdelay $0x3  }
0x33: {  	p0 =	seq.s32 s10, $0x1;
	s10 =	sld [smem:$0x3FB1];
	_ =	sdelay $0x3  }
0x34: {  	[smem:$0x3FB1] =	sst s10  }
0x35: {  	s10 =	sld [smem:$0x3FB0];
	_ =	sdelay $0x3  }
0x36: {  	p1 =	seq.s32 s10, $0x1;
	s10 =	sld [smem:$0x3FB1];
	_ =	sdelay $0x3  }
0x37: {  	[smem:$0x3FB1] =	sst s10  }
0x38: {  	s10 =	sld [smem:$0x3FB2]  }
0x39: {  	_ = 	snop;
	(pc) =	sbr.ind lr, $3  }
0x3a: {  	_ = 	snop  }
0x3b: {  	_ = 	snop  }
0x3c: {  	p2 =	seq.s32 s10, $0x1;
	s10 =	sld [smem:$0x3FB1]  }
0x3d: {  	_ =	shalt  }
0x3e: {  	_ =	shalt  }
0x3f: {  	_ =	shalt  }
0x40: {  	_ =	shalt  }
0x41: {  	_ =	shalt  }
0x42: {  	_ =	shalt  }
0x43: {  	_ =	shalt  }
0x44: {  	_ =	shalt  }
0x45: {  	_ =	shalt  }
0x46: {  	_ =	shalt  }
0x47: {  	_ =	shalt  }
0x48: {  	_ =	shalt  }
0x49: {  	_ =	shalt  }
0x4a: {  	_ =	shalt  }
0x4b: {  	_ =	shalt  }
0x4c: {  	_ =	shalt  }
0x4d: {  	_ =	shalt  }
0x4e: {  	_ =	shalt  }
0x4f: {  	_ =	shalt  }
0x50: {  	_ =	shalt  }
0x51: {  	_ =	shalt  }
0x52: {  	_ =	shalt  }
0x53: {  	_ =	shalt  }
0x54: {  	_ =	shalt  }
0x55: {  	_ =	shalt  }
0x56: {  	_ =	shalt  }
0x57: {  	_ =	shalt  }
0x58: {  	_ =	shalt  }
0x59: {  	_ =	shalt  }
0x5a: {  	_ =	shalt  }
0x5b: {  	_ =	shalt  }
0x5c: {  	_ =	shalt  }
0x5d: {  	_ =	shalt  }
0x5e: {  	_ =	shalt  }
0x5f: {  	_ =	shalt  }
0x60: {  	_ =	shalt  }
0x61: {  	_ =	shalt  }
0x62: {  	_ =	shalt  }
0x63: {  	_ =	shalt  }
0x64: {  	_ =	shalt  }
0x65: {  	_ =	shalt  }
0x66: {  	_ =	shalt  }
0x67: {  	_ =	shalt  }
0x68: {  	_ =	shalt  }
0x69: {  	_ =	shalt  }
0x6a: {  	_ =	shalt  }
0x6b: {  	_ =	shalt  }
0x6c: {  	_ =	shalt  }
0x6d: {  	_ =	shalt  }
0x6e: {  	_ =	shalt  }
0x6f: {  	_ =	shalt  }
0x70: {  	_ =	shalt  }
0x71: {  	_ =	shalt  }
0x72: {  	_ =	shalt  }
0x73: {  	_ =	shalt  }
0x74: {  	_ =	shalt  }
0x75: {  	_ =	shalt  }
0x76: {  	_ =	shalt  }
0x77: {  	_ =	shalt  }
0x78: {  	_ =	shalt  }
0x79: {  	_ =	shalt  }
0x7a: {  	_ =	shalt  }
0x7b: {  	_ =	shalt  }
0x7c: {  	_ =	shalt  }
0x7d: {  	_ =	shalt  }
0x7e: {  	_ =	shalt  }
0x7f: {  	_ =	shalt  }
0x80: {  	_ =	shalt  }
0x81: {  	_ =	shalt  }
0x82: {  	_ =	shalt  }
0x83: {  	_ =	shalt  }
0x84: {  	_ =	shalt  }
0x85: {  	_ =	shalt  }
0x86: {  	_ =	shalt  }
0x87: {  	_ =	shalt  }
.Lfunc_end0:
.L_simem_size_0:
called_computation_lowered:
.L_overlay_start_0:
0x88: {  	s2 =	sld [smem:$0x3FD9]  }
0x89: {  	s3 =	sld [smem:$0x3FFE];
	_ =	sdelay $0x1  }
0x8a: {  	s1 =	srdreg.scid  }
0x8b: {  	s0 =	sand.u32 $0x1, s1  }
0x8c: {  	s17 =	sshll.u32 s0, $0xA;
	s2 =	sadd.s32 s3, s2  }
0x8d: {  	s2 =	sadd.s32 s2, s17  }
0x8e: {  	[smem:$0x3FBD] =	sst s2  }
0x8f: {  	_ = 	snop  }
0x90: {  	s2 =	sld [smem:$0x3FC6];
	(tm) =	ssettm $0x1  }
0x91: {  	s18 =	sld [smem:$0x3FFB];
	_ =	sdelay $0x3  }
0x92: {  	_ =	strace s18  }
0x93: {  	s3 =	sld [smem:$0x3FFC];
	_ =	sdelay $0x3  }
0x94: {  	_ =	strace s3  }
0x95: {  	s3 =	sld [smem:$0x3FFD];
	_ =	sdelay $0x3  }
0x96: {  	_ =	strace s3  }
0x97: {  	_ =	strace $0x8FFFFFFF  }
0x98: {  	s19 =	sld [smem:$0x3FDB];
	_ =	sdelay $0x1  }
0x99: {  	s4 =	simm.s32 $_scs_section_size  }
0x9a: {  	s5 =	simm.s32 $_size__tile_overlayer_lowered;
	s6 =	simm.s32 $_tile_overlayer_lowered  }
0x9b: {  	s22 =	simm.s32 $0x1BFF;
	s21 =	sshll.u32 s6, $0x1;
	s3 =	sadd.s32 s4, s19  }
0x9c: {  	s7 =	simm.s32 $0x0;
	s20 =	sshll.u32 s5, $0x1;
	s5 =	sadd.s32 s21, s3  }
0x9d: {  	[timem:s7], [sflag:s22] =	dma.local [hbm:s5], s20  }
0x9e: {  	_ =	swait.ge [sflag:s22], s20  }
0x9f: {  	s4 =	ssub.s32 $0x0, s20;
	[sflag:s22] =	ssyncset.done $0x0  }
0xa0: {  	[sflag:s22] =	ssyncadd.s32 s4;
	_ =	sdelay $0x1  }
0xa1: {  	s23 =	simm.s32 $0x1B8B  }
0xa2: {  	_ =	swait.ge [sflag:s23], $0x1  }
0xa3: {  	[sflag:s23] =	ssyncset.done $0x0  }
0xa4: {  	s25 =	simm.s32 $0x1B8E;
	s24 =	sld [smem:$0x3FFE];
	[sflag:s23] =	ssyncadd.s32 $0xFFFFFFFF  }
0xa5: {  	s26 =	simm.s32 $execute0_lowered;
	[smem:$0x3FD2] =	sst s25  }
0xa6: {  	s5 =	sshll.u32 s26, $0x1;
	_ =	strace $0x80000046;
	[dreg:$0x1] =	wrdreg $0xFFFFFFFF  }
0xa7: {  	s28 =	simm.s32 $_size_execute0_lowered;
	s3 =	sadd.s32 s3, s5;
	[dreg:$0x0] =	wrdreg $0x0  }
0xa8: {  	s5 =	sshll.u32 s28, $0x1;
	[dreg:$0x2] =	wrdreg s3  }
0xa9: {  	[dreg:$0x3] =	wrdreg s5  }
0xaa: {  	[dreg:$0x4] =	wrdreg $0xC0  }
0xab: {  	_ =	task [dreg:s7], $0x5FFFF  }
0xac: {  	[dreg:$0x1] =	wrdreg $0xFFFFFFFF  }
0xad: {  	[dreg:$0x0] =	wrdreg $0x60  }
0xae: {  	[dreg:$0x2] =	wrdreg s2  }
0xaf: {  	[dreg:$0x3] =	wrdreg s24  }
0xb0: {  	[dreg:$0x4] =	wrdreg $0xA  }
0xb1: {  	_ =	task.clear_ibuf [dreg:s7], $0x5FFFF;
	_ =	strace $0x90000046  }
0xb2: {  	s29 =	simm.s32 $0xA;
	_ =	strace $0x80000048  }
0xb3: {  	_ =	swait.ge [sflag:s29], $0x1  }
0xb4: {  	[sflag:s29] =	ssyncadd.s32 $0xFFFFFFFF  }
0xb5: {  	_ =	strace $0x90000048  }
0xb6: {  	_ =	sfence  }
0xb7: {  	s30 =	sld [smem:$0x0];
	_ =	sdelay $0x2  }
0xb8: {  	s31 =	sshll.u32 s1, $0xD;
	s1 =	sshrl.u32 s1, $0x2  }
0xb9: {  	s3 =	sand.u32 $0x4000, s31;
	s1 =	sadd.s32 s1, s30  }
0xba: {  	s0 =	sor.u32 s3, s0;
	s1 =	sshll.u32 s1, $0x11  }
0xbb: {  	s0 =	sor.u32 s1, s0  }
0xbc: {  	s0 =	sadd.s32 $0x8F2B, s0  }
0xbd: {  	[sflag:s0] =	ssyncadd.remote.s32 $0x1  }
0xbe: {  	_ =	sfence.sel $0xFFFF  }
0xbf: {  	[dreg:$0x0] =	wrdreg $0xFFFFFFFF;
	(pc) =	sbr.abs _section_cstart, $3  }
0xc0: {  	[dreg:$0x1] =	wrdreg $0xFFFFFFFF  }
0xc1: {  	_ =	task.clear_ibuf [dreg:s7], $0x2FFFF;
	_ =	strace $0x9FFFFFFF  }
0xc2: {  	(tm) =	ssettm $0x7FFFFFFF  }
0xc3: {  	_ =	shalt  }
tec
execute0_lowered:
.L_overlay_start_1:
0x0: {  	(tag) =	ssettag $0x1  }
0x1: {  	s0 =	srdreg.scid  }
0x2: {  	s17 =	sand.u32 $0x1, s0  }
0x3: {  	s0 =	stileid.u32;
	s1 =	sshll.u32 s17, $0x4  }
0x4: {  	s2 =	rddreg [dreg:$0x0];
	s9 =	sor.u32 s0, s1  }
0x5: {  	s10 =	rddreg [dreg:$0x1];
	s3 =	simm.s32 $0x0;
	s18 =	smul.u32 $0x140, s9  }
0x6: {  	[smem:$0x7FF] =	sst s3  }
0x7: {  	s16 =	sadd.s32 $0x4000, s10;
	s1 =	rddreg [dreg:$0x2];
	s4 =	sshrl.u32 s18, $0x3  }
0x8: {  	_ =	strace $0x80000047;
	s5 =	sadd.s32 s16, s4;
	s4 =	simm.s32 $0x2  }
0x9: {  	[tilespmem:s3], [sflag:$0x2] =	stream.linear.gather [hbm4b:s5+s3], $0x40, $0x38;
	[tilespmem:$0x2080] =	vst v63  }
0xa: {  	_ =	swait.ge [sflag:s4], $0x40  }
0xb: {  	s6 =	simm.s32 $0x40;
	[sflag:s4] =	ssyncset.done $0x0  }
0xc: {  	s7 =	simm.s32 $0x80;
	s8 =	simm.s32 $0x1;
	[sflag:s4] =	ssyncadd.s32 $0xFFFFFFC0  }
0xd: {  	[tilespmem:s7], [sflag:$0x1] =	stream.indirect.gather [hbm4b:s2+s6], $0x80, s3, s6, $0xb8;
	[tilespmem:$0x2080] =	vst v63  }
0xe: {  	s9 =	smul.u32 $0x1400, s9;
	_ =	swait.ge [sflag:s8], $0x2000  }
0xf: {  	s19 =	sadd.s32 $0x4600, s10;
	[sflag:s8] =	ssyncset.done $0x0  }
0x10: {  	s9 =	sadd.s32 s19, s9;
	[sflag:s8] =	ssyncadd.s32 $0xFFFFE000  }
0x11: {  	[hbm4b:s9+s3] =	stream.linear.scatter [tilespmem:s7], [sflag:$0x2], $0x2000, $0x38;
	[tilespmem:$0x2080] =	vst v63  }
0x12: {  	s11 =	sadd.s32 $0x40, s18;
	_ =	swait.ge [sflag:s4], $0x2000  }
0x13: {  	s28 =	sshrl.u32 s11, $0x3;
	[sflag:s4] =	ssyncset.done $0x0  }
0x14: {  	s10 =	sadd.s32 s16, s28;
	[sflag:s4] =	ssyncadd.s32 $0xFFFFE000  }
0x15: {  	[tilespmem:s3], [sflag:$0x2] =	stream.linear.gather [hbm4b:s10+s3], $0x40, $0x38;
	[tilespmem:$0x2080] =	vst v63  }
0x16: {  	_ =	swait.ge [sflag:s4], $0x40  }
0x17: {  	[sflag:s4] =	ssyncset.done $0x0  }
0x18: {  	[sflag:s4] =	ssyncadd.s32 $0xFFFFFFC0  }
0x19: {  	[tilespmem:s7], [sflag:$0x1] =	stream.indirect.gather [hbm4b:s2+s6], $0x80, s3, s6, $0xb8;
	[tilespmem:$0x2080] =	vst v63  }
0x1a: {  	_ =	swait.ge [sflag:s8], $0x2000  }
0x1b: {  	s11 =	sshll.u32 s11, $0x4;
	[sflag:s8] =	ssyncset.done $0x0  }
0x1c: {  	s11 =	sadd.s32 s19, s11;
	[sflag:s8] =	ssyncadd.s32 $0xFFFFE000  }
0x1d: {  	[hbm4b:s11+s3] =	stream.linear.scatter [tilespmem:s7], [sflag:$0x2], $0x2000, $0x38;
	[tilespmem:$0x2080] =	vst v63  }
0x1e: {  	s13 =	sadd.s32 $0x80, s18;
	_ =	swait.ge [sflag:s4], $0x2000  }
0x1f: {  	s12 =	sshrl.u32 s13, $0x3;
	[sflag:s4] =	ssyncset.done $0x0  }
0x20: {  	s12 =	sadd.s32 s16, s12;
	[sflag:s4] =	ssyncadd.s32 $0xFFFFE000  }
0x21: {  	[tilespmem:s3], [sflag:$0x2] =	stream.linear.gather [hbm4b:s12+s3], $0x40, $0x38;
	[tilespmem:$0x2080] =	vst v63  }
0x22: {  	_ =	swait.ge [sflag:s4], $0x40  }
0x23: {  	[sflag:s4] =	ssyncset.done $0x0  }
0x24: {  	[sflag:s4] =	ssyncadd.s32 $0xFFFFFFC0  }
0x25: {  	[tilespmem:s7], [sflag:$0x1] =	stream.indirect.gather [hbm4b:s2+s6], $0x80, s3, s6, $0xb8;
	[tilespmem:$0x2080] =	vst v63  }
0x26: {  	_ =	swait.ge [sflag:s8], $0x2000  }
0x27: {  	s13 =	sshll.u32 s13, $0x4;
	[sflag:s8] =	ssyncset.done $0x0  }
0x28: {  	s13 =	sadd.s32 s19, s13;
	[sflag:s8] =	ssyncadd.s32 $0xFFFFE000  }
0x29: {  	[hbm4b:s13+s3] =	stream.linear.scatter [tilespmem:s7], [sflag:$0x2], $0x2000, $0x38;
	[tilespmem:$0x2080] =	vst v63  }
0x2a: {  	s15 =	sadd.s32 $0xC0, s18;
	_ =	swait.ge [sflag:s4], $0x2000  }
0x2b: {  	s14 =	sshrl.u32 s15, $0x3;
	[sflag:s4] =	ssyncset.done $0x0  }
0x2c: {  	s14 =	sadd.s32 s16, s14;
	[sflag:s4] =	ssyncadd.s32 $0xFFFFE000  }
0x2d: {  	[tilespmem:s3], [sflag:$0x2] =	stream.linear.gather [hbm4b:s14+s3], $0x40, $0x38;
	[tilespmem:$0x2080] =	vst v63  }
0x2e: {  	_ =	swait.ge [sflag:s4], $0x40  }
0x2f: {  	[sflag:s4] =	ssyncset.done $0x0  }
0x30: {  	[sflag:s4] =	ssyncadd.s32 $0xFFFFFFC0  }
0x31: {  	[tilespmem:s7], [sflag:$0x1] =	stream.indirect.gather [hbm4b:s2+s6], $0x80, s3, s6, $0xb8;
	[tilespmem:$0x2080] =	vst v63  }
0x32: {  	_ =	swait.ge [sflag:s8], $0x2000  }
0x33: {  	s15 =	sshll.u32 s15, $0x4;
	[sflag:s8] =	ssyncset.done $0x0  }
0x34: {  	s15 =	sadd.s32 s19, s15;
	[sflag:s8] =	ssyncadd.s32 $0xFFFFE000  }
0x35: {  	[hbm4b:s15+s3] =	stream.linear.scatter [tilespmem:s7], [sflag:$0x2], $0x2000, $0x38;
	[tilespmem:$0x2080] =	vst v63  }
0x36: {  	s18 =	sadd.s32 $0x100, s18;
	_ =	swait.ge [sflag:s4], $0x2000  }
0x37: {  	s20 =	sshrl.u32 s18, $0x3;
	[sflag:s4] =	ssyncset.done $0x0  }
0x38: {  	s17 =	ssub.s32 $0x2, s17;
	s16 =	sadd.s32 s16, s20;
	[sflag:s4] =	ssyncadd.s32 $0xFFFFE000  }
0x39: {  	[tilespmem:s3], [sflag:$0x2] =	stream.linear.gather [hbm4b:s16+s3], $0x40, $0x38;
	[tilespmem:$0x2080] =	vst v63  }
0x3a: {  	s29 =	sshrl.u32 s17, $0x1;
	_ =	swait.ge [sflag:s4], $0x40  }
0x3b: {  	s20 =	ssub.s32 s17, s29;
	[sflag:s4] =	ssyncset.done $0x0  }
0x3c: {  	s31 =	smax.u32 s20, $0x1;
	[sflag:s4] =	ssyncadd.s32 $0xFFFFFFC0  }
0x3d: {  	[tilespmem:s7], [sflag:$0x1] =	stream.indirect.gather [hbm4b:s2+s6], $0x80, s3, s6, $0xb8;
	[tilespmem:$0x2080] =	vst v63  }
0x3e: {  	p0 =	sne.s32 s31, $0x1;
	_ =	swait.ge [sflag:s8], $0x2000  }
.Ltmp0:
0x3f: {  	s30 =	sshll.u32 s18, $0x4;
	[sflag:s8] =	ssyncset.done $0x0;
	(pc) =	sbr.rel @!p0 .LBB2_2-.Ltmp0, $4  }
0x40: {  	s17 =	sadd.s32 s19, s30;
	[sflag:s8] =	ssyncadd.s32 $0xFFFFE000  }
0x41: {  	[hbm4b:s17+s3] =	stream.linear.scatter [tilespmem:s7], [sflag:$0x2], $0x2000, $0x38;
	[tilespmem:$0x2080] =	vst v63  }
0x42: {  	_ =	swait.ge [sflag:s4], $0x2000  }
0x43: {  	s18 =	sadd.s32 $0xFFFFFFFF, s31;
	[sflag:s4] =	ssyncset.done $0x0  }
.LBB2_1:
0x44: {  	p0 =	sne.s32 s18, $0x1;
	s18 =	sadd.s32 $0xFFFFFFFF, s18;
	[sflag:s4] =	ssyncadd.s32 $0xFFFFE000  }
0x45: {  	[tilespmem:s3], [sflag:$0x2] =	stream.linear.gather [hbm4b:s5+s3], $0x40, $0x38;
	[tilespmem:$0x2080] =	vst v63  }
0x46: {  	_ =	swait.ge [sflag:s4], $0x40  }
0x47: {  	[sflag:s4] =	ssyncset.done $0x0  }
0x48: {  	[sflag:s4] =	ssyncadd.s32 $0xFFFFFFC0  }
0x49: {  	[tilespmem:s7], [sflag:$0x1] =	stream.indirect.gather [hbm4b:s2+s6], $0x80, s3, s6, $0xb8;
	[tilespmem:$0x2080] =	vst v63  }
0x4a: {  	_ =	swait.ge [sflag:s8], $0x2000  }
0x4b: {  	[sflag:s8] =	ssyncset.done $0x0  }
0x4c: {  	[sflag:s8] =	ssyncadd.s32 $0xFFFFE000  }
0x4d: {  	[hbm4b:s9+s3] =	stream.linear.scatter [tilespmem:s7], [sflag:$0x2], $0x2000, $0x38;
	[tilespmem:$0x2080] =	vst v63  }
0x4e: {  	_ =	swait.ge [sflag:s4], $0x2000  }
0x4f: {  	[sflag:s4] =	ssyncset.done $0x0  }
0x50: {  	[sflag:s4] =	ssyncadd.s32 $0xFFFFE000  }
0x51: {  	[tilespmem:s3], [sflag:$0x2] =	stream.linear.gather [hbm4b:s10+s3], $0x40, $0x38;
	[tilespmem:$0x2080] =	vst v63  }
0x52: {  	_ =	swait.ge [sflag:s4], $0x40  }
0x53: {  	[sflag:s4] =	ssyncset.done $0x0  }
0x54: {  	[sflag:s4] =	ssyncadd.s32 $0xFFFFFFC0  }
0x55: {  	[tilespmem:s7], [sflag:$0x1] =	stream.indirect.gather [hbm4b:s2+s6], $0x80, s3, s6, $0xb8;
	[tilespmem:$0x2080] =	vst v63  }
0x56: {  	_ =	swait.ge [sflag:s8], $0x2000  }
0x57: {  	[sflag:s8] =	ssyncset.done $0x0  }
0x58: {  	[sflag:s8] =	ssyncadd.s32 $0xFFFFE000  }
0x59: {  	[hbm4b:s11+s3] =	stream.linear.scatter [tilespmem:s7], [sflag:$0x2], $0x2000, $0x38;
	[tilespmem:$0x2080] =	vst v63  }
0x5a: {  	_ =	swait.ge [sflag:s4], $0x2000  }
0x5b: {  	[sflag:s4] =	ssyncset.done $0x0  }
0x5c: {  	[sflag:s4] =	ssyncadd.s32 $0xFFFFE000  }
0x5d: {  	[tilespmem:s3], [sflag:$0x2] =	stream.linear.gather [hbm4b:s12+s3], $0x40, $0x38;
	[tilespmem:$0x2080] =	vst v63  }
0x5e: {  	_ =	swait.ge [sflag:s4], $0x40  }
0x5f: {  	[sflag:s4] =	ssyncset.done $0x0  }
0x60: {  	[sflag:s4] =	ssyncadd.s32 $0xFFFFFFC0  }
0x61: {  	[tilespmem:s7], [sflag:$0x1] =	stream.indirect.gather [hbm4b:s2+s6], $0x80, s3, s6, $0xb8;
	[tilespmem:$0x2080] =	vst v63  }
0x62: {  	_ =	swait.ge [sflag:s8], $0x2000  }
0x63: {  	[sflag:s8] =	ssyncset.done $0x0  }
0x64: {  	[sflag:s8] =	ssyncadd.s32 $0xFFFFE000  }
0x65: {  	[hbm4b:s13+s3] =	stream.linear.scatter [tilespmem:s7], [sflag:$0x2], $0x2000, $0x38;
	[tilespmem:$0x2080] =	vst v63  }
0x66: {  	_ =	swait.ge [sflag:s4], $0x2000  }
0x67: {  	[sflag:s4] =	ssyncset.done $0x0  }
0x68: {  	[sflag:s4] =	ssyncadd.s32 $0xFFFFE000  }
0x69: {  	[tilespmem:s3], [sflag:$0x2] =	stream.linear.gather [hbm4b:s14+s3], $0x40, $0x38;
	[tilespmem:$0x2080] =	vst v63  }
0x6a: {  	_ =	swait.ge [sflag:s4], $0x40  }
0x6b: {  	[sflag:s4] =	ssyncset.done $0x0  }
0x6c: {  	[sflag:s4] =	ssyncadd.s32 $0xFFFFFFC0  }
0x6d: {  	[tilespmem:s7], [sflag:$0x1] =	stream.indirect.gather [hbm4b:s2+s6], $0x80, s3, s6, $0xb8;
	[tilespmem:$0x2080] =	vst v63  }
0x6e: {  	_ =	swait.ge [sflag:s8], $0x2000  }
0x6f: {  	[sflag:s8] =	ssyncset.done $0x0  }
0x70: {  	[sflag:s8] =	ssyncadd.s32 $0xFFFFE000  }
0x71: {  	[hbm4b:s15+s3] =	stream.linear.scatter [tilespmem:s7], [sflag:$0x2], $0x2000, $0x38;
	[tilespmem:$0x2080] =	vst v63  }
0x72: {  	_ =	swait.ge [sflag:s4], $0x2000  }
0x73: {  	[sflag:s4] =	ssyncset.done $0x0  }
0x74: {  	[sflag:s4] =	ssyncadd.s32 $0xFFFFE000  }
0x75: {  	[tilespmem:s3], [sflag:$0x2] =	stream.linear.gather [hbm4b:s16+s3], $0x40, $0x38;
	[tilespmem:$0x2080] =	vst v63  }
0x76: {  	_ =	swait.ge [sflag:s4], $0x40  }
0x77: {  	[sflag:s4] =	ssyncset.done $0x0  }
0x78: {  	[sflag:s4] =	ssyncadd.s32 $0xFFFFFFC0  }
0x79: {  	[tilespmem:s7], [sflag:$0x1] =	stream.indirect.gather [hbm4b:s2+s6], $0x80, s3, s6, $0xb8;
	[tilespmem:$0x2080] =	vst v63  }
0x7a: {  	_ =	swait.ge [sflag:s8], $0x2000  }
.Ltmp1:
0x7b: {  	[sflag:s8] =	ssyncset.done $0x0;
	(pc) =	sbr.rel @p0 .LBB2_1-.Ltmp1, $4  }
0x7c: {  	[sflag:s8] =	ssyncadd.s32 $0xFFFFE000  }
0x7d: {  	[hbm4b:s17+s3] =	stream.linear.scatter [tilespmem:s7], [sflag:$0x2], $0x2000, $0x38;
	[tilespmem:$0x2080] =	vst v63  }
0x7e: {  	_ =	swait.ge [sflag:s4], $0x2000  }
0x7f: {  	[sflag:s4] =	ssyncset.done $0x0  }
.LBB2_2:
0x80: {  	[sflag:s4] =	ssyncadd.s32 $0xFFFFE000  }
0x81: {  	_ =	sfence.sel $0x180000  }
0x82: {  	[bflag:$0x0] =	sbarrier.arrive $0xFFFF  }
0x83: {  	p0 =	sne.s32 s0, $0x0;
	_ =	strace $0x90000047  }
0x84: {  	s0 =	sadd.s32 @!p0 $0x100000, s1;
	[bflag:$0x2] =	sbarrier.arrive $0xFFFF  }
0x85: {  	[sflag:s0] =	ssyncadd.tile.s32 @!p0 $0x1;
	_ =	shalt  }
.Lfunc_end2:
_tile_overlayer_lowered:
.L_overlay_start_2:
0x86: {  	(tag) =	ssettag $0x2  }
0x87: {  	s0 =	rddreg [dreg:$0x0];
	s2 =	stileid.u32  }
0x88: {  	s1 =	rddreg [dreg:$0x1];
	p0 =	sne.s32 s2, $0x0  }
0x89: {  	s3 =	rddreg [dreg:$0x2];
	[bflag:$0x3] =	sbarrier.arrive $0xFFFF;
	s2 =	simm.s32 @!p0 $0x1C02  }
0x8a: {  	[timem:s3], [sflag:s2] =	dma.local @!p0 [hbm:s0], s1  }
0x8b: {  	s0 =	simm.s32 @!p0 $0x2  }
0x8c: {  	_ =	swait.ge @!p0 [sflag:s0], s1  }
0x8d: {  	s1 =	ssub.s32 @!p0 $0x0, s1;
	[sflag:s0] =	ssyncset.done @!p0 $0x0  }
0x8e: {  	[sflag:s0] =	ssyncadd.s32 @!p0 s1  }
0x8f: {  	[bflag:$0x3] =	sbarrier.arrive $0xFFFF  }
0x90: {  	_ =	shalt  }

// kernel: kernel.17.cloned.1.call-start
scs
__scs_entry_jumppad:
0x0: {  	(pc) =	sbr.rel $0x88, $3  }
0x1: {  	(tag) =	ssettag $0x0;
	lr =	simm.s32 $0x1  }
0x2: {  	[smem:$0x3F96] =	sst lr;
	_ =	strace $0xD0000000  }
0x3: {  	_ = 	snop  }
0x4: {  	_ = 	snop  }
0x5: {  	_ = 	snop  }
0x6: {  	_ = 	snop  }
0x7: {  	_ = 	snop  }
__scs_overlays_trampoline_lowered:
0x8: {  	[smem:$0x3FA5] =	sst s0  }
0x9: {  	[smem:$0x3FA6] =	sst s1  }
0xa: {  	[smem:$0x3FA7] =	sst s2  }
0xb: {  	[smem:$0x3FA8] =	sst s3  }
0xc: {  	[smem:$0x3FA9] =	sst s4  }
0xd: {  	[smem:$0x3FAA] =	sst s5  }
0xe: {  	[smem:$0x3FAB] =	sst s6  }
0xf: {  	[smem:$0x3FAC] =	sst s7  }
0x10: {  	[smem:$0x3FAD] =	sst s8  }
0x11: {  	[smem:$0x3FAE] =	sst s9;
	s0 =	simm.s32 @!p0 $0x0  }
0x12: {  	s1 =	sld [smem:$0x3F94];
	s0 =	simm.s32 @p0 $0x1  }
0x13: {  	[smem:$0x3FAF] =	sst s0;
	s0 =	simm.s32 @!p1 $0x0  }
0x14: {  	s2 =	sld [smem:$0x3F93];
	s0 =	simm.s32 @p1 $0x1  }
0x15: {  	[smem:$0x3FB0] =	sst s0;
	s0 =	simm.s32 @!p2 $0x0  }
0x16: {  	s3 =	sld [smem:$0x3FDB];
	s0 =	simm.s32 @p2 $0x1  }
0x17: {  	s4 =	simm.s32 $0x1BF5;
	[smem:$0x3FB2] =	sst s0  }
0x18: {  	s0 =	sld [smem:$0x3F95];
	_ =	swait.ge [sflag:s4], $0x0  }
0x19: {  	s7 =	sld [smem:$0x3F96]  }
0x1a: {  	s8 =	sadd.s32 $0xFFFFE003, lr  }
0x1b: {  	s9 =	sadd.s32 $0xFFFFFEF7, lr;
	s5 =	simm.s32 $0xFFFFFFFF;
	p2 =	slt.u32 s8, $0xFFFFF086  }
0x1c: {  	p1 =	slt.u32 s9, $0xF7A;
	s5 =	simm.s32 @!p2 $0x0  }
0x1d: {  	s5 =	simm.s32 @p1 $0x1;
	p0 =	seq.s32 s7, s2  }
0x1e: {  	s7 =	smul.u32 @!p0 $0xF7A, s2;
	p2 =	seq.s32 @!p0 s5, $0x0  }
0x1f: {  	s9 =	smul.u32 $0xF7A, s1;
	s8 =	simm.s32 @!p0 $0x1BF5;
	p2 =	por !p2, p0  }
0x20: {  	[sflag:s8] =	ssyncset.s32 @!p0 $0xFFFFF086;
	s6 =	sadd.s32 @!p0 s3, s7;
	s7 =	simm.s32 @!p0 $0x108  }
0x21: {  	s3 =	sadd.s32 s3, s9;
	s6 =	sadd.s32 @!p0 $0x88, s6;
	s7 =	simm.s32 @p2 $0x1082  }
0x22: {  	[simem:s7], [sflag:s8] =	dma.local @!p0 [hbm:s6], $0xF7A  }
0x23: {  	s9 =	sor.u32 $0xD0000000, s2;
	s6 =	simm.s32 $0x108;
	_ =	swait.ge @!p0 [sflag:s8], $0x0  }
0x24: {  	s3 =	sadd.s32 $0x88, s3;
	s6 =	simm.s32 @!p1 $0x1082;
	[sflag:s4] =	ssyncset.s32 $0xFFFFF086  }
0x25: {  	[simem:s6], [sflag:s4] =	dma.local [hbm:s3], $0xF7A  }
0x26: {  	[smem:$0x3F96] =	sst s1;
	(tag) =	ssettag s2;
	_ =	strace s9  }
0x27: {  	s1 =	sld [smem:$0x3FA6]  }
0x28: {  	s2 =	sld [smem:$0x3FA7]  }
0x29: {  	s4 =	sld [smem:$0x3FA9]  }
0x2a: {  	p0 =	seq.s32 s5, $0x0;
	s5 =	sld [smem:$0x3FAA]  }
0x2b: {  	s6 =	sld [smem:$0x3FAB]  }
0x2c: {  	s7 =	sld [smem:$0x3FAC]  }
0x2d: {  	s3 =	simm.s32 $0x108;
	s8 =	sld [smem:$0x3FAD]  }
0x2e: {  	s3 =	simm.s32 @!p0 $0x1082;
	s9 =	sld [smem:$0x3FAE]  }
0x2f: {  	lr =	sadd.s32 s0, s3;
	s0 =	sld [smem:$0x3FA5]  }
0x30: {  	s3 =	sld [smem:$0x3FA8]  }
0x31: {  	[smem:$0x3FB1] =	sst s10  }
0x32: {  	s10 =	sld [smem:$0x3FAF];
	_ =	sdelay $0x3  }
0x33: {  	p0 =	seq.s32 s10, $0x1;
	s10 =	sld [smem:$0x3FB1];
	_ =	sdelay $0x3  }
0x34: {  	[smem:$0x3FB1] =	sst s10  }
0x35: {  	s10 =	sld [smem:$0x3FB0];
	_ =	sdelay $0x3  }
0x36: {  	p1 =	seq.s32 s10, $0x1;
	s10 =	sld [smem:$0x3FB1];
	_ =	sdelay $0x3  }
0x37: {  	[smem:$0x3FB1] =	sst s10  }
0x38: {  	s10 =	sld [smem:$0x3FB2]  }
0x39: {  	_ = 	snop;
	(pc) =	sbr.ind lr, $3  }
0x3a: {  	_ = 	snop  }
0x3b: {  	_ = 	snop  }
0x3c: {  	p2 =	seq.s32 s10, $0x1;
	s10 =	sld [smem:$0x3FB1]  }
0x3d: {  	_ =	shalt  }
0x3e: {  	_ =	shalt  }
0x3f: {  	_ =	shalt  }
0x40: {  	_ =	shalt  }
0x41: {  	_ =	shalt  }
0x42: {  	_ =	shalt  }
0x43: {  	_ =	shalt  }
0x44: {  	_ =	shalt  }
0x45: {  	_ =	shalt  }
0x46: {  	_ =	shalt  }
0x47: {  	_ =	shalt  }
0x48: {  	_ =	shalt  }
0x49: {  	_ =	shalt  }
0x4a: {  	_ =	shalt  }
0x4b: {  	_ =	shalt  }
0x4c: {  	_ =	shalt  }
0x4d: {  	_ =	shalt  }
0x4e: {  	_ =	shalt  }
0x4f: {  	_ =	shalt  }
0x50: {  	_ =	shalt  }
0x51: {  	_ =	shalt  }
0x52: {  	_ =	shalt  }
0x53: {  	_ =	shalt  }
0x54: {  	_ =	shalt  }
0x55: {  	_ =	shalt  }
0x56: {  	_ =	shalt  }
0x57: {  	_ =	shalt  }
0x58: {  	_ =	shalt  }
0x59: {  	_ =	shalt  }
0x5a: {  	_ =	shalt  }
0x5b: {  	_ =	shalt  }
0x5c: {  	_ =	shalt  }
0x5d: {  	_ =	shalt  }
0x5e: {  	_ =	shalt  }
0x5f: {  	_ =	shalt  }
0x60: {  	_ =	shalt  }
0x61: {  	_ =	shalt  }
0x62: {  	_ =	shalt  }
0x63: {  	_ =	shalt  }
0x64: {  	_ =	shalt  }
0x65: {  	_ =	shalt  }
0x66: {  	_ =	shalt  }
0x67: {  	_ =	shalt  }
0x68: {  	_ =	shalt  }
0x69: {  	_ =	shalt  }
0x6a: {  	_ =	shalt  }
0x6b: {  	_ =	shalt  }
0x6c: {  	_ =	shalt  }
0x6d: {  	_ =	shalt  }
0x6e: {  	_ =	shalt  }
0x6f: {  	_ =	shalt  }
0x70: {  	_ =	shalt  }
0x71: {  	_ =	shalt  }
0x72: {  	_ =	shalt  }
0x73: {  	_ =	shalt  }
0x74: {  	_ =	shalt  }
0x75: {  	_ =	shalt  }
0x76: {  	_ =	shalt  }
0x77: {  	_ =	shalt  }
0x78: {  	_ =	shalt  }
0x79: {  	_ =	shalt  }
0x7a: {  	_ =	shalt  }
0x7b: {  	_ =	shalt  }
0x7c: {  	_ =	shalt  }
0x7d: {  	_ =	shalt  }
0x7e: {  	_ =	shalt  }
0x7f: {  	_ =	shalt  }
0x80: {  	_ =	shalt  }
0x81: {  	_ =	shalt  }
0x82: {  	_ =	shalt  }
0x83: {  	_ =	shalt  }
0x84: {  	_ =	shalt  }
0x85: {  	_ =	shalt  }
0x86: {  	_ =	shalt  }
0x87: {  	_ =	shalt  }
.Lfunc_end0:
.L_simem_size_0:
called_computation.1_lowered:
.L_overlay_start_0:
0x88: {  	s2 =	sld [smem:$0x3FD9]  }
0x89: {  	s3 =	sld [smem:$0x3FFE];
	_ =	sdelay $0x1  }
0x8a: {  	s1 =	srdreg.scid  }
0x8b: {  	s0 =	sand.u32 $0x1, s1  }
0x8c: {  	s17 =	sshll.u32 s0, $0xA;
	s2 =	sadd.s32 s3, s2  }
0x8d: {  	s2 =	sadd.s32 s2, s17  }
0x8e: {  	[smem:$0x3FBD] =	sst s2  }
0x8f: {  	_ = 	snop  }
0x90: {  	(tm) =	ssettm $0x1  }
0x91: {  	s18 =	sld [smem:$0x3FFB];
	_ =	sdelay $0x3  }
0x92: {  	_ =	strace s18  }
0x93: {  	s2 =	sld [smem:$0x3FFC];
	_ =	sdelay $0x3  }
0x94: {  	_ =	strace s2  }
0x95: {  	s2 =	sld [smem:$0x3FFD];
	_ =	sdelay $0x3  }
0x96: {  	_ =	strace s2  }
0x97: {  	_ =	strace $0x8FFFFFFF  }
0x98: {  	s19 =	sld [smem:$0x3FDB];
	_ =	sdelay $0x1  }
0x99: {  	s20 =	simm.s32 $_scs_section_size  }
0x9a: {  	s4 =	simm.s32 $_size__tile_overlayer_lowered;
	s5 =	simm.s32 $_tile_overlayer_lowered  }
0x9b: {  	s6 =	simm.s32 $0x1BFF;
	s21 =	sshll.u32 s5, $0x1;
	s3 =	sadd.s32 s20, s19  }
0x9c: {  	s22 =	simm.s32 $0x0;
	s4 =	sshll.u32 s4, $0x1;
	s5 =	sadd.s32 s21, s3  }
0x9d: {  	[timem:s22], [sflag:s6] =	dma.local [hbm:s5], s4  }
0x9e: {  	_ =	swait.ge [sflag:s6], s4  }
0x9f: {  	s4 =	ssub.s32 $0x0, s4;
	[sflag:s6] =	ssyncset.done $0x0  }
0xa0: {  	[sflag:s6] =	ssyncadd.s32 s4;
	_ =	sdelay $0x1  }
0xa1: {  	s23 =	simm.s32 $0x1B8B  }
0xa2: {  	_ =	swait.ge [sflag:s23], $0x1  }
0xa3: {  	[sflag:s23] =	ssyncset.done $0x0  }
0xa4: {  	[sflag:s23] =	ssyncadd.s32 $0xFFFFFFFF  }
0xa5: {  	s4 =	sld [smem:$0x0]  }
0xa6: {  	s5 =	sand.u32 $0xFFFFFFFE, s1  }
0xa7: {  	p0 =	sne.s32 s1, s5  }
0xa8: {  	s5 =	sshll.u32 @p0 s5, $0xE  }
0xa9: {  	s5 =	sadd.s32 @p0 $0x11B8D, s5;
	s6 =	sshll.u32 @p0 s4, $0x11  }
0xaa: {  	s5 =	sor.u32 @p0 s6, s5  }
0xab: {  	[sflag:s5] =	ssyncadd.remote.s32 @p0 $0x1;
	_ =	sdelay $0x1  }
0xac: {  	s5 =	simm.s32 @p0 $0x1B8D  }
0xad: {  	_ =	swait.eq @p0 [sflag:s5], $0x1  }
0xae: {  	[sflag:s5] =	ssyncadd.s32 @p0 $0xFFFFFFFF  }
0xaf: {  	s6 =	sshll.u32 @!p0 s1, $0xE  }
0xb0: {  	s6 =	sor.u32 @!p0 $0x4000, s6;
	s5 =	simm.s32 @!p0 $0x1B8D  }
0xb1: {  	s4 =	sshll.u32 @!p0 s4, $0x11;
	s6 =	sadd.s32 @!p0 $0x11B8D, s6;
	_ =	swait.eq @!p0 [sflag:s5], $0x1  }
0xb2: {  	s4 =	sor.u32 @!p0 s4, s6;
	[sflag:s5] =	ssyncadd.s32 @!p0 $0xFFFFFFFF  }
0xb3: {  	s25 =	simm.s32 $0x1B8E;
	s24 =	sld [smem:$0x3FFE];
	[sflag:s4] =	ssyncadd.remote.s32 @!p0 $0x1  }
0xb4: {  	s26 =	simm.s32 $execute0_lowered;
	[smem:$0x3FD2] =	sst s25  }
0xb5: {  	s5 =	sshll.u32 s26, $0x1;
	_ =	strace $0x80000049;
	[dreg:$0x1] =	wrdreg $0xFFFFFFFF  }
0xb6: {  	s28 =	simm.s32 $_size_execute0_lowered;
	s3 =	sadd.s32 s3, s5;
	[dreg:$0x0] =	wrdreg $0x0  }
0xb7: {  	s5 =	sshll.u32 s28, $0x1;
	[dreg:$0x2] =	wrdreg s3  }
0xb8: {  	[dreg:$0x3] =	wrdreg s5  }
0xb9: {  	[dreg:$0x4] =	wrdreg $0xC0  }
0xba: {  	_ =	task [dreg:s22], $0x5FFFF  }
0xbb: {  	[dreg:$0x1] =	wrdreg $0xFFFFFFFF  }
0xbc: {  	[dreg:$0x0] =	wrdreg $0x60  }
0xbd: {  	[dreg:$0x2] =	wrdreg s24  }
0xbe: {  	[dreg:$0x3] =	wrdreg $0x58000  }
0xbf: {  	[dreg:$0x4] =	wrdreg $0x194000  }
0xc0: {  	[dreg:$0x5] =	wrdreg $0x9  }
0xc1: {  	_ =	task.clear_ibuf [dreg:s22], $0x6FFFF;
	_ =	strace $0x90000049  }
0xc2: {  	s29 =	simm.s32 $0x9;
	_ =	strace $0x8000004B  }
0xc3: {  	_ =	swait.ge [sflag:s29], $0x1  }
0xc4: {  	[sflag:s29] =	ssyncadd.s32 $0xFFFFFFFF  }
0xc5: {  	_ =	strace $0x9000004B  }
0xc6: {  	_ =	sfence  }
0xc7: {  	s30 =	sld [smem:$0x0];
	_ =	sdelay $0x2  }
0xc8: {  	s31 =	sshll.u32 s1, $0xD;
	s1 =	sshrl.u32 s1, $0x2  }
0xc9: {  	s4 =	sand.u32 $0x4000, s31;
	s1 =	sadd.s32 s1, s30  }
0xca: {  	s0 =	sor.u32 s4, s0;
	s1 =	sshll.u32 s1, $0x11  }
0xcb: {  	s0 =	sor.u32 s1, s0  }
0xcc: {  	s0 =	sadd.s32 $0x8F2B, s0  }
0xcd: {  	[sflag:s0] =	ssyncadd.remote.s32 $0x1  }
0xce: {  	_ =	sfence.sel $0xFFFF  }
0xcf: {  	[dreg:$0x0] =	wrdreg $0xFFFFFFFF;
	(pc) =	sbr.abs _section_cstart, $3  }
0xd0: {  	[dreg:$0x1] =	wrdreg $0xFFFFFFFF  }
0xd1: {  	_ =	task.clear_ibuf [dreg:s22], $0x2FFFF;
	_ =	strace $0x9FFFFFFF  }
0xd2: {  	(tm) =	ssettm $0x7FFFFFFF  }
0xd3: {  	_ =	shalt  }
tec
execute0_lowered:
.L_overlay_start_1:
0x0: {  	(tag) =	ssettag $0x1  }
0x1: {  	s6 =	rddreg [dreg:$0x0]  }
0x2: {  	s2 =	rddreg [dreg:$0x1]  }
0x3: {  	s0 =	srdreg.scid;
	s3 =	rddreg [dreg:$0x2];
	s4 =	simm.s32 $0x0  }
0x4: {  	s19 =	simm.s32 $0x1800;
	s17 =	sand.u32 $0x1, s0;
	s0 =	stileid.u32  }
0x5: {  	s21 =	simm.s32 $0x80;
	s24 =	simm.s32 $0x0;
	s7 =	smul.u32 $0x13C00, s0  }
0x6: {  	[smem:$0x7FF] =	sst s4;
	s9 =	sadd.s32 $0x36E00, s6;
	s10 =	smul.u32 $0x4F000, s0  }
0x7: {  	s1 =	sshll.u32 s17, $0x4;
	s26 =	sshll.u32 s0, $0x7;
	s12 =	smul.u32 $0x3000, s0  }
0x8: {  	s8 =	sshll.u32 s0, $0x8;
	s28 =	ssub.s32 $0x2, s17;
	s30 =	smul.u32 $0x180, s0  }
0x9: {  	s31 =	sshll.u32 s0, $0x6;
	s18 =	sshll.u32 s0, $0xB;
	p0 =	sne.s32 s17, $0x0  }
0xa: {  	s5 =	sor.u32 s0, s1;
	s1 =	rddreg [dreg:$0x3];
	_ =	strace $0x8000004A  }
0xb: {  	s13 =	sadd.s32 s26, s6;
	s15 =	sadd.s32 s8, s6;
	s29 =	sshrl.u32 s28, $0x1  }
0xc: {  	s8 =	sor.u32 $0x1C01, s31;
	s23 =	sadd.s32 s18, s3;
	s18 =	simm.s32 $0x1  }
0xd: {  	s5 =	smul.u32 $0x2800, s5;
	s7 =	sshrl.u32 s7, $0x3;
	s10 =	sshrl.u32 s10, $0x2  }
0xe: {  	s16 =	ssub.s32 s28, s29;
	s12 =	sshrl.u32 s12, $0x2;
	s13 =	sadd.s32 $0x36600, s13  }
0xf: {  	s15 =	sadd.s32 $0xADE00, s15;
	s23 =	sshrl.u32 @!p0 s23, $0x3;
	s14 =	sadd.s32 s7, s6  }
0x10: {  	s7 =	sadd.s32 s9, s7;
	s20 =	sadd.s32 s12, s3;
	s9 =	sadd.s32 s9, s30  }
0x11: {  	s16 =	smax.u32 s16, $0x1;
	s5 =	sshrl.u32 s5, $0x3;
	s12 =	sadd.s32 $0x86600, s14  }
0x12: {  	s14 =	sadd.s32 $0x5EE00, s14;
	s20 =	sshrl.u32 @!p0 s20, $0x3;
	s11 =	sadd.s32 s5, s6  }
0x13: {  	s5 =	sadd.s32 $0x5E600, s6;
	s6 =	sadd.s32 s10, s2;
	s10 =	sadd.s32 $0x2C600, s11  }
0x14: {  	s11 =	sadd.s32 $0x2C880, s11;
	s17 =	sshrl.u32 s6, $0x3;
	s22 =	sshrl.u32 @p0 s6, $0x3  }
.LBB2_1:
0x15: {  	[spmem:s17], [sflag:s8] =	dma.local [hbm:s7], $0x2780  }
0x16: {  	_ =	swait.ge [sflag:s18], $0x2780  }
0x17: {  	[sflag:s18] =	ssyncset.done $0x0  }
0x18: {  	[sflag:s18] =	ssyncadd.s32 $0xFFFFD880  }
0x19: {  	[tilespmem:s19], [sflag:$0x1] =	stream.linear.gather [hbm4b:s5+s4], $0x4000, $0x38;
	[tilespmem:$0x1A000] =	vst v63  }
0x1a: {  	_ =	swait.ge [sflag:s18], $0x4000  }
0x1b: {  	[sflag:s18] =	ssyncset.done $0x0  }
0x1c: {  	s25 =	simm.s32 @!p0 $0x1;
	[sflag:s18] =	ssyncadd.s32 $0xFFFFC000  }
0x1d: {  	[spmem:s20], [sflag:s8] =	dma.local @!p0 [hbm:s9], $0x180  }
0x1e: {  	_ =	swait.ge @!p0 [sflag:s25], $0x180  }
0x1f: {  	[sflag:s25] =	ssyncset.done @!p0 $0x0  }
0x20: {  	[sflag:s25] =	ssyncadd.s32 @!p0 $0xFFFFFE80  }
0x21: {  	[bflag:$0x0] =	sbarrier.arrive $0xFFFF  }
0x22: {  	[tilespmem:s4], [sflag:$0x1] =	stream.linear.gather [hbm4b:s10+s4], $0x1400, $0x38;
	[tilespmem:$0x1A000] =	vst v63  }
0x23: {  	_ =	swait.ge [sflag:s18], $0x1400  }
0x24: {  	[sflag:s18] =	ssyncset.done $0x0  }
0x25: {  	s31 =	simm.s32 $0x0;
	[sflag:s18] =	ssyncadd.s32 $0xFFFFEC00  }
0x26: {  	[spmem:s2] =	stream.indirect.scatter.add.f32 [tilespmem:s19], [sflag:$0x1], $0x80, s31, s21, $0xb8;
	[tilespmem:$0x1A000] =	vst v63  }
0x27: {  	_ =	swait.ge [sflag:s18], $0x4000  }
0x28: {  	s25 =	simm.s32 $0x200;
	[sflag:s18] =	ssyncset.done $0x0  }
.LBB2_2:
0x29: {  	s26 =	sshra.s32 s25, $0x2;
	[sflag:s18] =	ssyncadd.s32 $0xFFFFC000;
	p1 =	sne.s32 s25, $0x4E00  }
0x2a: {  	[spmem:s2] =	stream.indirect.scatter.add.f32 [tilespmem:s19], [sflag:$0x1], $0x80, s26, s21, $0xb8;
	[tilespmem:$0x1A000] =	vst v63  }
.Ltmp0:
0x2b: {  	_ = 	snop;
	(pc) =	sbr.rel @p1 .LBB2_2-.Ltmp0, $4  }
0x2c: {  	_ = 	snop  }
0x2d: {  	s25 =	sadd.s32 $0x200, s25  }
0x2e: {  	_ =	swait.ge [sflag:s18], $0x4000  }
0x2f: {  	[sflag:s18] =	ssyncset.done $0x0  }
0x30: {  	[sflag:s18] =	ssyncadd.s32 $0xFFFFC000;
	s25 =	simm.s32 $0x0  }
0x31: {  	[tilespmem:s25], [sflag:$0x1] =	stream.linear.gather [hbm4b:s11+s25], $0x1380, $0x38;
	[tilespmem:$0x1A000] =	vst v63  }
0x32: {  	_ =	swait.ge [sflag:s18], $0x1380  }
0x33: {  	[sflag:s18] =	ssyncset.done $0x0  }
0x34: {  	s31 =	simm.s32 $0x0;
	[sflag:s18] =	ssyncadd.s32 $0xFFFFEC80  }
0x35: {  	[spmem:s2] =	stream.indirect.scatter.add.f32 [tilespmem:s19], [sflag:$0x1], $0x80, s31, s21, $0xb8;
	[tilespmem:$0x1A000] =	vst v63  }
0x36: {  	_ =	swait.ge [sflag:s18], $0x4000  }
0x37: {  	s25 =	simm.s32 $0x200;
	[sflag:s18] =	ssyncset.done $0x0  }
.LBB2_4:
0x38: {  	s26 =	sshra.s32 s25, $0x2;
	[sflag:s18] =	ssyncadd.s32 $0xFFFFC000;
	p1 =	sne.s32 s25, $0x4C00  }
0x39: {  	[spmem:s2] =	stream.indirect.scatter.add.f32 [tilespmem:s19], [sflag:$0x1], $0x80, s26, s21, $0xb8;
	[tilespmem:$0x1A000] =	vst v63  }
.Ltmp1:
0x3a: {  	_ = 	snop;
	(pc) =	sbr.rel @p1 .LBB2_4-.Ltmp1, $4  }
0x3b: {  	_ = 	snop  }
0x3c: {  	s25 =	sadd.s32 $0x200, s25  }
0x3d: {  	_ =	swait.ge [sflag:s18], $0x4000  }
0x3e: {  	[sflag:s18] =	ssyncset.done $0x0  }
0x3f: {  	[sflag:s18] =	ssyncadd.s32 $0xFFFFC000  }
0x40: {  	s25 =	simm.s32 @p0 $0x1;
	[bflag:$0x0] =	sbarrier.arrive @p0 $0xFFFF  }
0x41: {  	[hbm:s12], [sflag:s8] =	dma.local @p0 [spmem:s22], $0x2780  }
0x42: {  	_ =	swait.ge @p0 [sflag:s25], $0x2780  }
0x43: {  	[sflag:s25] =	ssyncset.done @p0 $0x0  }
0x44: {  	s26 =	simm.s32 @!p0 $0x1400;
	[sflag:s25] =	ssyncadd.s32 @p0 $0xFFFFD880;
	s25 =	simm.s32 @!p0 $0x0  }
0x45: {  	[tilespmem:s26], [sflag:$0x1] =	stream.linear.gather @!p0 [hbm4b:s13+s25], $0x280, $0x38;
	[tilespmem:$0x1A000] =	vst v63  }
0x46: {  	s25 =	simm.s32 @!p0 $0x1  }
0x47: {  	_ =	swait.ge @!p0 [sflag:s25], $0x280  }
0x48: {  	[sflag:s25] =	ssyncset.done @!p0 $0x0  }
0x49: {  	s28 =	simm.s32 @!p0 $0x80;
	s29 =	simm.s32 @!p0 $0x1800;
	[sflag:s25] =	ssyncadd.s32 @!p0 $0xFFFFFD80  }
0x4a: {  	[spmem:s3] =	stream.indirect.scatter.add.f32 @!p0 [tilespmem:s29], [sflag:$0x1], $0x80, s26, s28, $0xb8;
	[tilespmem:$0x1A000] =	vst v63  }
0x4b: {  	_ =	swait.ge @!p0 [sflag:s25], $0x4000  }
0x4c: {  	[sflag:s25] =	ssyncset.done @!p0 $0x0  }
0x4d: {  	s26 =	simm.s32 @!p0 $0x1480;
	[sflag:s25] =	ssyncadd.s32 @!p0 $0xFFFFC000  }
0x4e: {  	[spmem:s3] =	stream.indirect.scatter.add.f32 @!p0 [tilespmem:s29], [sflag:$0x1], $0x80, s26, s28, $0xb8;
	[tilespmem:$0x1A000] =	vst v63  }
0x4f: {  	_ =	swait.ge @!p0 [sflag:s25], $0x4000  }
0x50: {  	[sflag:s25] =	ssyncset.done @!p0 $0x0  }
0x51: {  	s26 =	simm.s32 @!p0 $0x1500;
	[sflag:s25] =	ssyncadd.s32 @!p0 $0xFFFFC000  }
0x52: {  	[spmem:s3] =	stream.indirect.scatter.add.f32 @!p0 [tilespmem:s29], [sflag:$0x1], $0x80, s26, s28, $0xb8;
	[tilespmem:$0x1A000] =	vst v63  }
0x53: {  	_ =	swait.ge @!p0 [sflag:s25], $0x4000  }
0x54: {  	[sflag:s25] =	ssyncset.done @!p0 $0x0  }
0x55: {  	s26 =	simm.s32 @!p0 $0x1580;
	[sflag:s25] =	ssyncadd.s32 @!p0 $0xFFFFC000  }
0x56: {  	[spmem:s3] =	stream.indirect.scatter.add.f32 @!p0 [tilespmem:s29], [sflag:$0x1], $0x80, s26, s28, $0xb8;
	[tilespmem:$0x1A000] =	vst v63  }
0x57: {  	_ =	swait.ge @!p0 [sflag:s25], $0x4000  }
0x58: {  	[sflag:s25] =	ssyncset.done @!p0 $0x0  }
0x59: {  	s26 =	simm.s32 @!p0 $0x1600;
	[sflag:s25] =	ssyncadd.s32 @!p0 $0xFFFFC000  }
0x5a: {  	[spmem:s3] =	stream.indirect.scatter.add.f32 @!p0 [tilespmem:s29], [sflag:$0x1], $0x80, s26, s28, $0xb8;
	[tilespmem:$0x1A000] =	vst v63  }
0x5b: {  	_ =	swait.ge @!p0 [sflag:s25], $0x4000  }
0x5c: {  	[sflag:s25] =	ssyncset.done @!p0 $0x0  }
0x5d: {  	[sflag:s25] =	ssyncadd.s32 @!p0 $0xFFFFC000  }
0x5e: {  	s26 =	sshrl.u32 @!p0 s6, $0x3;
	[bflag:$0x0] =	sbarrier.arrive @!p0 $0xFFFF  }
0x5f: {  	[hbm:s14], [sflag:s8] =	dma.local @!p0 [spmem:s26], $0x2780  }
0x60: {  	s24 =	sadd.s32 $0x1, s24;
	_ =	swait.ge @!p0 [sflag:s25], $0x2780  }
0x61: {  	p1 =	sne.s32 s24, s16;
	[sflag:s25] =	ssyncset.done @!p0 $0x0  }
.Ltmp2:
0x62: {  	[sflag:s25] =	ssyncadd.s32 @!p0 $0xFFFFD880;
	(pc) =	sbr.rel @p1 .LBB2_1-.Ltmp2, $4  }
0x63: {  	[hbm:s15], [sflag:s8] =	dma.local @!p0 [spmem:s23], $0x100  }
0x64: {  	_ =	swait.ge @!p0 [sflag:s25], $0x100  }
0x65: {  	[sflag:s25] =	ssyncset.done @!p0 $0x0  }
0x66: {  	[sflag:s25] =	ssyncadd.s32 @!p0 $0xFFFFFF00  }
0x67: {  	_ =	sfence.sel $0x180000  }
0x68: {  	[bflag:$0x0] =	sbarrier.arrive $0xFFFF  }
0x69: {  	p0 =	sne.s32 s0, $0x0;
	_ =	strace $0x9000004A  }
0x6a: {  	s0 =	sadd.s32 @!p0 $0x100000, s1;
	[bflag:$0x2] =	sbarrier.arrive $0xFFFF  }
0x6b: {  	[sflag:s0] =	ssyncadd.tile.s32 @!p0 $0x1;
	_ =	shalt  }
.Lfunc_end2:
_tile_overlayer_lowered:
.L_overlay_start_2:
0x6c: {  	(tag) =	ssettag $0x2  }
0x6d: {  	s0 =	rddreg [dreg:$0x0];
	s2 =	stileid.u32  }
0x6e: {  	s1 =	rddreg [dreg:$0x1];
	p0 =	sne.s32 s2, $0x0  }
0x6f: {  	s3 =	rddreg [dreg:$0x2];
	[bflag:$0x3] =	sbarrier.arrive $0xFFFF;
	s2 =	simm.s32 @!p0 $0x1C01  }
0x70: {  	[timem:s3], [sflag:s2] =	dma.local @!p0 [hbm:s0], s1  }
0x71: {  	s0 =	simm.s32 @!p0 $0x1  }
0x72: {  	_ =	swait.ge @!p0 [sflag:s0], s1  }
0x73: {  	s1 =	ssub.s32 @!p0 $0x0, s1;
	[sflag:s0] =	ssyncset.done @!p0 $0x0  }
0x74: {  	[sflag:s0] =	ssyncadd.s32 @!p0 s1  }
0x75: {  	[bflag:$0x3] =	sbarrier.arrive $0xFFFF  }
0x76: {  	_ =	shalt  }

// kernel: kernel.20.cloned.1.call-start
scs
__scs_entry_jumppad:
0x0: {  	(pc) =	sbr.rel $0x88, $3  }
0x1: {  	(tag) =	ssettag $0x0;
	lr =	simm.s32 $0x1  }
0x2: {  	[smem:$0x3F96] =	sst lr;
	_ =	strace $0xD0000000  }
0x3: {  	_ = 	snop  }
0x4: {  	_ = 	snop  }
0x5: {  	_ = 	snop  }
0x6: {  	_ = 	snop  }
0x7: {  	_ = 	snop  }
__scs_overlays_trampoline_lowered:
0x8: {  	[smem:$0x3FA5] =	sst s0  }
0x9: {  	[smem:$0x3FA6] =	sst s1  }
0xa: {  	[smem:$0x3FA7] =	sst s2  }
0xb: {  	[smem:$0x3FA8] =	sst s3  }
0xc: {  	[smem:$0x3FA9] =	sst s4  }
0xd: {  	[smem:$0x3FAA] =	sst s5  }
0xe: {  	[smem:$0x3FAB] =	sst s6  }
0xf: {  	[smem:$0x3FAC] =	sst s7  }
0x10: {  	[smem:$0x3FAD] =	sst s8  }
0x11: {  	[smem:$0x3FAE] =	sst s9;
	s0 =	simm.s32 @!p0 $0x0  }
0x12: {  	s1 =	sld [smem:$0x3F94];
	s0 =	simm.s32 @p0 $0x1  }
0x13: {  	[smem:$0x3FAF] =	sst s0;
	s0 =	simm.s32 @!p1 $0x0  }
0x14: {  	s2 =	sld [smem:$0x3F93];
	s0 =	simm.s32 @p1 $0x1  }
0x15: {  	[smem:$0x3FB0] =	sst s0;
	s0 =	simm.s32 @!p2 $0x0  }
0x16: {  	s3 =	sld [smem:$0x3FDB];
	s0 =	simm.s32 @p2 $0x1  }
0x17: {  	s4 =	simm.s32 $0x1BF5;
	[smem:$0x3FB2] =	sst s0  }
0x18: {  	s0 =	sld [smem:$0x3F95];
	_ =	swait.ge [sflag:s4], $0x0  }
0x19: {  	s7 =	sld [smem:$0x3F96]  }
0x1a: {  	s8 =	sadd.s32 $0xFFFFE003, lr  }
0x1b: {  	s9 =	sadd.s32 $0xFFFFFEF7, lr;
	s5 =	simm.s32 $0xFFFFFFFF;
	p2 =	slt.u32 s8, $0xFFFFF086  }
0x1c: {  	p1 =	slt.u32 s9, $0xF7A;
	s5 =	simm.s32 @!p2 $0x0  }
0x1d: {  	s5 =	simm.s32 @p1 $0x1;
	p0 =	seq.s32 s7, s2  }
0x1e: {  	s7 =	smul.u32 @!p0 $0xF7A, s2;
	p2 =	seq.s32 @!p0 s5, $0x0  }
0x1f: {  	s9 =	smul.u32 $0xF7A, s1;
	s8 =	simm.s32 @!p0 $0x1BF5;
	p2 =	por !p2, p0  }
0x20: {  	[sflag:s8] =	ssyncset.s32 @!p0 $0xFFFFF086;
	s6 =	sadd.s32 @!p0 s3, s7;
	s7 =	simm.s32 @!p0 $0x108  }
0x21: {  	s3 =	sadd.s32 s3, s9;
	s6 =	sadd.s32 @!p0 $0x88, s6;
	s7 =	simm.s32 @p2 $0x1082  }
0x22: {  	[simem:s7], [sflag:s8] =	dma.local @!p0 [hbm:s6], $0xF7A  }
0x23: {  	s9 =	sor.u32 $0xD0000000, s2;
	s6 =	simm.s32 $0x108;
	_ =	swait.ge @!p0 [sflag:s8], $0x0  }
0x24: {  	s3 =	sadd.s32 $0x88, s3;
	s6 =	simm.s32 @!p1 $0x1082;
	[sflag:s4] =	ssyncset.s32 $0xFFFFF086  }
0x25: {  	[simem:s6], [sflag:s4] =	dma.local [hbm:s3], $0xF7A  }
0x26: {  	[smem:$0x3F96] =	sst s1;
	(tag) =	ssettag s2;
	_ =	strace s9  }
0x27: {  	s1 =	sld [smem:$0x3FA6]  }
0x28: {  	s2 =	sld [smem:$0x3FA7]  }
0x29: {  	s4 =	sld [smem:$0x3FA9]  }
0x2a: {  	p0 =	seq.s32 s5, $0x0;
	s5 =	sld [smem:$0x3FAA]  }
0x2b: {  	s6 =	sld [smem:$0x3FAB]  }
0x2c: {  	s7 =	sld [smem:$0x3FAC]  }
0x2d: {  	s3 =	simm.s32 $0x108;
	s8 =	sld [smem:$0x3FAD]  }
0x2e: {  	s3 =	simm.s32 @!p0 $0x1082;
	s9 =	sld [smem:$0x3FAE]  }
0x2f: {  	lr =	sadd.s32 s0, s3;
	s0 =	sld [smem:$0x3FA5]  }
0x30: {  	s3 =	sld [smem:$0x3FA8]  }
0x31: {  	[smem:$0x3FB1] =	sst s10  }
0x32: {  	s10 =	sld [smem:$0x3FAF];
	_ =	sdelay $0x3  }
0x33: {  	p0 =	seq.s32 s10, $0x1;
	s10 =	sld [smem:$0x3FB1];
	_ =	sdelay $0x3  }
0x34: {  	[smem:$0x3FB1] =	sst s10  }
0x35: {  	s10 =	sld [smem:$0x3FB0];
	_ =	sdelay $0x3  }
0x36: {  	p1 =	seq.s32 s10, $0x1;
	s10 =	sld [smem:$0x3FB1];
	_ =	sdelay $0x3  }
0x37: {  	[smem:$0x3FB1] =	sst s10  }
0x38: {  	s10 =	sld [smem:$0x3FB2]  }
0x39: {  	_ = 	snop;
	(pc) =	sbr.ind lr, $3  }
0x3a: {  	_ = 	snop  }
0x3b: {  	_ = 	snop  }
0x3c: {  	p2 =	seq.s32 s10, $0x1;
	s10 =	sld [smem:$0x3FB1]  }
0x3d: {  	_ =	shalt  }
0x3e: {  	_ =	shalt  }
0x3f: {  	_ =	shalt  }
0x40: {  	_ =	shalt  }
0x41: {  	_ =	shalt  }
0x42: {  	_ =	shalt  }
0x43: {  	_ =	shalt  }
0x44: {  	_ =	shalt  }
0x45: {  	_ =	shalt  }
0x46: {  	_ =	shalt  }
0x47: {  	_ =	shalt  }
0x48: {  	_ =	shalt  }
0x49: {  	_ =	shalt  }
0x4a: {  	_ =	shalt  }
0x4b: {  	_ =	shalt  }
0x4c: {  	_ =	shalt  }
0x4d: {  	_ =	shalt  }
0x4e: {  	_ =	shalt  }
0x4f: {  	_ =	shalt  }
0x50: {  	_ =	shalt  }
0x51: {  	_ =	shalt  }
0x52: {  	_ =	shalt  }
0x53: {  	_ =	shalt  }
0x54: {  	_ =	shalt  }
0x55: {  	_ =	shalt  }
0x56: {  	_ =	shalt  }
0x57: {  	_ =	shalt  }
0x58: {  	_ =	shalt  }
0x59: {  	_ =	shalt  }
0x5a: {  	_ =	shalt  }
0x5b: {  	_ =	shalt  }
0x5c: {  	_ =	shalt  }
0x5d: {  	_ =	shalt  }
0x5e: {  	_ =	shalt  }
0x5f: {  	_ =	shalt  }
0x60: {  	_ =	shalt  }
0x61: {  	_ =	shalt  }
0x62: {  	_ =	shalt  }
0x63: {  	_ =	shalt  }
0x64: {  	_ =	shalt  }
0x65: {  	_ =	shalt  }
0x66: {  	_ =	shalt  }
0x67: {  	_ =	shalt  }
0x68: {  	_ =	shalt  }
0x69: {  	_ =	shalt  }
0x6a: {  	_ =	shalt  }
0x6b: {  	_ =	shalt  }
0x6c: {  	_ =	shalt  }
0x6d: {  	_ =	shalt  }
0x6e: {  	_ =	shalt  }
0x6f: {  	_ =	shalt  }
0x70: {  	_ =	shalt  }
0x71: {  	_ =	shalt  }
0x72: {  	_ =	shalt  }
0x73: {  	_ =	shalt  }
0x74: {  	_ =	shalt  }
0x75: {  	_ =	shalt  }
0x76: {  	_ =	shalt  }
0x77: {  	_ =	shalt  }
0x78: {  	_ =	shalt  }
0x79: {  	_ =	shalt  }
0x7a: {  	_ =	shalt  }
0x7b: {  	_ =	shalt  }
0x7c: {  	_ =	shalt  }
0x7d: {  	_ =	shalt  }
0x7e: {  	_ =	shalt  }
0x7f: {  	_ =	shalt  }
0x80: {  	_ =	shalt  }
0x81: {  	_ =	shalt  }
0x82: {  	_ =	shalt  }
0x83: {  	_ =	shalt  }
0x84: {  	_ =	shalt  }
0x85: {  	_ =	shalt  }
0x86: {  	_ =	shalt  }
0x87: {  	_ =	shalt  }
.Lfunc_end0:
.L_simem_size_0:
called_computation.2_lowered:
.L_overlay_start_0:
0x88: {  	s2 =	sld [smem:$0x3FD9]  }
0x89: {  	s3 =	sld [smem:$0x3FFE];
	_ =	sdelay $0x1  }
0x8a: {  	s1 =	srdreg.scid  }
0x8b: {  	s0 =	sand.u32 $0x1, s1  }
0x8c: {  	s17 =	sshll.u32 s0, $0xA;
	s2 =	sadd.s32 s3, s2  }
0x8d: {  	s2 =	sadd.s32 s2, s17  }
0x8e: {  	[smem:$0x3FBD] =	sst s2  }
0x8f: {  	_ = 	snop  }
0x90: {  	(tm) =	ssettm $0x1  }
0x91: {  	s18 =	sld [smem:$0x3FFB];
	_ =	sdelay $0x3  }
0x92: {  	_ =	strace s18  }
0x93: {  	s2 =	sld [smem:$0x3FFC];
	_ =	sdelay $0x3  }
0x94: {  	_ =	strace s2  }
0x95: {  	s2 =	sld [smem:$0x3FFD];
	_ =	sdelay $0x3  }
0x96: {  	_ =	strace s2  }
0x97: {  	_ =	strace $0x8FFFFFFF  }
0x98: {  	s19 =	sld [smem:$0x3FDB];
	_ =	sdelay $0x1  }
0x99: {  	s20 =	simm.s32 $_scs_section_size  }
0x9a: {  	s4 =	simm.s32 $_size__tile_overlayer_lowered;
	s5 =	simm.s32 $_tile_overlayer_lowered  }
0x9b: {  	s6 =	simm.s32 $0x1BFF;
	s21 =	sshll.u32 s5, $0x1;
	s3 =	sadd.s32 s20, s19  }
0x9c: {  	s22 =	simm.s32 $0x0;
	s4 =	sshll.u32 s4, $0x1;
	s5 =	sadd.s32 s21, s3  }
0x9d: {  	[timem:s22], [sflag:s6] =	dma.local [hbm:s5], s4  }
0x9e: {  	_ =	swait.ge [sflag:s6], s4  }
0x9f: {  	s4 =	ssub.s32 $0x0, s4;
	[sflag:s6] =	ssyncset.done $0x0  }
0xa0: {  	[sflag:s6] =	ssyncadd.s32 s4;
	_ =	sdelay $0x1  }
0xa1: {  	s23 =	simm.s32 $0x1B8B  }
0xa2: {  	_ =	swait.ge [sflag:s23], $0x1  }
0xa3: {  	[sflag:s23] =	ssyncset.done $0x0  }
0xa4: {  	[sflag:s23] =	ssyncadd.s32 $0xFFFFFFFF  }
0xa5: {  	s4 =	sld [smem:$0x0]  }
0xa6: {  	s5 =	sand.u32 $0xFFFFFFFE, s1  }
0xa7: {  	p0 =	sne.s32 s1, s5  }
0xa8: {  	s5 =	sshll.u32 @p0 s5, $0xE  }
0xa9: {  	s5 =	sadd.s32 @p0 $0x11B8D, s5;
	s6 =	sshll.u32 @p0 s4, $0x11  }
0xaa: {  	s5 =	sor.u32 @p0 s6, s5  }
0xab: {  	[sflag:s5] =	ssyncadd.remote.s32 @p0 $0x1;
	_ =	sdelay $0x1  }
0xac: {  	s5 =	simm.s32 @p0 $0x1B8D  }
0xad: {  	_ =	swait.eq @p0 [sflag:s5], $0x1  }
0xae: {  	[sflag:s5] =	ssyncadd.s32 @p0 $0xFFFFFFFF  }
0xaf: {  	s6 =	sshll.u32 @!p0 s1, $0xE  }
0xb0: {  	s6 =	sor.u32 @!p0 $0x4000, s6;
	s5 =	simm.s32 @!p0 $0x1B8D  }
0xb1: {  	s4 =	sshll.u32 @!p0 s4, $0x11;
	s6 =	sadd.s32 @!p0 $0x11B8D, s6;
	_ =	swait.eq @!p0 [sflag:s5], $0x1  }
0xb2: {  	s4 =	sor.u32 @!p0 s4, s6;
	[sflag:s5] =	ssyncadd.s32 @!p0 $0xFFFFFFFF  }
0xb3: {  	s25 =	simm.s32 $0x1B8E;
	s24 =	sld [smem:$0x3FFE];
	[sflag:s4] =	ssyncadd.remote.s32 @!p0 $0x1  }
0xb4: {  	s26 =	simm.s32 $execute0_lowered;
	[smem:$0x3FD2] =	sst s25  }
0xb5: {  	s5 =	sshll.u32 s26, $0x1;
	_ =	strace $0x8000004C;
	[dreg:$0x1] =	wrdreg $0xFFFFFFFF  }
0xb6: {  	s28 =	simm.s32 $_size_execute0_lowered;
	s3 =	sadd.s32 s3, s5;
	[dreg:$0x0] =	wrdreg $0x0  }
0xb7: {  	s5 =	sshll.u32 s28, $0x1;
	[dreg:$0x2] =	wrdreg s3  }
0xb8: {  	[dreg:$0x3] =	wrdreg s5  }
0xb9: {  	[dreg:$0x4] =	wrdreg $0xC0  }
0xba: {  	_ =	task [dreg:s22], $0x5FFFF  }
0xbb: {  	[dreg:$0x1] =	wrdreg $0xFFFFFFFF  }
0xbc: {  	[dreg:$0x0] =	wrdreg $0x60  }
0xbd: {  	[dreg:$0x2] =	wrdreg s24  }
0xbe: {  	[dreg:$0x3] =	wrdreg $0x68000  }
0xbf: {  	[dreg:$0x4] =	wrdreg $0xA  }
0xc0: {  	_ =	task.clear_ibuf [dreg:s22], $0x5FFFF;
	_ =	strace $0x9000004C  }
0xc1: {  	s29 =	simm.s32 $0xA;
	_ =	strace $0x8000004E  }
0xc2: {  	_ =	swait.ge [sflag:s29], $0x1  }
0xc3: {  	[sflag:s29] =	ssyncadd.s32 $0xFFFFFFFF  }
0xc4: {  	_ =	strace $0x9000004E  }
0xc5: {  	_ =	sfence  }
0xc6: {  	s30 =	sld [smem:$0x0];
	_ =	sdelay $0x2  }
0xc7: {  	s31 =	sshll.u32 s1, $0xD;
	s1 =	sshrl.u32 s1, $0x2  }
0xc8: {  	s4 =	sand.u32 $0x4000, s31;
	s1 =	sadd.s32 s1, s30  }
0xc9: {  	s0 =	sor.u32 s4, s0;
	s1 =	sshll.u32 s1, $0x11  }
0xca: {  	s0 =	sor.u32 s1, s0  }
0xcb: {  	s0 =	sadd.s32 $0x8F2B, s0  }
0xcc: {  	[sflag:s0] =	ssyncadd.remote.s32 $0x1  }
0xcd: {  	_ =	sfence.sel $0xFFFF  }
0xce: {  	[dreg:$0x0] =	wrdreg $0xFFFFFFFF;
	(pc) =	sbr.abs _section_cstart, $3  }
0xcf: {  	[dreg:$0x1] =	wrdreg $0xFFFFFFFF  }
0xd0: {  	_ =	task.clear_ibuf [dreg:s22], $0x2FFFF;
	_ =	strace $0x9FFFFFFF  }
0xd1: {  	(tm) =	ssettm $0x7FFFFFFF  }
tec
execute0_lowered:
.L_overlay_start_1:
0x0: {  	(tag) =	ssettag $0x1  }
0x1: {  	s5 =	rddreg [dreg:$0x0]  }
0x2: {  	s2 =	rddreg [dreg:$0x1]  }
0x3: {  	s0 =	rddreg [dreg:$0x2];
	s3 =	simm.s32 $0x0  }
0x4: {  	s1 =	stileid.u32;
	s4 =	srdreg.scid;
	s16 =	simm.s32 $0x80  }
0x5: {  	s17 =	simm.s32 $0x2800;
	s18 =	simm.s32 $0x1;
	s19 =	simm.s32 $0x0  }
0x6: {  	[smem:$0x7FF] =	sst s3;
	s6 =	smul.u32 $0x13C00, s1;
	s7 =	sand.u32 $0x1, s4  }
0x7: {  	s4 =	sadd.s32 $0x4000, s5;
	s10 =	sadd.s32 $0xAEE00, s5;
	s11 =	sadd.s32 $0x2C600, s5  }
0x8: {  	s29 =	smul.u32 $0x4F000, s1;
	s30 =	sshll.u32 s1, $0x6;
	_ =	strace $0x8000004D  }
0x9: {  	s9 =	smul.u32 $0x13C000, s7;
	s12 =	sshll.u32 s7, $0x4;
	s7 =	ssub.s32 $0x2, s7  }
0xa: {  	s8 =	sshrl.u32 s6, $0x3;
	s12 =	sor.u32 s1, s12;
	s13 =	sshrl.u32 s7, $0x1  }
0xb: {  	s8 =	sadd.s32 s8, s5;
	s6 =	sadd.s32 s6, s9;
	s12 =	smul.u32 $0x2800, s12  }
0xc: {  	s9 =	sshrl.u32 s29, $0x2;
	s13 =	ssub.s32 s7, s13;
	s6 =	sshrl.u32 s6, $0x3  }
0xd: {  	s15 =	sadd.s32 s9, s2;
	s14 =	sadd.s32 s6, s5;
	s31 =	sshrl.u32 s12, $0x3  }
0xe: {  	s5 =	sadd.s32 $0x36E00, s8;
	s6 =	sor.u32 $0x1C02, s30;
	s12 =	sadd.s32 $0x280, s31  }
0xf: {  	s7 =	sadd.s32 s10, s31;
	s8 =	sadd.s32 s11, s31;
	s9 =	sadd.s32 s10, s12  }
0x10: {  	s10 =	sadd.s32 s11, s12;
	s11 =	sadd.s32 $0xB8E00, s14;
	s12 =	smax.u32 s13, $0x1  }
0x11: {  	s13 =	sshrl.u32 s15, $0x3;
	s14 =	simm.s32 $0x2;
	s15 =	simm.s32 $0x1400  }
.LBB2_1:
0x12: {  	[spmem:s13], [sflag:s6] =	dma.local [hbm:s5], $0x2780  }
0x13: {  	_ =	swait.ge [sflag:s14], $0x2780  }
0x14: {  	[sflag:s14] =	ssyncset.done $0x0  }
0x15: {  	[sflag:s14] =	ssyncadd.s32 $0xFFFFD880  }
0x16: {  	[bflag:$0x0] =	sbarrier.arrive $0xFFFF  }
0x17: {  	[tilespmem:s3], [sflag:$0x2] =	stream.linear.gather [hbm4b:s7+s3], $0x1400, $0x38;
	[tilespmem:$0x1A400] =	vst v63  }
0x18: {  	_ =	swait.ge [sflag:s14], $0x1400  }
0x19: {  	[sflag:s14] =	ssyncset.done $0x0  }
0x1a: {  	[sflag:s14] =	ssyncadd.s32 $0xFFFFEC00  }
0x1b: {  	[tilespmem:s15], [sflag:$0x2] =	stream.linear.gather [hbm4b:s8+s3], $0x1400, $0x38;
	[tilespmem:$0x1A400] =	vst v63  }
0x1c: {  	_ =	swait.ge [sflag:s14], $0x1400  }
0x1d: {  	[sflag:s14] =	ssyncset.done $0x0  }
0x1e: {  	s20 =	simm.s32 $0x0;
	[sflag:s14] =	ssyncadd.s32 $0xFFFFEC00  }
0x1f: {  	[tilespmem:s17], [sflag:$0x1] =	stream.indirect.gather [hbm4b:s4+s16], $0x80, s20, s16, $0xb8;
	[tilespmem:$0x1A400] =	vst v63  }
0x20: {  	_ =	swait.ge [sflag:s18], $0x4000  }
0x21: {  	[sflag:s18] =	ssyncset.done $0x0  }
0x22: {  	s31 =	simm.s32 $0x1400;
	[sflag:s18] =	ssyncadd.s32 $0xFFFFC000  }
0x23: {  	[spmem:s2] =	stream.indirect.scatter.add.f32 [tilespmem:s17], [sflag:$0x2], $0x80, s31, s16, $0xb8;
	[tilespmem:$0x1A400] =	vst v63  }
0x24: {  	_ =	swait.ge [sflag:s14], $0x4000  }
0x25: {  	s21 =	simm.s32 $0x400;
	s20 =	simm.s32 $0x200;
	[sflag:s14] =	ssyncset.done $0x0  }
.LBB2_2:
0x26: {  	s22 =	sshra.s32 s20, $0x2  }
0x27: {  	[sflag:s14] =	ssyncadd.s32 $0xFFFFC000;
	s20 =	smov.u32 s21;
	s23 =	sadd.s32 $0x200, s21  }
0x28: {  	[tilespmem:s17], [sflag:$0x1] =	stream.indirect.gather [hbm4b:s4+s16], $0x80, s22, s16, $0xb8;
	[tilespmem:$0x1A400] =	vst v63  }
0x29: {  	p0 =	sne.s32 s21, $0x4E00;
	_ =	swait.ge [sflag:s18], $0x4000  }
.Ltmp0:
0x2a: {  	[sflag:s18] =	ssyncset.done $0x0;
	(pc) =	sbr.rel @p0 .LBB2_2-.Ltmp0, $4  }
0x2b: {  	s21 =	sadd.s32 $0x1400, s22;
	[sflag:s18] =	ssyncadd.s32 $0xFFFFC000  }
0x2c: {  	[spmem:s2] =	stream.indirect.scatter.add.f32 [tilespmem:s17], [sflag:$0x2], $0x80, s21, s16, $0xb8;
	[tilespmem:$0x1A400] =	vst v63  }
0x2d: {  	_ =	swait.ge [sflag:s14], $0x4000  }
0x2e: {  	s21 =	smov.u32 s23;
	[sflag:s14] =	ssyncset.done $0x0  }
0x2f: {  	s20 =	sshra.s32 s20, $0x2;
	[sflag:s14] =	ssyncadd.s32 $0xFFFFC000  }
0x30: {  	[tilespmem:s17], [sflag:$0x1] =	stream.indirect.gather [hbm4b:s4+s16], $0x80, s20, s16, $0xb8;
	[tilespmem:$0x1A400] =	vst v63  }
0x31: {  	_ =	swait.ge [sflag:s18], $0x4000  }
0x32: {  	[sflag:s18] =	ssyncset.done $0x0  }
0x33: {  	s20 =	sadd.s32 $0x1400, s20;
	[sflag:s18] =	ssyncadd.s32 $0xFFFFC000  }
0x34: {  	[spmem:s2] =	stream.indirect.scatter.add.f32 [tilespmem:s17], [sflag:$0x2], $0x80, s20, s16, $0xb8;
	[tilespmem:$0x1A400] =	vst v63  }
0x35: {  	_ =	swait.ge [sflag:s14], $0x4000  }
0x36: {  	[sflag:s14] =	ssyncset.done $0x0  }
0x37: {  	s29 =	simm.s32 $0x0;
	[sflag:s14] =	ssyncadd.s32 $0xFFFFC000  }
0x38: {  	[tilespmem:s29], [sflag:$0x2] =	stream.linear.gather [hbm4b:s9+s29], $0x1380, $0x38;
	[tilespmem:$0x1A400] =	vst v63  }
0x39: {  	_ =	swait.ge [sflag:s14], $0x1380  }
0x3a: {  	[sflag:s14] =	ssyncset.done $0x0  }
0x3b: {  	[sflag:s14] =	ssyncadd.s32 $0xFFFFEC80  }
0x3c: {  	[tilespmem:s15], [sflag:$0x2] =	stream.linear.gather [hbm4b:s10+s29], $0x1380, $0x38;
	[tilespmem:$0x1A400] =	vst v63  }
0x3d: {  	_ =	swait.ge [sflag:s14], $0x1380  }
0x3e: {  	[sflag:s14] =	ssyncset.done $0x0  }
0x3f: {  	s30 =	simm.s32 $0x0;
	[sflag:s14] =	ssyncadd.s32 $0xFFFFEC80  }
0x40: {  	[tilespmem:s17], [sflag:$0x1] =	stream.indirect.gather [hbm4b:s4+s16], $0x80, s30, s16, $0xb8;
	[tilespmem:$0x1A400] =	vst v63  }
0x41: {  	_ =	swait.ge [sflag:s18], $0x4000  }
0x42: {  	[sflag:s18] =	ssyncset.done $0x0  }
0x43: {  	s31 =	simm.s32 $0x1400;
	[sflag:s18] =	ssyncadd.s32 $0xFFFFC000  }
0x44: {  	[spmem:s2] =	stream.indirect.scatter.add.f32 [tilespmem:s17], [sflag:$0x2], $0x80, s31, s16, $0xb8;
	[tilespmem:$0x1A400] =	vst v63  }
0x45: {  	_ =	swait.ge [sflag:s14], $0x4000  }
0x46: {  	s21 =	simm.s32 $0x400;
	s20 =	simm.s32 $0x200;
	[sflag:s14] =	ssyncset.done $0x0  }
.LBB2_4:
0x47: {  	s22 =	sshra.s32 s20, $0x2  }
0x48: {  	[sflag:s14] =	ssyncadd.s32 $0xFFFFC000;
	s20 =	smov.u32 s21;
	s23 =	sadd.s32 $0x200, s21  }
0x49: {  	[tilespmem:s17], [sflag:$0x1] =	stream.indirect.gather [hbm4b:s4+s16], $0x80, s22, s16, $0xb8;
	[tilespmem:$0x1A400] =	vst v63  }
0x4a: {  	p0 =	sne.s32 s21, $0x4C00;
	_ =	swait.ge [sflag:s18], $0x4000  }
.Ltmp1:
0x4b: {  	[sflag:s18] =	ssyncset.done $0x0;
	(pc) =	sbr.rel @p0 .LBB2_4-.Ltmp1, $4  }
0x4c: {  	s21 =	sadd.s32 $0x1400, s22;
	[sflag:s18] =	ssyncadd.s32 $0xFFFFC000  }
0x4d: {  	[spmem:s2] =	stream.indirect.scatter.add.f32 [tilespmem:s17], [sflag:$0x2], $0x80, s21, s16, $0xb8;
	[tilespmem:$0x1A400] =	vst v63  }
0x4e: {  	_ =	swait.ge [sflag:s14], $0x4000  }
0x4f: {  	s21 =	smov.u32 s23;
	[sflag:s14] =	ssyncset.done $0x0  }
0x50: {  	s20 =	sshra.s32 s20, $0x2;
	[sflag:s14] =	ssyncadd.s32 $0xFFFFC000  }
0x51: {  	[tilespmem:s17], [sflag:$0x1] =	stream.indirect.gather [hbm4b:s4+s16], $0x80, s20, s16, $0xb8;
	[tilespmem:$0x1A400] =	vst v63  }
0x52: {  	_ =	swait.ge [sflag:s18], $0x4000  }
0x53: {  	[sflag:s18] =	ssyncset.done $0x0  }
0x54: {  	s20 =	sadd.s32 $0x1400, s20;
	[sflag:s18] =	ssyncadd.s32 $0xFFFFC000  }
0x55: {  	[spmem:s2] =	stream.indirect.scatter.add.f32 [tilespmem:s17], [sflag:$0x2], $0x80, s20, s16, $0xb8;
	[tilespmem:$0x1A400] =	vst v63  }
0x56: {  	_ =	swait.ge [sflag:s14], $0x4000  }
0x57: {  	s19 =	sadd.s32 $0x1, s19;
	[sflag:s14] =	ssyncset.done $0x0  }
0x58: {  	p0 =	sne.s32 s19, s12;
	[sflag:s14] =	ssyncadd.s32 $0xFFFFC000  }
.Ltmp2:
0x59: {  	[bflag:$0x0] =	sbarrier.arrive $0xFFFF;
	(pc) =	sbr.rel @p0 .LBB2_1-.Ltmp2, $4  }
0x5a: {  	[hbm:s11], [sflag:s6] =	dma.local [spmem:s13], $0x2780  }
0x5b: {  	_ =	swait.ge [sflag:s14], $0x2780  }
0x5c: {  	[sflag:s14] =	ssyncset.done $0x0  }
0x5d: {  	[sflag:s14] =	ssyncadd.s32 $0xFFFFD880  }
0x5e: {  	_ =	sfence.sel $0x180000  }
0x5f: {  	[bflag:$0x0] =	sbarrier.arrive $0xFFFF  }
0x60: {  	p0 =	sne.s32 s1, $0x0;
	_ =	strace $0x9000004D  }
0x61: {  	s0 =	sadd.s32 @!p0 $0x100000, s0;
	[bflag:$0x2] =	sbarrier.arrive $0xFFFF  }
0x62: {  	[sflag:s0] =	ssyncadd.tile.s32 @!p0 $0x1;
	_ =	shalt  }
.Lfunc_end2:
_tile_overlayer_lowered:
.L_overlay_start_2:
0x63: {  	(tag) =	ssettag $0x2  }
0x64: {  	s0 =	rddreg [dreg:$0x0];
	s2 =	stileid.u32  }
0x65: {  	s1 =	rddreg [dreg:$0x1];
	p0 =	sne.s32 s2, $0x0  }
0x66: {  	s3 =	rddreg [dreg:$0x2];
	[bflag:$0x3] =	sbarrier.arrive $0xFFFF;
	s2 =	simm.s32 @!p0 $0x1C02  }
0x67: {  	[timem:s3], [sflag:s2] =	dma.local @!p0 [hbm:s0], s1  }
0x68: {  	s0 =	simm.s32 @!p0 $0x2  }
0x69: {  	_ =	swait.ge @!p0 [sflag:s0], s1  }
0x6a: {  	s1 =	ssub.s32 @!p0 $0x0, s1;
	[sflag:s0] =	ssyncset.done @!p0 $0x0  }
0x6b: {  	[sflag:s0] =	ssyncadd.s32 @!p0 s1  }
0x6c: {  	[bflag:$0x3] =	sbarrier.arrive $0xFFFF  }
0x6d: {  	_ =	shalt  }

// kernel: kernel.23.cloned.1.call-start
scs
__scs_entry_jumppad:
0x0: {  	(pc) =	sbr.rel $0x88, $3  }
0x1: {  	(tag) =	ssettag $0x0;
	lr =	simm.s32 $0x1  }
0x2: {  	[smem:$0x3F96] =	sst lr;
	_ =	strace $0xD0000000  }
0x3: {  	_ = 	snop  }
0x4: {  	_ = 	snop  }
0x5: {  	_ = 	snop  }
0x6: {  	_ = 	snop  }
0x7: {  	_ = 	snop  }
__scs_overlays_trampoline_lowered:
0x8: {  	[smem:$0x3FA5] =	sst s0  }
0x9: {  	[smem:$0x3FA6] =	sst s1  }
0xa: {  	[smem:$0x3FA7] =	sst s2  }
0xb: {  	[smem:$0x3FA8] =	sst s3  }
0xc: {  	[smem:$0x3FA9] =	sst s4  }
0xd: {  	[smem:$0x3FAA] =	sst s5  }
0xe: {  	[smem:$0x3FAB] =	sst s6  }
0xf: {  	[smem:$0x3FAC] =	sst s7  }
0x10: {  	[smem:$0x3FAD] =	sst s8  }
0x11: {  	[smem:$0x3FAE] =	sst s9;
	s0 =	simm.s32 @!p0 $0x0  }
0x12: {  	s1 =	sld [smem:$0x3F94];
	s0 =	simm.s32 @p0 $0x1  }
0x13: {  	[smem:$0x3FAF] =	sst s0;
	s0 =	simm.s32 @!p1 $0x0  }
0x14: {  	s2 =	sld [smem:$0x3F93];
	s0 =	simm.s32 @p1 $0x1  }
0x15: {  	[smem:$0x3FB0] =	sst s0;
	s0 =	simm.s32 @!p2 $0x0  }
0x16: {  	s3 =	sld [smem:$0x3FDB];
	s0 =	simm.s32 @p2 $0x1  }
0x17: {  	s4 =	simm.s32 $0x1BF5;
	[smem:$0x3FB2] =	sst s0  }
0x18: {  	s0 =	sld [smem:$0x3F95];
	_ =	swait.ge [sflag:s4], $0x0  }
0x19: {  	s7 =	sld [smem:$0x3F96]  }
0x1a: {  	s8 =	sadd.s32 $0xFFFFE003, lr  }
0x1b: {  	s9 =	sadd.s32 $0xFFFFFEF7, lr;
	s5 =	simm.s32 $0xFFFFFFFF;
	p2 =	slt.u32 s8, $0xFFFFF086  }
0x1c: {  	p1 =	slt.u32 s9, $0xF7A;
	s5 =	simm.s32 @!p2 $0x0  }
0x1d: {  	s5 =	simm.s32 @p1 $0x1;
	p0 =	seq.s32 s7, s2  }
0x1e: {  	s7 =	smul.u32 @!p0 $0xF7A, s2;
	p2 =	seq.s32 @!p0 s5, $0x0  }
0x1f: {  	s9 =	smul.u32 $0xF7A, s1;
	s8 =	simm.s32 @!p0 $0x1BF5;
	p2 =	por !p2, p0  }
0x20: {  	[sflag:s8] =	ssyncset.s32 @!p0 $0xFFFFF086;
	s6 =	sadd.s32 @!p0 s3, s7;
	s7 =	simm.s32 @!p0 $0x108  }
0x21: {  	s3 =	sadd.s32 s3, s9;
	s6 =	sadd.s32 @!p0 $0x88, s6;
	s7 =	simm.s32 @p2 $0x1082  }
0x22: {  	[simem:s7], [sflag:s8] =	dma.local @!p0 [hbm:s6], $0xF7A  }
0x23: {  	s9 =	sor.u32 $0xD0000000, s2;
	s6 =	simm.s32 $0x108;
	_ =	swait.ge @!p0 [sflag:s8], $0x0  }
0x24: {  	s3 =	sadd.s32 $0x88, s3;
	s6 =	simm.s32 @!p1 $0x1082;
	[sflag:s4] =	ssyncset.s32 $0xFFFFF086  }
0x25: {  	[simem:s6], [sflag:s4] =	dma.local [hbm:s3], $0xF7A  }
0x26: {  	[smem:$0x3F96] =	sst s1;
	(tag) =	ssettag s2;
	_ =	strace s9  }
0x27: {  	s1 =	sld [smem:$0x3FA6]  }
0x28: {  	s2 =	sld [smem:$0x3FA7]  }
0x29: {  	s4 =	sld [smem:$0x3FA9]  }
0x2a: {  	p0 =	seq.s32 s5, $0x0;
	s5 =	sld [smem:$0x3FAA]  }
0x2b: {  	s6 =	sld [smem:$0x3FAB]  }
0x2c: {  	s7 =	sld [smem:$0x3FAC]  }
0x2d: {  	s3 =	simm.s32 $0x108;
	s8 =	sld [smem:$0x3FAD]  }
0x2e: {  	s3 =	simm.s32 @!p0 $0x1082;
	s9 =	sld [smem:$0x3FAE]  }
0x2f: {  	lr =	sadd.s32 s0, s3;
	s0 =	sld [smem:$0x3FA5]  }
0x30: {  	s3 =	sld [smem:$0x3FA8]  }
0x31: {  	[smem:$0x3FB1] =	sst s10  }
0x32: {  	s10 =	sld [smem:$0x3FAF];
	_ =	sdelay $0x3  }
0x33: {  	p0 =	seq.s32 s10, $0x1;
	s10 =	sld [smem:$0x3FB1];
	_ =	sdelay $0x3  }
0x34: {  	[smem:$0x3FB1] =	sst s10  }
0x35: {  	s10 =	sld [smem:$0x3FB0];
	_ =	sdelay $0x3  }
0x36: {  	p1 =	seq.s32 s10, $0x1;
	s10 =	sld [smem:$0x3FB1];
	_ =	sdelay $0x3  }
0x37: {  	[smem:$0x3FB1] =	sst s10  }
0x38: {  	s10 =	sld [smem:$0x3FB2]  }
0x39: {  	_ = 	snop;
	(pc) =	sbr.ind lr, $3  }
0x3a: {  	_ = 	snop  }
0x3b: {  	_ = 	snop  }
0x3c: {  	p2 =	seq.s32 s10, $0x1;
	s10 =	sld [smem:$0x3FB1]  }
0x3d: {  	_ =	shalt  }
0x3e: {  	_ =	shalt  }
0x3f: {  	_ =	shalt  }
0x40: {  	_ =	shalt  }
0x41: {  	_ =	shalt  }
0x42: {  	_ =	shalt  }
0x43: {  	_ =	shalt  }
0x44: {  	_ =	shalt  }
0x45: {  	_ =	shalt  }
0x46: {  	_ =	shalt  }
0x47: {  	_ =	shalt  }
0x48: {  	_ =	shalt  }
0x49: {  	_ =	shalt  }
0x4a: {  	_ =	shalt  }
0x4b: {  	_ =	shalt  }
0x4c: {  	_ =	shalt  }
0x4d: {  	_ =	shalt  }
0x4e: {  	_ =	shalt  }
0x4f: {  	_ =	shalt  }
0x50: {  	_ =	shalt  }
0x51: {  	_ =	shalt  }
0x52: {  	_ =	shalt  }
0x53: {  	_ =	shalt  }
0x54: {  	_ =	shalt  }
0x55: {  	_ =	shalt  }
0x56: {  	_ =	shalt  }
0x57: {  	_ =	shalt  }
0x58: {  	_ =	shalt  }
0x59: {  	_ =	shalt  }
0x5a: {  	_ =	shalt  }
0x5b: {  	_ =	shalt  }
0x5c: {  	_ =	shalt  }
0x5d: {  	_ =	shalt  }
0x5e: {  	_ =	shalt  }
0x5f: {  	_ =	shalt  }
0x60: {  	_ =	shalt  }
0x61: {  	_ =	shalt  }
0x62: {  	_ =	shalt  }
0x63: {  	_ =	shalt  }
0x64: {  	_ =	shalt  }
0x65: {  	_ =	shalt  }
0x66: {  	_ =	shalt  }
0x67: {  	_ =	shalt  }
0x68: {  	_ =	shalt  }
0x69: {  	_ =	shalt  }
0x6a: {  	_ =	shalt  }
0x6b: {  	_ =	shalt  }
0x6c: {  	_ =	shalt  }
0x6d: {  	_ =	shalt  }
0x6e: {  	_ =	shalt  }
0x6f: {  	_ =	shalt  }
0x70: {  	_ =	shalt  }
0x71: {  	_ =	shalt  }
0x72: {  	_ =	shalt  }
0x73: {  	_ =	shalt  }
0x74: {  	_ =	shalt  }
0x75: {  	_ =	shalt  }
0x76: {  	_ =	shalt  }
0x77: {  	_ =	shalt  }
0x78: {  	_ =	shalt  }
0x79: {  	_ =	shalt  }
0x7a: {  	_ =	shalt  }
0x7b: {  	_ =	shalt  }
0x7c: {  	_ =	shalt  }
0x7d: {  	_ =	shalt  }
0x7e: {  	_ =	shalt  }
0x7f: {  	_ =	shalt  }
0x80: {  	_ =	shalt  }
0x81: {  	_ =	shalt  }
0x82: {  	_ =	shalt  }
0x83: {  	_ =	shalt  }
0x84: {  	_ =	shalt  }
0x85: {  	_ =	shalt  }
0x86: {  	_ =	shalt  }
0x87: {  	_ =	shalt  }
.Lfunc_end0:
.L_simem_size_0:
called_computation.3_lowered:
.L_overlay_start_0:
0x88: {  	s2 =	sld [smem:$0x3FD9]  }
0x89: {  	s3 =	sld [smem:$0x3FFE];
	_ =	sdelay $0x1  }
0x8a: {  	s1 =	srdreg.scid  }
0x8b: {  	s0 =	sand.u32 $0x1, s1  }
0x8c: {  	s16 =	sshll.u32 s0, $0xA;
	s2 =	sadd.s32 s3, s2  }
0x8d: {  	s2 =	sadd.s32 s2, s16  }
0x8e: {  	[smem:$0x3FBD] =	sst s2  }
0x8f: {  	_ = 	snop  }
0x90: {  	(tm) =	ssettm $0x1  }
0x91: {  	s17 =	sld [smem:$0x3FFB];
	_ =	sdelay $0x3  }
0x92: {  	_ =	strace s17  }
0x93: {  	s2 =	sld [smem:$0x3FFC];
	_ =	sdelay $0x3  }
0x94: {  	_ =	strace s2  }
0x95: {  	s2 =	sld [smem:$0x3FFD];
	_ =	sdelay $0x3  }
0x96: {  	_ =	strace s2  }
0x97: {  	_ =	strace $0x8FFFFFFF  }
0x98: {  	s18 =	sld [smem:$0x3FDB];
	_ =	sdelay $0x1  }
0x99: {  	s19 =	simm.s32 $_scs_section_size  }
0x9a: {  	s4 =	simm.s32 $_size__tile_overlayer_lowered;
	s5 =	simm.s32 $_tile_overlayer_lowered  }
0x9b: {  	s22 =	simm.s32 $0x1BFF;
	s21 =	sshll.u32 s5, $0x1;
	s2 =	sadd.s32 s19, s18  }
0x9c: {  	s6 =	simm.s32 $0x0;
	s20 =	sshll.u32 s4, $0x1;
	s4 =	sadd.s32 s21, s2  }
0x9d: {  	[timem:s6], [sflag:s22] =	dma.local [hbm:s4], s20  }
0x9e: {  	_ =	swait.ge [sflag:s22], s20  }
0x9f: {  	s3 =	ssub.s32 $0x0, s20;
	[sflag:s22] =	ssyncset.done $0x0  }
0xa0: {  	[sflag:s22] =	ssyncadd.s32 s3;
	_ =	sdelay $0x1  }
0xa1: {  	s23 =	simm.s32 $0x1B8B  }
0xa2: {  	_ =	swait.ge [sflag:s23], $0x1  }
0xa3: {  	[sflag:s23] =	ssyncset.done $0x0  }
0xa4: {  	s25 =	simm.s32 $0x1B8E;
	s24 =	sld [smem:$0x3FFE];
	[sflag:s23] =	ssyncadd.s32 $0xFFFFFFFF  }
0xa5: {  	s26 =	simm.s32 $execute0_lowered;
	[smem:$0x3FD2] =	sst s25  }
0xa6: {  	s4 =	sshll.u32 s26, $0x1;
	_ =	strace $0x8000004F;
	[dreg:$0x1] =	wrdreg $0xFFFFFFFF  }
0xa7: {  	s28 =	simm.s32 $_size_execute0_lowered;
	s2 =	sadd.s32 s2, s4;
	[dreg:$0x0] =	wrdreg $0x0  }
0xa8: {  	s4 =	sshll.u32 s28, $0x1;
	[dreg:$0x2] =	wrdreg s2  }
0xa9: {  	[dreg:$0x3] =	wrdreg s4  }
0xaa: {  	[dreg:$0x4] =	wrdreg $0xC0  }
0xab: {  	_ =	task [dreg:s6], $0x5FFFF  }
0xac: {  	[dreg:$0x1] =	wrdreg $0xFFFFFFFF  }
0xad: {  	[dreg:$0x0] =	wrdreg $0x60  }
0xae: {  	[dreg:$0x2] =	wrdreg s24  }
0xaf: {  	[dreg:$0x3] =	wrdreg $0x68000  }
0xb0: {  	[dreg:$0x4] =	wrdreg $0x9  }
0xb1: {  	_ =	task.clear_ibuf [dreg:s6], $0x5FFFF;
	_ =	strace $0x9000004F  }
0xb2: {  	s29 =	simm.s32 $0x9;
	_ =	strace $0x80000051  }
0xb3: {  	_ =	swait.ge [sflag:s29], $0x1  }
0xb4: {  	[sflag:s29] =	ssyncadd.s32 $0xFFFFFFFF  }
0xb5: {  	_ =	strace $0x90000051  }
0xb6: {  	_ =	sfence  }
0xb7: {  	s30 =	sld [smem:$0x0];
	_ =	sdelay $0x2  }
0xb8: {  	s31 =	sshll.u32 s1, $0xD;
	s1 =	sshrl.u32 s1, $0x2  }
0xb9: {  	s3 =	sand.u32 $0x4000, s31;
	s1 =	sadd.s32 s1, s30  }
0xba: {  	s0 =	sor.u32 s3, s0;
	s1 =	sshll.u32 s1, $0x11  }
0xbb: {  	s0 =	sor.u32 s1, s0  }
0xbc: {  	s0 =	sadd.s32 $0x8F2B, s0  }
0xbd: {  	[sflag:s0] =	ssyncadd.remote.s32 $0x1  }
0xbe: {  	_ =	sfence.sel $0xFFFF  }
0xbf: {  	[dreg:$0x0] =	wrdreg $0xFFFFFFFF;
	(pc) =	sbr.abs _section_cstart, $3  }
0xc0: {  	[dreg:$0x1] =	wrdreg $0xFFFFFFFF  }
0xc1: {  	_ =	task.clear_ibuf [dreg:s6], $0x2FFFF;
	_ =	strace $0x9FFFFFFF  }
0xc2: {  	(tm) =	ssettm $0x7FFFFFFF  }
0xc3: {  	_ =	shalt  }
tec
execute0_lowered:
.L_overlay_start_1:
0x0: {  	(tag) =	ssettag $0x1  }
0x1: {  	s5 =	rddreg [dreg:$0x0]  }
0x2: {  	s2 =	rddreg [dreg:$0x1]  }
0x3: {  	s0 =	rddreg [dreg:$0x2];
	s3 =	simm.s32 $0x0  }
0x4: {  	s1 =	stileid.u32;
	s4 =	srdreg.scid;
	s16 =	simm.s32 $0x80  }
0x5: {  	s17 =	simm.s32 $0x2800;
	s18 =	simm.s32 $0x1;
	s19 =	simm.s32 $0x0  }
0x6: {  	[smem:$0x7FF] =	sst s3;
	s6 =	smul.u32 $0x13C00, s1;
	s7 =	sand.u32 $0x1, s4  }
0x7: {  	s4 =	sadd.s32 $0x4000, s5;
	s10 =	sadd.s32 $0xAEE00, s5;
	s11 =	sadd.s32 $0x2C600, s5  }
0x8: {  	s29 =	smul.u32 $0x4F000, s1;
	s30 =	sshll.u32 s1, $0x6;
	_ =	strace $0x80000050  }
0x9: {  	s9 =	smul.u32 $0x13C000, s7;
	s12 =	sshll.u32 s7, $0x4;
	s7 =	ssub.s32 $0x2, s7  }
0xa: {  	s8 =	sshrl.u32 s6, $0x3;
	s12 =	sor.u32 s1, s12;
	s13 =	sshrl.u32 s7, $0x1  }
0xb: {  	s8 =	sadd.s32 s8, s5;
	s6 =	sadd.s32 s6, s9;
	s12 =	smul.u32 $0x2800, s12  }
0xc: {  	s9 =	sshrl.u32 s29, $0x2;
	s13 =	ssub.s32 s7, s13;
	s6 =	sshrl.u32 s6, $0x3  }
0xd: {  	s15 =	sadd.s32 s9, s2;
	s14 =	sadd.s32 s6, s5;
	s31 =	sshrl.u32 s12, $0x3  }
0xe: {  	s5 =	sadd.s32 $0x36E00, s8;
	s6 =	sor.u32 $0x1C02, s30;
	s12 =	sadd.s32 $0x280, s31  }
0xf: {  	s7 =	sadd.s32 s10, s31;
	s8 =	sadd.s32 s11, s31;
	s9 =	sadd.s32 s10, s12  }
0x10: {  	s10 =	sadd.s32 s11, s12;
	s11 =	sadd.s32 $0xB8E00, s14;
	s12 =	smax.u32 s13, $0x1  }
0x11: {  	s13 =	sshrl.u32 s15, $0x3;
	s14 =	simm.s32 $0x2;
	s15 =	simm.s32 $0x1400  }
.LBB2_1:
0x12: {  	[spmem:s13], [sflag:s6] =	dma.local [hbm:s5], $0x2780  }
0x13: {  	_ =	swait.ge [sflag:s14], $0x2780  }
0x14: {  	[sflag:s14] =	ssyncset.done $0x0  }
0x15: {  	[sflag:s14] =	ssyncadd.s32 $0xFFFFD880  }
0x16: {  	[bflag:$0x0] =	sbarrier.arrive $0xFFFF  }
0x17: {  	[tilespmem:s3], [sflag:$0x2] =	stream.linear.gather [hbm4b:s7+s3], $0x1400, $0x38;
	[tilespmem:$0x1A400] =	vst v63  }
0x18: {  	_ =	swait.ge [sflag:s14], $0x1400  }
0x19: {  	[sflag:s14] =	ssyncset.done $0x0  }
0x1a: {  	[sflag:s14] =	ssyncadd.s32 $0xFFFFEC00  }
0x1b: {  	[tilespmem:s15], [sflag:$0x2] =	stream.linear.gather [hbm4b:s8+s3], $0x1400, $0x38;
	[tilespmem:$0x1A400] =	vst v63  }
0x1c: {  	_ =	swait.ge [sflag:s14], $0x1400  }
0x1d: {  	[sflag:s14] =	ssyncset.done $0x0  }
0x1e: {  	s20 =	simm.s32 $0x0;
	[sflag:s14] =	ssyncadd.s32 $0xFFFFEC00  }
0x1f: {  	[tilespmem:s17], [sflag:$0x1] =	stream.indirect.gather [hbm4b:s4+s16], $0x80, s20, s16, $0xb8;
	[tilespmem:$0x1A400] =	vst v63  }
0x20: {  	_ =	swait.ge [sflag:s18], $0x4000  }
0x21: {  	[sflag:s18] =	ssyncset.done $0x0  }
0x22: {  	s31 =	simm.s32 $0x1400;
	[sflag:s18] =	ssyncadd.s32 $0xFFFFC000  }
0x23: {  	[spmem:s2] =	stream.indirect.scatter.add.f32 [tilespmem:s17], [sflag:$0x2], $0x80, s31, s16, $0xb8;
	[tilespmem:$0x1A400] =	vst v63  }
0x24: {  	_ =	swait.ge [sflag:s14], $0x4000  }
0x25: {  	s21 =	simm.s32 $0x400;
	s20 =	simm.s32 $0x200;
	[sflag:s14] =	ssyncset.done $0x0  }
.LBB2_2:
0x26: {  	s22 =	sshra.s32 s20, $0x2  }
0x27: {  	[sflag:s14] =	ssyncadd.s32 $0xFFFFC000;
	s20 =	smov.u32 s21;
	s23 =	sadd.s32 $0x200, s21  }
0x28: {  	[tilespmem:s17], [sflag:$0x1] =	stream.indirect.gather [hbm4b:s4+s16], $0x80, s22, s16, $0xb8;
	[tilespmem:$0x1A400] =	vst v63  }
0x29: {  	p0 =	sne.s32 s21, $0x4E00;
	_ =	swait.ge [sflag:s18], $0x4000  }
.Ltmp0:
0x2a: {  	[sflag:s18] =	ssyncset.done $0x0;
	(pc) =	sbr.rel @p0 .LBB2_2-.Ltmp0, $4  }
0x2b: {  	s21 =	sadd.s32 $0x1400, s22;
	[sflag:s18] =	ssyncadd.s32 $0xFFFFC000  }
0x2c: {  	[spmem:s2] =	stream.indirect.scatter.add.f32 [tilespmem:s17], [sflag:$0x2], $0x80, s21, s16, $0xb8;
	[tilespmem:$0x1A400] =	vst v63  }
0x2d: {  	_ =	swait.ge [sflag:s14], $0x4000  }
0x2e: {  	s21 =	smov.u32 s23;
	[sflag:s14] =	ssyncset.done $0x0  }
0x2f: {  	s20 =	sshra.s32 s20, $0x2;
	[sflag:s14] =	ssyncadd.s32 $0xFFFFC000  }
0x30: {  	[tilespmem:s17], [sflag:$0x1] =	stream.indirect.gather [hbm4b:s4+s16], $0x80, s20, s16, $0xb8;
	[tilespmem:$0x1A400] =	vst v63  }
0x31: {  	_ =	swait.ge [sflag:s18], $0x4000  }
0x32: {  	[sflag:s18] =	ssyncset.done $0x0  }
0x33: {  	s20 =	sadd.s32 $0x1400, s20;
	[sflag:s18] =	ssyncadd.s32 $0xFFFFC000  }
0x34: {  	[spmem:s2] =	stream.indirect.scatter.add.f32 [tilespmem:s17], [sflag:$0x2], $0x80, s20, s16, $0xb8;
	[tilespmem:$0x1A400] =	vst v63  }
0x35: {  	_ =	swait.ge [sflag:s14], $0x4000  }
0x36: {  	[sflag:s14] =	ssyncset.done $0x0  }
0x37: {  	s29 =	simm.s32 $0x0;
	[sflag:s14] =	ssyncadd.s32 $0xFFFFC000  }
0x38: {  	[tilespmem:s29], [sflag:$0x2] =	stream.linear.gather [hbm4b:s9+s29], $0x1380, $0x38;
	[tilespmem:$0x1A400] =	vst v63  }
0x39: {  	_ =	swait.ge [sflag:s14], $0x1380  }
0x3a: {  	[sflag:s14] =	ssyncset.done $0x0  }
0x3b: {  	[sflag:s14] =	ssyncadd.s32 $0xFFFFEC80  }
0x3c: {  	[tilespmem:s15], [sflag:$0x2] =	stream.linear.gather [hbm4b:s10+s29], $0x1380, $0x38;
	[tilespmem:$0x1A400] =	vst v63  }
0x3d: {  	_ =	swait.ge [sflag:s14], $0x1380  }
0x3e: {  	[sflag:s14] =	ssyncset.done $0x0  }
0x3f: {  	s30 =	simm.s32 $0x0;
	[sflag:s14] =	ssyncadd.s32 $0xFFFFEC80  }
0x40: {  	[tilespmem:s17], [sflag:$0x1] =	stream.indirect.gather [hbm4b:s4+s16], $0x80, s30, s16, $0xb8;
	[tilespmem:$0x1A400] =	vst v63  }
0x41: {  	_ =	swait.ge [sflag:s18], $0x4000  }
0x42: {  	[sflag:s18] =	ssyncset.done $0x0  }
0x43: {  	s31 =	simm.s32 $0x1400;
	[sflag:s18] =	ssyncadd.s32 $0xFFFFC000  }
0x44: {  	[spmem:s2] =	stream.indirect.scatter.add.f32 [tilespmem:s17], [sflag:$0x2], $0x80, s31, s16, $0xb8;
	[tilespmem:$0x1A400] =	vst v63  }
0x45: {  	_ =	swait.ge [sflag:s14], $0x4000  }
0x46: {  	s21 =	simm.s32 $0x400;
	s20 =	simm.s32 $0x200;
	[sflag:s14] =	ssyncset.done $0x0  }
.LBB2_4:
0x47: {  	s22 =	sshra.s32 s20, $0x2  }
0x48: {  	[sflag:s14] =	ssyncadd.s32 $0xFFFFC000;
	s20 =	smov.u32 s21;
	s23 =	sadd.s32 $0x200, s21  }
0x49: {  	[tilespmem:s17], [sflag:$0x1] =	stream.indirect.gather [hbm4b:s4+s16], $0x80, s22, s16, $0xb8;
	[tilespmem:$0x1A400] =	vst v63  }
0x4a: {  	p0 =	sne.s32 s21, $0x4C00;
	_ =	swait.ge [sflag:s18], $0x4000  }
.Ltmp1:
0x4b: {  	[sflag:s18] =	ssyncset.done $0x0;
	(pc) =	sbr.rel @p0 .LBB2_4-.Ltmp1, $4  }
0x4c: {  	s21 =	sadd.s32 $0x1400, s22;
	[sflag:s18] =	ssyncadd.s32 $0xFFFFC000  }
0x4d: {  	[spmem:s2] =	stream.indirect.scatter.add.f32 [tilespmem:s17], [sflag:$0x2], $0x80, s21, s16, $0xb8;
	[tilespmem:$0x1A400] =	vst v63  }
0x4e: {  	_ =	swait.ge [sflag:s14], $0x4000  }
0x4f: {  	s21 =	smov.u32 s23;
	[sflag:s14] =	ssyncset.done $0x0  }
0x50: {  	s20 =	sshra.s32 s20, $0x2;
	[sflag:s14] =	ssyncadd.s32 $0xFFFFC000  }
0x51: {  	[tilespmem:s17], [sflag:$0x1] =	stream.indirect.gather [hbm4b:s4+s16], $0x80, s20, s16, $0xb8;
	[tilespmem:$0x1A400] =	vst v63  }
0x52: {  	_ =	swait.ge [sflag:s18], $0x4000  }
0x53: {  	[sflag:s18] =	ssyncset.done $0x0  }
0x54: {  	s20 =	sadd.s32 $0x1400, s20;
	[sflag:s18] =	ssyncadd.s32 $0xFFFFC000  }
0x55: {  	[spmem:s2] =	stream.indirect.scatter.add.f32 [tilespmem:s17], [sflag:$0x2], $0x80, s20, s16, $0xb8;
	[tilespmem:$0x1A400] =	vst v63  }
0x56: {  	_ =	swait.ge [sflag:s14], $0x4000  }
0x57: {  	s19 =	sadd.s32 $0x1, s19;
	[sflag:s14] =	ssyncset.done $0x0  }
0x58: {  	p0 =	sne.s32 s19, s12;
	[sflag:s14] =	ssyncadd.s32 $0xFFFFC000  }
.Ltmp2:
0x59: {  	[bflag:$0x0] =	sbarrier.arrive $0xFFFF;
	(pc) =	sbr.rel @p0 .LBB2_1-.Ltmp2, $4  }
0x5a: {  	[hbm:s11], [sflag:s6] =	dma.local [spmem:s13], $0x2780  }
0x5b: {  	_ =	swait.ge [sflag:s14], $0x2780  }
0x5c: {  	[sflag:s14] =	ssyncset.done $0x0  }
0x5d: {  	[sflag:s14] =	ssyncadd.s32 $0xFFFFD880  }
0x5e: {  	_ =	sfence.sel $0x180000  }
0x5f: {  	[bflag:$0x0] =	sbarrier.arrive $0xFFFF  }
0x60: {  	p0 =	sne.s32 s1, $0x0;
	_ =	strace $0x90000050  }
0x61: {  	s0 =	sadd.s32 @!p0 $0x100000, s0;
	[bflag:$0x2] =	sbarrier.arrive $0xFFFF  }
0x62: {  	[sflag:s0] =	ssyncadd.tile.s32 @!p0 $0x1;
	_ =	shalt  }
.Lfunc_end2:
_tile_overlayer_lowered:
.L_overlay_start_2:
0x63: {  	(tag) =	ssettag $0x2  }
0x64: {  	s0 =	rddreg [dreg:$0x0];
	s2 =	stileid.u32  }
0x65: {  	s1 =	rddreg [dreg:$0x1];
	p0 =	sne.s32 s2, $0x0  }
0x66: {  	s3 =	rddreg [dreg:$0x2];
	[bflag:$0x3] =	sbarrier.arrive $0xFFFF;
	s2 =	simm.s32 @!p0 $0x1C02  }
0x67: {  	[timem:s3], [sflag:s2] =	dma.local @!p0 [hbm:s0], s1  }
0x68: {  	s0 =	simm.s32 @!p0 $0x2  }
0x69: {  	_ =	swait.ge @!p0 [sflag:s0], s1  }
0x6a: {  	s1 =	ssub.s32 @!p0 $0x0, s1;
	[sflag:s0] =	ssyncset.done @!p0 $0x0  }
0x6b: {  	[sflag:s0] =	ssyncadd.s32 @!p0 s1  }
0x6c: {  	[bflag:$0x3] =	sbarrier.arrive $0xFFFF  }
0x6d: {  	_ =	shalt  }

// kernel: kernel.26.cloned.1.call-start
scs
__scs_entry_jumppad:
0x0: {  	(pc) =	sbr.rel $0x88, $3  }
0x1: {  	(tag) =	ssettag $0x0;
	lr =	simm.s32 $0x1  }
0x2: {  	[smem:$0x3F96] =	sst lr;
	_ =	strace $0xD0000000  }
0x3: {  	_ = 	snop  }
0x4: {  	_ = 	snop  }
0x5: {  	_ = 	snop  }
0x6: {  	_ = 	snop  }
0x7: {  	_ = 	snop  }
__scs_overlays_trampoline_lowered:
0x8: {  	[smem:$0x3FA5] =	sst s0  }
0x9: {  	[smem:$0x3FA6] =	sst s1  }
0xa: {  	[smem:$0x3FA7] =	sst s2  }
0xb: {  	[smem:$0x3FA8] =	sst s3  }
0xc: {  	[smem:$0x3FA9] =	sst s4  }
0xd: {  	[smem:$0x3FAA] =	sst s5  }
0xe: {  	[smem:$0x3FAB] =	sst s6  }
0xf: {  	[smem:$0x3FAC] =	sst s7  }
0x10: {  	[smem:$0x3FAD] =	sst s8  }
0x11: {  	[smem:$0x3FAE] =	sst s9;
	s0 =	simm.s32 @!p0 $0x0  }
0x12: {  	s1 =	sld [smem:$0x3F94];
	s0 =	simm.s32 @p0 $0x1  }
0x13: {  	[smem:$0x3FAF] =	sst s0;
	s0 =	simm.s32 @!p1 $0x0  }
0x14: {  	s2 =	sld [smem:$0x3F93];
	s0 =	simm.s32 @p1 $0x1  }
0x15: {  	[smem:$0x3FB0] =	sst s0;
	s0 =	simm.s32 @!p2 $0x0  }
0x16: {  	s3 =	sld [smem:$0x3FDB];
	s0 =	simm.s32 @p2 $0x1  }
0x17: {  	s4 =	simm.s32 $0x1BF5;
	[smem:$0x3FB2] =	sst s0  }
0x18: {  	s0 =	sld [smem:$0x3F95];
	_ =	swait.ge [sflag:s4], $0x0  }
0x19: {  	s7 =	sld [smem:$0x3F96]  }
0x1a: {  	s8 =	sadd.s32 $0xFFFFE003, lr  }
0x1b: {  	s9 =	sadd.s32 $0xFFFFFEF7, lr;
	s5 =	simm.s32 $0xFFFFFFFF;
	p2 =	slt.u32 s8, $0xFFFFF086  }
0x1c: {  	p1 =	slt.u32 s9, $0xF7A;
	s5 =	simm.s32 @!p2 $0x0  }
0x1d: {  	s5 =	simm.s32 @p1 $0x1;
	p0 =	seq.s32 s7, s2  }
0x1e: {  	s7 =	smul.u32 @!p0 $0xF7A, s2;
	p2 =	seq.s32 @!p0 s5, $0x0  }
0x1f: {  	s9 =	smul.u32 $0xF7A, s1;
	s8 =	simm.s32 @!p0 $0x1BF5;
	p2 =	por !p2, p0  }
0x20: {  	[sflag:s8] =	ssyncset.s32 @!p0 $0xFFFFF086;
	s6 =	sadd.s32 @!p0 s3, s7;
	s7 =	simm.s32 @!p0 $0x108  }
0x21: {  	s3 =	sadd.s32 s3, s9;
	s6 =	sadd.s32 @!p0 $0x88, s6;
	s7 =	simm.s32 @p2 $0x1082  }
0x22: {  	[simem:s7], [sflag:s8] =	dma.local @!p0 [hbm:s6], $0xF7A  }
0x23: {  	s9 =	sor.u32 $0xD0000000, s2;
	s6 =	simm.s32 $0x108;
	_ =	swait.ge @!p0 [sflag:s8], $0x0  }
0x24: {  	s3 =	sadd.s32 $0x88, s3;
	s6 =	simm.s32 @!p1 $0x1082;
	[sflag:s4] =	ssyncset.s32 $0xFFFFF086  }
0x25: {  	[simem:s6], [sflag:s4] =	dma.local [hbm:s3], $0xF7A  }
0x26: {  	[smem:$0x3F96] =	sst s1;
	(tag) =	ssettag s2;
	_ =	strace s9  }
0x27: {  	s1 =	sld [smem:$0x3FA6]  }
0x28: {  	s2 =	sld [smem:$0x3FA7]  }
0x29: {  	s4 =	sld [smem:$0x3FA9]  }
0x2a: {  	p0 =	seq.s32 s5, $0x0;
	s5 =	sld [smem:$0x3FAA]  }
0x2b: {  	s6 =	sld [smem:$0x3FAB]  }
0x2c: {  	s7 =	sld [smem:$0x3FAC]  }
0x2d: {  	s3 =	simm.s32 $0x108;
	s8 =	sld [smem:$0x3FAD]  }
0x2e: {  	s3 =	simm.s32 @!p0 $0x1082;
	s9 =	sld [smem:$0x3FAE]  }
0x2f: {  	lr =	sadd.s32 s0, s3;
	s0 =	sld [smem:$0x3FA5]  }
0x30: {  	s3 =	sld [smem:$0x3FA8]  }
0x31: {  	[smem:$0x3FB1] =	sst s10  }
0x32: {  	s10 =	sld [smem:$0x3FAF];
	_ =	sdelay $0x3  }
0x33: {  	p0 =	seq.s32 s10, $0x1;
	s10 =	sld [smem:$0x3FB1];
	_ =	sdelay $0x3  }
0x34: {  	[smem:$0x3FB1] =	sst s10  }
0x35: {  	s10 =	sld [smem:$0x3FB0];
	_ =	sdelay $0x3  }
0x36: {  	p1 =	seq.s32 s10, $0x1;
	s10 =	sld [smem:$0x3FB1];
	_ =	sdelay $0x3  }
0x37: {  	[smem:$0x3FB1] =	sst s10  }
0x38: {  	s10 =	sld [smem:$0x3FB2]  }
0x39: {  	_ = 	snop;
	(pc) =	sbr.ind lr, $3  }
0x3a: {  	_ = 	snop  }
0x3b: {  	_ = 	snop  }
0x3c: {  	p2 =	seq.s32 s10, $0x1;
	s10 =	sld [smem:$0x3FB1]  }
0x3d: {  	_ =	shalt  }
0x3e: {  	_ =	shalt  }
0x3f: {  	_ =	shalt  }
0x40: {  	_ =	shalt  }
0x41: {  	_ =	shalt  }
0x42: {  	_ =	shalt  }
0x43: {  	_ =	shalt  }
0x44: {  	_ =	shalt  }
0x45: {  	_ =	shalt  }
0x46: {  	_ =	shalt  }
0x47: {  	_ =	shalt  }
0x48: {  	_ =	shalt  }
0x49: {  	_ =	shalt  }
0x4a: {  	_ =	shalt  }
0x4b: {  	_ =	shalt  }
0x4c: {  	_ =	shalt  }
0x4d: {  	_ =	shalt  }
0x4e: {  	_ =	shalt  }
0x4f: {  	_ =	shalt  }
0x50: {  	_ =	shalt  }
0x51: {  	_ =	shalt  }
0x52: {  	_ =	shalt  }
0x53: {  	_ =	shalt  }
0x54: {  	_ =	shalt  }
0x55: {  	_ =	shalt  }
0x56: {  	_ =	shalt  }
0x57: {  	_ =	shalt  }
0x58: {  	_ =	shalt  }
0x59: {  	_ =	shalt  }
0x5a: {  	_ =	shalt  }
0x5b: {  	_ =	shalt  }
0x5c: {  	_ =	shalt  }
0x5d: {  	_ =	shalt  }
0x5e: {  	_ =	shalt  }
0x5f: {  	_ =	shalt  }
0x60: {  	_ =	shalt  }
0x61: {  	_ =	shalt  }
0x62: {  	_ =	shalt  }
0x63: {  	_ =	shalt  }
0x64: {  	_ =	shalt  }
0x65: {  	_ =	shalt  }
0x66: {  	_ =	shalt  }
0x67: {  	_ =	shalt  }
0x68: {  	_ =	shalt  }
0x69: {  	_ =	shalt  }
0x6a: {  	_ =	shalt  }
0x6b: {  	_ =	shalt  }
0x6c: {  	_ =	shalt  }
0x6d: {  	_ =	shalt  }
0x6e: {  	_ =	shalt  }
0x6f: {  	_ =	shalt  }
0x70: {  	_ =	shalt  }
0x71: {  	_ =	shalt  }
0x72: {  	_ =	shalt  }
0x73: {  	_ =	shalt  }
0x74: {  	_ =	shalt  }
0x75: {  	_ =	shalt  }
0x76: {  	_ =	shalt  }
0x77: {  	_ =	shalt  }
0x78: {  	_ =	shalt  }
0x79: {  	_ =	shalt  }
0x7a: {  	_ =	shalt  }
0x7b: {  	_ =	shalt  }
0x7c: {  	_ =	shalt  }
0x7d: {  	_ =	shalt  }
0x7e: {  	_ =	shalt  }
0x7f: {  	_ =	shalt  }
0x80: {  	_ =	shalt  }
0x81: {  	_ =	shalt  }
0x82: {  	_ =	shalt  }
0x83: {  	_ =	shalt  }
0x84: {  	_ =	shalt  }
0x85: {  	_ =	shalt  }
0x86: {  	_ =	shalt  }
0x87: {  	_ =	shalt  }
.Lfunc_end0:
.L_simem_size_0:
called_computation.4_lowered:
.L_overlay_start_0:
0x88: {  	s2 =	sld [smem:$0x3FD9]  }
0x89: {  	s3 =	sld [smem:$0x3FFE];
	_ =	sdelay $0x1  }
0x8a: {  	s1 =	srdreg.scid  }
0x8b: {  	s0 =	sand.u32 $0x1, s1  }
0x8c: {  	s16 =	sshll.u32 s0, $0xA;
	s2 =	sadd.s32 s3, s2  }
0x8d: {  	s2 =	sadd.s32 s2, s16  }
0x8e: {  	[smem:$0x3FBD] =	sst s2  }
0x8f: {  	_ = 	snop  }
0x90: {  	(tm) =	ssettm $0x1  }
0x91: {  	s17 =	sld [smem:$0x3FFB];
	_ =	sdelay $0x3  }
0x92: {  	_ =	strace s17  }
0x93: {  	s2 =	sld [smem:$0x3FFC];
	_ =	sdelay $0x3  }
0x94: {  	_ =	strace s2  }
0x95: {  	s2 =	sld [smem:$0x3FFD];
	_ =	sdelay $0x3  }
0x96: {  	_ =	strace s2  }
0x97: {  	_ =	strace $0x8FFFFFFF  }
0x98: {  	s18 =	sld [smem:$0x3FDB];
	_ =	sdelay $0x1  }
0x99: {  	s19 =	simm.s32 $_scs_section_size  }
0x9a: {  	s4 =	simm.s32 $_size__tile_overlayer_lowered;
	s5 =	simm.s32 $_tile_overlayer_lowered  }
0x9b: {  	s22 =	simm.s32 $0x1BFF;
	s21 =	sshll.u32 s5, $0x1;
	s2 =	sadd.s32 s19, s18  }
0x9c: {  	s6 =	simm.s32 $0x0;
	s20 =	sshll.u32 s4, $0x1;
	s4 =	sadd.s32 s21, s2  }
0x9d: {  	[timem:s6], [sflag:s22] =	dma.local [hbm:s4], s20  }
0x9e: {  	_ =	swait.ge [sflag:s22], s20  }
0x9f: {  	s3 =	ssub.s32 $0x0, s20;
	[sflag:s22] =	ssyncset.done $0x0  }
0xa0: {  	[sflag:s22] =	ssyncadd.s32 s3;
	_ =	sdelay $0x1  }
0xa1: {  	s23 =	simm.s32 $0x1B8B  }
0xa2: {  	_ =	swait.ge [sflag:s23], $0x1  }
0xa3: {  	[sflag:s23] =	ssyncset.done $0x0  }
0xa4: {  	s25 =	simm.s32 $0x1B8E;
	s24 =	sld [smem:$0x3FFE];
	[sflag:s23] =	ssyncadd.s32 $0xFFFFFFFF  }
0xa5: {  	s26 =	simm.s32 $execute0_lowered;
	[smem:$0x3FD2] =	sst s25  }
0xa6: {  	s4 =	sshll.u32 s26, $0x1;
	_ =	strace $0x80000052;
	[dreg:$0x1] =	wrdreg $0xFFFFFFFF  }
0xa7: {  	s28 =	simm.s32 $_size_execute0_lowered;
	s2 =	sadd.s32 s2, s4;
	[dreg:$0x0] =	wrdreg $0x0  }
0xa8: {  	s4 =	sshll.u32 s28, $0x1;
	[dreg:$0x2] =	wrdreg s2  }
0xa9: {  	[dreg:$0x3] =	wrdreg s4  }
0xaa: {  	[dreg:$0x4] =	wrdreg $0xC0  }
0xab: {  	_ =	task [dreg:s6], $0x5FFFF  }
0xac: {  	[dreg:$0x1] =	wrdreg $0xFFFFFFFF  }
0xad: {  	[dreg:$0x0] =	wrdreg $0x60  }
0xae: {  	[dreg:$0x2] =	wrdreg s24  }
0xaf: {  	[dreg:$0x3] =	wrdreg $0x68000  }
0xb0: {  	[dreg:$0x4] =	wrdreg $0x9  }
0xb1: {  	_ =	task.clear_ibuf [dreg:s6], $0x5FFFF;
	_ =	strace $0x90000052  }
0xb2: {  	s29 =	simm.s32 $0x9;
	_ =	strace $0x80000054  }
0xb3: {  	_ =	swait.ge [sflag:s29], $0x1  }
0xb4: {  	[sflag:s29] =	ssyncadd.s32 $0xFFFFFFFF  }
0xb5: {  	_ =	strace $0x90000054  }
0xb6: {  	_ =	sfence  }
0xb7: {  	s30 =	sld [smem:$0x0];
	_ =	sdelay $0x2  }
0xb8: {  	s31 =	sshll.u32 s1, $0xD;
	s1 =	sshrl.u32 s1, $0x2  }
0xb9: {  	s3 =	sand.u32 $0x4000, s31;
	s1 =	sadd.s32 s1, s30  }
0xba: {  	s0 =	sor.u32 s3, s0;
	s1 =	sshll.u32 s1, $0x11  }
0xbb: {  	s0 =	sor.u32 s1, s0  }
0xbc: {  	s0 =	sadd.s32 $0x8F2B, s0  }
0xbd: {  	[sflag:s0] =	ssyncadd.remote.s32 $0x1  }
0xbe: {  	_ =	sfence.sel $0xFFFF  }
0xbf: {  	[dreg:$0x0] =	wrdreg $0xFFFFFFFF;
	(pc) =	sbr.abs _section_cstart, $3  }
0xc0: {  	[dreg:$0x1] =	wrdreg $0xFFFFFFFF  }
0xc1: {  	_ =	task.clear_ibuf [dreg:s6], $0x2FFFF;
	_ =	strace $0x9FFFFFFF  }
0xc2: {  	(tm) =	ssettm $0x7FFFFFFF  }
0xc3: {  	_ =	shalt  }
tec
execute0_lowered:
.L_overlay_start_1:
0x0: {  	(tag) =	ssettag $0x1  }
0x1: {  	s5 =	rddreg [dreg:$0x0]  }
0x2: {  	s2 =	rddreg [dreg:$0x1]  }
0x3: {  	s0 =	rddreg [dreg:$0x2];
	s3 =	simm.s32 $0x0  }
0x4: {  	s1 =	stileid.u32;
	s4 =	srdreg.scid;
	s16 =	simm.s32 $0x80  }
0x5: {  	s17 =	simm.s32 $0x2800;
	s18 =	simm.s32 $0x1;
	s19 =	simm.s32 $0x0  }
0x6: {  	[smem:$0x7FF] =	sst s3;
	s6 =	smul.u32 $0x13C00, s1;
	s7 =	sand.u32 $0x1, s4  }
0x7: {  	s4 =	sadd.s32 $0x4000, s5;
	s10 =	sadd.s32 $0xAEE00, s5;
	s11 =	sadd.s32 $0x2C600, s5  }
0x8: {  	s29 =	smul.u32 $0x4F000, s1;
	s30 =	sshll.u32 s1, $0x6;
	_ =	strace $0x80000053  }
0x9: {  	s9 =	smul.u32 $0x13C000, s7;
	s12 =	sshll.u32 s7, $0x4;
	s7 =	ssub.s32 $0x2, s7  }
0xa: {  	s8 =	sshrl.u32 s6, $0x3;
	s12 =	sor.u32 s1, s12;
	s13 =	sshrl.u32 s7, $0x1  }
0xb: {  	s8 =	sadd.s32 s8, s5;
	s6 =	sadd.s32 s6, s9;
	s12 =	smul.u32 $0x2800, s12  }
0xc: {  	s9 =	sshrl.u32 s29, $0x2;
	s13 =	ssub.s32 s7, s13;
	s6 =	sshrl.u32 s6, $0x3  }
0xd: {  	s15 =	sadd.s32 s9, s2;
	s14 =	sadd.s32 s6, s5;
	s31 =	sshrl.u32 s12, $0x3  }
0xe: {  	s5 =	sadd.s32 $0x36E00, s8;
	s6 =	sor.u32 $0x1C02, s30;
	s12 =	sadd.s32 $0x280, s31  }
0xf: {  	s7 =	sadd.s32 s10, s31;
	s8 =	sadd.s32 s11, s31;
	s9 =	sadd.s32 s10, s12  }
0x10: {  	s10 =	sadd.s32 s11, s12;
	s11 =	sadd.s32 $0xB8E00, s14;
	s12 =	smax.u32 s13, $0x1  }
0x11: {  	s13 =	sshrl.u32 s15, $0x3;
	s14 =	simm.s32 $0x2;
	s15 =	simm.s32 $0x1400  }
.LBB2_1:
0x12: {  	[spmem:s13], [sflag:s6] =	dma.local [hbm:s5], $0x2780  }
0x13: {  	_ =	swait.ge [sflag:s14], $0x2780  }
0x14: {  	[sflag:s14] =	ssyncset.done $0x0  }
0x15: {  	[sflag:s14] =	ssyncadd.s32 $0xFFFFD880  }
0x16: {  	[bflag:$0x0] =	sbarrier.arrive $0xFFFF  }
0x17: {  	[tilespmem:s3], [sflag:$0x2] =	stream.linear.gather [hbm4b:s7+s3], $0x1400, $0x38;
	[tilespmem:$0x1A400] =	vst v63  }
0x18: {  	_ =	swait.ge [sflag:s14], $0x1400  }
0x19: {  	[sflag:s14] =	ssyncset.done $0x0  }
0x1a: {  	[sflag:s14] =	ssyncadd.s32 $0xFFFFEC00  }
0x1b: {  	[tilespmem:s15], [sflag:$0x2] =	stream.linear.gather [hbm4b:s8+s3], $0x1400, $0x38;
	[tilespmem:$0x1A400] =	vst v63  }
0x1c: {  	_ =	swait.ge [sflag:s14], $0x1400  }
0x1d: {  	[sflag:s14] =	ssyncset.done $0x0  }
0x1e: {  	s20 =	simm.s32 $0x0;
	[sflag:s14] =	ssyncadd.s32 $0xFFFFEC00  }
0x1f: {  	[tilespmem:s17], [sflag:$0x1] =	stream.indirect.gather [hbm4b:s4+s16], $0x80, s20, s16, $0xb8;
	[tilespmem:$0x1A400] =	vst v63  }
0x20: {  	_ =	swait.ge [sflag:s18], $0x4000  }
0x21: {  	[sflag:s18] =	ssyncset.done $0x0  }
0x22: {  	s31 =	simm.s32 $0x1400;
	[sflag:s18] =	ssyncadd.s32 $0xFFFFC000  }
0x23: {  	[spmem:s2] =	stream.indirect.scatter.add.f32 [tilespmem:s17], [sflag:$0x2], $0x80, s31, s16, $0xb8;
	[tilespmem:$0x1A400] =	vst v63  }
0x24: {  	_ =	swait.ge [sflag:s14], $0x4000  }
0x25: {  	s21 =	simm.s32 $0x400;
	s20 =	simm.s32 $0x200;
	[sflag:s14] =	ssyncset.done $0x0  }
.LBB2_2:
0x26: {  	s22 =	sshra.s32 s20, $0x2  }
0x27: {  	[sflag:s14] =	ssyncadd.s32 $0xFFFFC000;
	s20 =	smov.u32 s21;
	s23 =	sadd.s32 $0x200, s21  }
0x28: {  	[tilespmem:s17], [sflag:$0x1] =	stream.indirect.gather [hbm4b:s4+s16], $0x80, s22, s16, $0xb8;
	[tilespmem:$0x1A400] =	vst v63  }
0x29: {  	p0 =	sne.s32 s21, $0x4E00;
	_ =	swait.ge [sflag:s18], $0x4000  }
.Ltmp0:
0x2a: {  	[sflag:s18] =	ssyncset.done $0x0;
	(pc) =	sbr.rel @p0 .LBB2_2-.Ltmp0, $4  }
0x2b: {  	s21 =	sadd.s32 $0x1400, s22;
	[sflag:s18] =	ssyncadd.s32 $0xFFFFC000  }
0x2c: {  	[spmem:s2] =	stream.indirect.scatter.add.f32 [tilespmem:s17], [sflag:$0x2], $0x80, s21, s16, $0xb8;
	[tilespmem:$0x1A400] =	vst v63  }
0x2d: {  	_ =	swait.ge [sflag:s14], $0x4000  }
0x2e: {  	s21 =	smov.u32 s23;
	[sflag:s14] =	ssyncset.done $0x0  }
0x2f: {  	s20 =	sshra.s32 s20, $0x2;
	[sflag:s14] =	ssyncadd.s32 $0xFFFFC000  }
0x30: {  	[tilespmem:s17], [sflag:$0x1] =	stream.indirect.gather [hbm4b:s4+s16], $0x80, s20, s16, $0xb8;
	[tilespmem:$0x1A400] =	vst v63  }
0x31: {  	_ =	swait.ge [sflag:s18], $0x4000  }
0x32: {  	[sflag:s18] =	ssyncset.done $0x0  }
0x33: {  	s20 =	sadd.s32 $0x1400, s20;
	[sflag:s18] =	ssyncadd.s32 $0xFFFFC000  }
0x34: {  	[spmem:s2] =	stream.indirect.scatter.add.f32 [tilespmem:s17], [sflag:$0x2], $0x80, s20, s16, $0xb8;
	[tilespmem:$0x1A400] =	vst v63  }
0x35: {  	_ =	swait.ge [sflag:s14], $0x4000  }
0x36: {  	[sflag:s14] =	ssyncset.done $0x0  }
0x37: {  	s29 =	simm.s32 $0x0;
	[sflag:s14] =	ssyncadd.s32 $0xFFFFC000  }
0x38: {  	[tilespmem:s29], [sflag:$0x2] =	stream.linear.gather [hbm4b:s9+s29], $0x1380, $0x38;
	[tilespmem:$0x1A400] =	vst v63  }
0x39: {  	_ =	swait.ge [sflag:s14], $0x1380  }
0x3a: {  	[sflag:s14] =	ssyncset.done $0x0  }
0x3b: {  	[sflag:s14] =	ssyncadd.s32 $0xFFFFEC80  }
0x3c: {  	[tilespmem:s15], [sflag:$0x2] =	stream.linear.gather [hbm4b:s10+s29], $0x1380, $0x38;
	[tilespmem:$0x1A400] =	vst v63  }
0x3d: {  	_ =	swait.ge [sflag:s14], $0x1380  }
0x3e: {  	[sflag:s14] =	ssyncset.done $0x0  }
0x3f: {  	s30 =	simm.s32 $0x0;
	[sflag:s14] =	ssyncadd.s32 $0xFFFFEC80  }
0x40: {  	[tilespmem:s17], [sflag:$0x1] =	stream.indirect.gather [hbm4b:s4+s16], $0x80, s30, s16, $0xb8;
	[tilespmem:$0x1A400] =	vst v63  }
0x41: {  	_ =	swait.ge [sflag:s18], $0x4000  }
0x42: {  	[sflag:s18] =	ssyncset.done $0x0  }
0x43: {  	s31 =	simm.s32 $0x1400;
	[sflag:s18] =	ssyncadd.s32 $0xFFFFC000  }
0x44: {  	[spmem:s2] =	stream.indirect.scatter.add.f32 [tilespmem:s17], [sflag:$0x2], $0x80, s31, s16, $0xb8;
	[tilespmem:$0x1A400] =	vst v63  }
0x45: {  	_ =	swait.ge [sflag:s14], $0x4000  }
0x46: {  	s21 =	simm.s32 $0x400;
	s20 =	simm.s32 $0x200;
	[sflag:s14] =	ssyncset.done $0x0  }
.LBB2_4:
0x47: {  	s22 =	sshra.s32 s20, $0x2  }
0x48: {  	[sflag:s14] =	ssyncadd.s32 $0xFFFFC000;
	s20 =	smov.u32 s21;
	s23 =	sadd.s32 $0x200, s21  }
0x49: {  	[tilespmem:s17], [sflag:$0x1] =	stream.indirect.gather [hbm4b:s4+s16], $0x80, s22, s16, $0xb8;
	[tilespmem:$0x1A400] =	vst v63  }
0x4a: {  	p0 =	sne.s32 s21, $0x4C00;
	_ =	swait.ge [sflag:s18], $0x4000  }
.Ltmp1:
0x4b: {  	[sflag:s18] =	ssyncset.done $0x0;
	(pc) =	sbr.rel @p0 .LBB2_4-.Ltmp1, $4  }
0x4c: {  	s21 =	sadd.s32 $0x1400, s22;
	[sflag:s18] =	ssyncadd.s32 $0xFFFFC000  }
0x4d: {  	[spmem:s2] =	stream.indirect.scatter.add.f32 [tilespmem:s17], [sflag:$0x2], $0x80, s21, s16, $0xb8;
	[tilespmem:$0x1A400] =	vst v63  }
0x4e: {  	_ =	swait.ge [sflag:s14], $0x4000  }
0x4f: {  	s21 =	smov.u32 s23;
	[sflag:s14] =	ssyncset.done $0x0  }
0x50: {  	s20 =	sshra.s32 s20, $0x2;
	[sflag:s14] =	ssyncadd.s32 $0xFFFFC000  }
0x51: {  	[tilespmem:s17], [sflag:$0x1] =	stream.indirect.gather [hbm4b:s4+s16], $0x80, s20, s16, $0xb8;
	[tilespmem:$0x1A400] =	vst v63  }
0x52: {  	_ =	swait.ge [sflag:s18], $0x4000  }
0x53: {  	[sflag:s18] =	ssyncset.done $0x0  }
0x54: {  	s20 =	sadd.s32 $0x1400, s20;
	[sflag:s18] =	ssyncadd.s32 $0xFFFFC000  }
0x55: {  	[spmem:s2] =	stream.indirect.scatter.add.f32 [tilespmem:s17], [sflag:$0x2], $0x80, s20, s16, $0xb8;
	[tilespmem:$0x1A400] =	vst v63  }
0x56: {  	_ =	swait.ge [sflag:s14], $0x4000  }
0x57: {  	s19 =	sadd.s32 $0x1, s19;
	[sflag:s14] =	ssyncset.done $0x0  }
0x58: {  	p0 =	sne.s32 s19, s12;
	[sflag:s14] =	ssyncadd.s32 $0xFFFFC000  }
.Ltmp2:
0x59: {  	[bflag:$0x0] =	sbarrier.arrive $0xFFFF;
	(pc) =	sbr.rel @p0 .LBB2_1-.Ltmp2, $4  }
0x5a: {  	[hbm:s11], [sflag:s6] =	dma.local [spmem:s13], $0x2780  }
0x5b: {  	_ =	swait.ge [sflag:s14], $0x2780  }
0x5c: {  	[sflag:s14] =	ssyncset.done $0x0  }
0x5d: {  	[sflag:s14] =	ssyncadd.s32 $0xFFFFD880  }
0x5e: {  	_ =	sfence.sel $0x180000  }
0x5f: {  	[bflag:$0x0] =	sbarrier.arrive $0xFFFF  }
0x60: {  	p0 =	sne.s32 s1, $0x0;
	_ =	strace $0x90000053  }
0x61: {  	s0 =	sadd.s32 @!p0 $0x100000, s0;
	[bflag:$0x2] =	sbarrier.arrive $0xFFFF  }
0x62: {  	[sflag:s0] =	ssyncadd.tile.s32 @!p0 $0x1;
	_ =	shalt  }
.Lfunc_end2:
_tile_overlayer_lowered:
.L_overlay_start_2:
0x63: {  	(tag) =	ssettag $0x2  }
0x64: {  	s0 =	rddreg [dreg:$0x0];
	s2 =	stileid.u32  }
0x65: {  	s1 =	rddreg [dreg:$0x1];
	p0 =	sne.s32 s2, $0x0  }
0x66: {  	s3 =	rddreg [dreg:$0x2];
	[bflag:$0x3] =	sbarrier.arrive $0xFFFF;
	s2 =	simm.s32 @!p0 $0x1C02  }
0x67: {  	[timem:s3], [sflag:s2] =	dma.local @!p0 [hbm:s0], s1  }
0x68: {  	s0 =	simm.s32 @!p0 $0x2  }
0x69: {  	_ =	swait.ge @!p0 [sflag:s0], s1  }
0x6a: {  	s1 =	ssub.s32 @!p0 $0x0, s1;
	[sflag:s0] =	ssyncset.done @!p0 $0x0  }
0x6b: {  	[sflag:s0] =	ssyncadd.s32 @!p0 s1  }
0x6c: {  	[bflag:$0x3] =	sbarrier.arrive $0xFFFF  }
0x6d: {  	_ =	shalt  }

// kernel: kernel.29.cloned.1.call-start
scs
__scs_entry_jumppad:
0x0: {  	(pc) =	sbr.rel $0x88, $3  }
0x1: {  	(tag) =	ssettag $0x0;
	lr =	simm.s32 $0x1  }
0x2: {  	[smem:$0x3F96] =	sst lr;
	_ =	strace $0xD0000000  }
0x3: {  	_ = 	snop  }
0x4: {  	_ = 	snop  }
0x5: {  	_ = 	snop  }
0x6: {  	_ = 	snop  }
0x7: {  	_ = 	snop  }
__scs_overlays_trampoline_lowered:
0x8: {  	[smem:$0x3FA5] =	sst s0  }
0x9: {  	[smem:$0x3FA6] =	sst s1  }
0xa: {  	[smem:$0x3FA7] =	sst s2  }
0xb: {  	[smem:$0x3FA8] =	sst s3  }
0xc: {  	[smem:$0x3FA9] =	sst s4  }
0xd: {  	[smem:$0x3FAA] =	sst s5  }
0xe: {  	[smem:$0x3FAB] =	sst s6  }
0xf: {  	[smem:$0x3FAC] =	sst s7  }
0x10: {  	[smem:$0x3FAD] =	sst s8  }
0x11: {  	[smem:$0x3FAE] =	sst s9;
	s0 =	simm.s32 @!p0 $0x0  }
0x12: {  	s1 =	sld [smem:$0x3F94];
	s0 =	simm.s32 @p0 $0x1  }
0x13: {  	[smem:$0x3FAF] =	sst s0;
	s0 =	simm.s32 @!p1 $0x0  }
0x14: {  	s2 =	sld [smem:$0x3F93];
	s0 =	simm.s32 @p1 $0x1  }
0x15: {  	[smem:$0x3FB0] =	sst s0;
	s0 =	simm.s32 @!p2 $0x0  }
0x16: {  	s3 =	sld [smem:$0x3FDB];
	s0 =	simm.s32 @p2 $0x1  }
0x17: {  	s4 =	simm.s32 $0x1BF5;
	[smem:$0x3FB2] =	sst s0  }
0x18: {  	s0 =	sld [smem:$0x3F95];
	_ =	swait.ge [sflag:s4], $0x0  }
0x19: {  	s7 =	sld [smem:$0x3F96]  }
0x1a: {  	s8 =	sadd.s32 $0xFFFFE003, lr  }
0x1b: {  	s9 =	sadd.s32 $0xFFFFFEF7, lr;
	s5 =	simm.s32 $0xFFFFFFFF;
	p2 =	slt.u32 s8, $0xFFFFF086  }
0x1c: {  	p1 =	slt.u32 s9, $0xF7A;
	s5 =	simm.s32 @!p2 $0x0  }
0x1d: {  	s5 =	simm.s32 @p1 $0x1;
	p0 =	seq.s32 s7, s2  }
0x1e: {  	s7 =	smul.u32 @!p0 $0xF7A, s2;
	p2 =	seq.s32 @!p0 s5, $0x0  }
0x1f: {  	s9 =	smul.u32 $0xF7A, s1;
	s8 =	simm.s32 @!p0 $0x1BF5;
	p2 =	por !p2, p0  }
0x20: {  	[sflag:s8] =	ssyncset.s32 @!p0 $0xFFFFF086;
	s6 =	sadd.s32 @!p0 s3, s7;
	s7 =	simm.s32 @!p0 $0x108  }
0x21: {  	s3 =	sadd.s32 s3, s9;
	s6 =	sadd.s32 @!p0 $0x88, s6;
	s7 =	simm.s32 @p2 $0x1082  }
0x22: {  	[simem:s7], [sflag:s8] =	dma.local @!p0 [hbm:s6], $0xF7A  }
0x23: {  	s9 =	sor.u32 $0xD0000000, s2;
	s6 =	simm.s32 $0x108;
	_ =	swait.ge @!p0 [sflag:s8], $0x0  }
0x24: {  	s3 =	sadd.s32 $0x88, s3;
	s6 =	simm.s32 @!p1 $0x1082;
	[sflag:s4] =	ssyncset.s32 $0xFFFFF086  }
0x25: {  	[simem:s6], [sflag:s4] =	dma.local [hbm:s3], $0xF7A  }
0x26: {  	[smem:$0x3F96] =	sst s1;
	(tag) =	ssettag s2;
	_ =	strace s9  }
0x27: {  	s1 =	sld [smem:$0x3FA6]  }
0x28: {  	s2 =	sld [smem:$0x3FA7]  }
0x29: {  	s4 =	sld [smem:$0x3FA9]  }
0x2a: {  	p0 =	seq.s32 s5, $0x0;
	s5 =	sld [smem:$0x3FAA]  }
0x2b: {  	s6 =	sld [smem:$0x3FAB]  }
0x2c: {  	s7 =	sld [smem:$0x3FAC]  }
0x2d: {  	s3 =	simm.s32 $0x108;
	s8 =	sld [smem:$0x3FAD]  }
0x2e: {  	s3 =	simm.s32 @!p0 $0x1082;
	s9 =	sld [smem:$0x3FAE]  }
0x2f: {  	lr =	sadd.s32 s0, s3;
	s0 =	sld [smem:$0x3FA5]  }
0x30: {  	s3 =	sld [smem:$0x3FA8]  }
0x31: {  	[smem:$0x3FB1] =	sst s10  }
0x32: {  	s10 =	sld [smem:$0x3FAF];
	_ =	sdelay $0x3  }
0x33: {  	p0 =	seq.s32 s10, $0x1;
	s10 =	sld [smem:$0x3FB1];
	_ =	sdelay $0x3  }
0x34: {  	[smem:$0x3FB1] =	sst s10  }
0x35: {  	s10 =	sld [smem:$0x3FB0];
	_ =	sdelay $0x3  }
0x36: {  	p1 =	seq.s32 s10, $0x1;
	s10 =	sld [smem:$0x3FB1];
	_ =	sdelay $0x3  }
0x37: {  	[smem:$0x3FB1] =	sst s10  }
0x38: {  	s10 =	sld [smem:$0x3FB2]  }
0x39: {  	_ = 	snop;
	(pc) =	sbr.ind lr, $3  }
0x3a: {  	_ = 	snop  }
0x3b: {  	_ = 	snop  }
0x3c: {  	p2 =	seq.s32 s10, $0x1;
	s10 =	sld [smem:$0x3FB1]  }
0x3d: {  	_ =	shalt  }
0x3e: {  	_ =	shalt  }
0x3f: {  	_ =	shalt  }
0x40: {  	_ =	shalt  }
0x41: {  	_ =	shalt  }
0x42: {  	_ =	shalt  }
0x43: {  	_ =	shalt  }
0x44: {  	_ =	shalt  }
0x45: {  	_ =	shalt  }
0x46: {  	_ =	shalt  }
0x47: {  	_ =	shalt  }
0x48: {  	_ =	shalt  }
0x49: {  	_ =	shalt  }
0x4a: {  	_ =	shalt  }
0x4b: {  	_ =	shalt  }
0x4c: {  	_ =	shalt  }
0x4d: {  	_ =	shalt  }
0x4e: {  	_ =	shalt  }
0x4f: {  	_ =	shalt  }
0x50: {  	_ =	shalt  }
0x51: {  	_ =	shalt  }
0x52: {  	_ =	shalt  }
0x53: {  	_ =	shalt  }
0x54: {  	_ =	shalt  }
0x55: {  	_ =	shalt  }
0x56: {  	_ =	shalt  }
0x57: {  	_ =	shalt  }
0x58: {  	_ =	shalt  }
0x59: {  	_ =	shalt  }
0x5a: {  	_ =	shalt  }
0x5b: {  	_ =	shalt  }
0x5c: {  	_ =	shalt  }
0x5d: {  	_ =	shalt  }
0x5e: {  	_ =	shalt  }
0x5f: {  	_ =	shalt  }
0x60: {  	_ =	shalt  }
0x61: {  	_ =	shalt  }
0x62: {  	_ =	shalt  }
0x63: {  	_ =	shalt  }
0x64: {  	_ =	shalt  }
0x65: {  	_ =	shalt  }
0x66: {  	_ =	shalt  }
0x67: {  	_ =	shalt  }
0x68: {  	_ =	shalt  }
0x69: {  	_ =	shalt  }
0x6a: {  	_ =	shalt  }
0x6b: {  	_ =	shalt  }
0x6c: {  	_ =	shalt  }
0x6d: {  	_ =	shalt  }
0x6e: {  	_ =	shalt  }
0x6f: {  	_ =	shalt  }
0x70: {  	_ =	shalt  }
0x71: {  	_ =	shalt  }
0x72: {  	_ =	shalt  }
0x73: {  	_ =	shalt  }
0x74: {  	_ =	shalt  }
0x75: {  	_ =	shalt  }
0x76: {  	_ =	shalt  }
0x77: {  	_ =	shalt  }
0x78: {  	_ =	shalt  }
0x79: {  	_ =	shalt  }
0x7a: {  	_ =	shalt  }
0x7b: {  	_ =	shalt  }
0x7c: {  	_ =	shalt  }
0x7d: {  	_ =	shalt  }
0x7e: {  	_ =	shalt  }
0x7f: {  	_ =	shalt  }
0x80: {  	_ =	shalt  }
0x81: {  	_ =	shalt  }
0x82: {  	_ =	shalt  }
0x83: {  	_ =	shalt  }
0x84: {  	_ =	shalt  }
0x85: {  	_ =	shalt  }
0x86: {  	_ =	shalt  }
0x87: {  	_ =	shalt  }
.Lfunc_end0:
.L_simem_size_0:
called_computation.5_lowered:
.L_overlay_start_0:
0x88: {  	s2 =	sld [smem:$0x3FD9]  }
0x89: {  	s3 =	sld [smem:$0x3FFE];
	_ =	sdelay $0x1  }
0x8a: {  	s1 =	srdreg.scid  }
0x8b: {  	s0 =	sand.u32 $0x1, s1  }
0x8c: {  	s17 =	sshll.u32 s0, $0xA;
	s2 =	sadd.s32 s3, s2  }
0x8d: {  	s2 =	sadd.s32 s2, s17  }
0x8e: {  	[smem:$0x3FBD] =	sst s2  }
0x8f: {  	_ = 	snop  }
0x90: {  	s2 =	sld [smem:$0x3FD0];
	(tm) =	ssettm $0x1  }
0x91: {  	s18 =	sld [smem:$0x3FFB];
	_ =	sdelay $0x3  }
0x92: {  	_ =	strace s18  }
0x93: {  	s3 =	sld [smem:$0x3FFC];
	_ =	sdelay $0x3  }
0x94: {  	_ =	strace s3  }
0x95: {  	s3 =	sld [smem:$0x3FFD];
	_ =	sdelay $0x3  }
0x96: {  	_ =	strace s3  }
0x97: {  	_ =	strace $0x8FFFFFFF  }
0x98: {  	s19 =	sld [smem:$0x3FDB];
	_ =	sdelay $0x1  }
0x99: {  	s4 =	simm.s32 $_scs_section_size  }
0x9a: {  	s5 =	simm.s32 $_size__tile_overlayer_lowered;
	s6 =	simm.s32 $_tile_overlayer_lowered  }
0x9b: {  	s22 =	simm.s32 $0x1BFF;
	s21 =	sshll.u32 s6, $0x1;
	s3 =	sadd.s32 s4, s19  }
0x9c: {  	s7 =	simm.s32 $0x0;
	s20 =	sshll.u32 s5, $0x1;
	s5 =	sadd.s32 s21, s3  }
0x9d: {  	[timem:s7], [sflag:s22] =	dma.local [hbm:s5], s20  }
0x9e: {  	_ =	swait.ge [sflag:s22], s20  }
0x9f: {  	s4 =	ssub.s32 $0x0, s20;
	[sflag:s22] =	ssyncset.done $0x0  }
0xa0: {  	[sflag:s22] =	ssyncadd.s32 s4;
	_ =	sdelay $0x1  }
0xa1: {  	s23 =	simm.s32 $0x1B8B  }
0xa2: {  	_ =	swait.ge [sflag:s23], $0x1  }
0xa3: {  	[sflag:s23] =	ssyncset.done $0x0  }
0xa4: {  	s25 =	simm.s32 $0x1B8E;
	s24 =	sld [smem:$0x3FFE];
	[sflag:s23] =	ssyncadd.s32 $0xFFFFFFFF  }
0xa5: {  	s26 =	simm.s32 $execute0_lowered;
	[smem:$0x3FD2] =	sst s25  }
0xa6: {  	s5 =	sshll.u32 s26, $0x1;
	_ =	strace $0x80000055;
	[dreg:$0x1] =	wrdreg $0xFFFFFFFF  }
0xa7: {  	s28 =	simm.s32 $_size_execute0_lowered;
	s3 =	sadd.s32 s3, s5;
	[dreg:$0x0] =	wrdreg $0x0  }
0xa8: {  	s5 =	sshll.u32 s28, $0x1;
	[dreg:$0x2] =	wrdreg s3  }
0xa9: {  	[dreg:$0x3] =	wrdreg s5  }
0xaa: {  	[dreg:$0x4] =	wrdreg $0xC0  }
0xab: {  	_ =	task [dreg:s7], $0x5FFFF  }
0xac: {  	[dreg:$0x1] =	wrdreg $0xFFFFFFFF  }
0xad: {  	[dreg:$0x0] =	wrdreg $0x60  }
0xae: {  	[dreg:$0x2] =	wrdreg s24  }
0xaf: {  	[dreg:$0x3] =	wrdreg s2  }
0xb0: {  	[dreg:$0x4] =	wrdreg $0x9  }
0xb1: {  	_ =	task.clear_ibuf [dreg:s7], $0x5FFFF;
	_ =	strace $0x90000055  }
0xb2: {  	s29 =	simm.s32 $0x9;
	_ =	strace $0x80000057  }
0xb3: {  	_ =	swait.ge [sflag:s29], $0x1  }
0xb4: {  	[sflag:s29] =	ssyncadd.s32 $0xFFFFFFFF  }
0xb5: {  	_ =	strace $0x90000057  }
0xb6: {  	_ =	sfence  }
0xb7: {  	s30 =	sld [smem:$0x0];
	_ =	sdelay $0x2  }
0xb8: {  	s31 =	sshll.u32 s1, $0xD;
	s1 =	sshrl.u32 s1, $0x2  }
0xb9: {  	s3 =	sand.u32 $0x4000, s31;
	s1 =	sadd.s32 s1, s30  }
0xba: {  	s0 =	sor.u32 s3, s0;
	s1 =	sshll.u32 s1, $0x11  }
0xbb: {  	s0 =	sor.u32 s1, s0  }
0xbc: {  	s0 =	sadd.s32 $0x8F2B, s0  }
0xbd: {  	[sflag:s0] =	ssyncadd.remote.s32 $0x1  }
0xbe: {  	_ =	sfence.sel $0xFFFF  }
0xbf: {  	[dreg:$0x0] =	wrdreg $0xFFFFFFFF;
	(pc) =	sbr.abs _section_cstart, $3  }
0xc0: {  	[dreg:$0x1] =	wrdreg $0xFFFFFFFF  }
0xc1: {  	_ =	task.clear_ibuf [dreg:s7], $0x2FFFF;
	_ =	strace $0x9FFFFFFF  }
0xc2: {  	(tm) =	ssettm $0x7FFFFFFF  }
0xc3: {  	_ =	shalt  }
tec
execute0_lowered:
.L_overlay_start_1:
0x0: {  	(tag) =	ssettag $0x1  }
0x1: {  	s3 =	rddreg [dreg:$0x0]  }
0x2: {  	s6 =	rddreg [dreg:$0x1]  }
0x3: {  	s0 =	rddreg [dreg:$0x2];
	s1 =	simm.s32 $0x0;
	s2 =	srdreg.scid  }
0x4: {  	s5 =	stileid.u32;
	s10 =	simm.s32 $0x1;
	s7 =	sand.u32 $0x1, s2  }
0x5: {  	p4 =	por $0x0, $0x0;
	p2 =	por $0x0, $0x0;
	s9 =	ssub.s32 $0x2, s7  }
0x6: {  	[smem:$0x7FF] =	sst s1;
	s2 =	sadd.s32 $0x4000, s3;
	s30 =	sshrl.u32 s9, $0x1  }
0x7: {  	p0 =	sne.s32 s5, $0x0;
	s4 =	sor.u32 s5, s7;
	s9 =	ssub.s32 s9, s30  }
0x8: {  	s8 =	sadd.s32 $0x36600, s3;
	p1 =	seq.s32 s4, $0x0;
	s9 =	smax.u32 s9, $0x1  }
0x9: {  	s29 =	sshll.u32 s5, $0x8;
	p1 =	por !p0, !p1;
	s15 =	sadd.s32 $0xFFFFFFFF, s9  }
0xa: {  	s31 =	sshll.u32 s5, $0x1;
	p1 =	por !p1, !p1;
	p5 =	sne.s32 s15, $0x0  }
.Ltmp0:
0xb: {  	_ =	strace $0x80000056;
	s10 =	simm.s32 @!p1 $0x0;
	(pc) =	sbr.rel @!p5 .LBB2_3-.Ltmp0, $4  }
0xc: {  	s3 =	sadd.s32 s29, s3;
	s4 =	simm.s32 $0x1;
	s7 =	ssub.s32 s7, s10  }
0xd: {  	s5 =	sadd.s32 $0x2B200, s3;
	s3 =	sadd.s32 $0x2C200, s3;
	p1 =	sne.s32 s7, $0x0  }
0xe: {  	p3 =	sgt.u32 s7, $0x1;
	s7 =	simm.s32 $0x10;
	s8 =	smov.u32 @p1 s6  }
0xf: {  	p2 =	por @!p3 p1, p1;
	s6 =	sadd.s32 s8, s31;
	s8 =	simm.s32 $0x80  }
0x10: {  	s9 =	simm.s32 @!p3 $0x0;
	s10 =	simm.s32 @!p3 $0x2  }
0x11: {  	[tilespmem:s9], [sflag:$0x2] =	stream.linear.gather @!p3 [hbm4b:s6+s9], $0x10, $0x38;
	[tilespmem:$0x880] =	vst v63  }
0x12: {  	_ =	swait.ge @!p3 [sflag:s10], $0x10  }
0x13: {  	[sflag:s10] =	ssyncset.done @!p3 $0x0  }
0x14: {  	[sflag:s10] =	ssyncadd.s32 @!p3 $0xFFFFFFF0  }
0x15: {  	[tilespmem:s8], [sflag:$0x1] =	stream.indirect.gather [hbm4b:s2+s7], $0x80, s1, s7, $0xb8;
	[tilespmem:$0x880] =	vst v63  }
0x16: {  	_ =	swait.ge [sflag:s4], $0x800  }
0x17: {  	s12 =	simm.s32 @!p1 $0x2;
	s13 =	simm.s32 @!p1 $0x0;
	[sflag:s4] =	ssyncset.done $0x0  }
0x18: {  	s14 =	simm.s32 @!p1 $0x80;
	s15 =	sadd.s32 $0xFFFFFFFF, s15;
	[sflag:s4] =	ssyncadd.s32 $0xFFFFF800  }
0x19: {  	[hbm4b:s5+s13] =	stream.linear.scatter @!p1 [tilespmem:s14], [sflag:$0x2], $0x800, $0x38;
	[tilespmem:$0x880] =	vst v63  }
0x1a: {  	p5 =	sne.s32 s15, $0x0;
	_ =	swait.ge @!p1 [sflag:s12], $0x800  }
.Ltmp1:
0x1b: {  	s11 =	simm.s32 @p2 $0x2;
	[sflag:s12] =	ssyncset.done @!p1 $0x0;
	(pc) =	sbr.rel @!p5 .LBB2_3-.Ltmp1, $4  }
0x1c: {  	s16 =	simm.s32 @p2 $0x0;
	s17 =	simm.s32 @p2 $0x80;
	[sflag:s12] =	ssyncadd.s32 @!p1 $0xFFFFF800  }
0x1d: {  	[hbm4b:s3+s16] =	stream.linear.scatter @p2 [tilespmem:s17], [sflag:$0x2], $0x800, $0x38;
	[tilespmem:$0x880] =	vst v63  }
0x1e: {  	_ =	swait.ge @p2 [sflag:s11], $0x800  }
0x1f: {  	p4 =	por $0x1, $0x1;
	[sflag:s11] =	ssyncset.done @p2 $0x0  }
.LBB2_2:
0x20: {  	[sflag:s11] =	ssyncadd.s32 @p2 $0xFFFFF800  }
0x21: {  	[tilespmem:s9], [sflag:$0x2] =	stream.linear.gather @!p3 [hbm4b:s6+s9], $0x10, $0x38;
	[tilespmem:$0x880] =	vst v63  }
0x22: {  	s15 =	sadd.s32 $0xFFFFFFFF, s15;
	_ =	swait.ge @!p3 [sflag:s10], $0x10  }
0x23: {  	p5 =	sne.s32 s15, $0x0;
	[sflag:s10] =	ssyncset.done @!p3 $0x0  }
0x24: {  	[sflag:s10] =	ssyncadd.s32 @!p3 $0xFFFFFFF0  }
0x25: {  	[tilespmem:s8], [sflag:$0x1] =	stream.indirect.gather [hbm4b:s2+s7], $0x80, s1, s7, $0xb8;
	[tilespmem:$0x880] =	vst v63  }
0x26: {  	_ =	swait.ge [sflag:s4], $0x800  }
0x27: {  	[sflag:s4] =	ssyncset.done $0x0  }
0x28: {  	[sflag:s4] =	ssyncadd.s32 $0xFFFFF800  }
0x29: {  	[hbm4b:s5+s13] =	stream.linear.scatter @!p1 [tilespmem:s14], [sflag:$0x2], $0x800, $0x38;
	[tilespmem:$0x880] =	vst v63  }
0x2a: {  	_ =	swait.ge @!p1 [sflag:s12], $0x800  }
.Ltmp2:
0x2b: {  	[sflag:s12] =	ssyncset.done @!p1 $0x0;
	(pc) =	sbr.rel @p5 .LBB2_2-.Ltmp2, $4  }
0x2c: {  	[sflag:s12] =	ssyncadd.s32 @!p1 $0xFFFFF800  }
0x2d: {  	[hbm4b:s3+s16] =	stream.linear.scatter @p2 [tilespmem:s17], [sflag:$0x2], $0x800, $0x38;
	[tilespmem:$0x880] =	vst v63  }
0x2e: {  	_ =	swait.ge @p2 [sflag:s11], $0x800  }
0x2f: {  	[sflag:s11] =	ssyncset.done @p2 $0x0  }
.LBB2_3:
0x30: {  	p4 =	por !p2, !p4  }
0x31: {  	s9 =	simm.s32 @!p3 $0x0;
	s10 =	simm.s32 @!p3 $0x2;
	[sflag:s11] =	ssyncadd.s32 @!p4 $0xFFFFF800  }
0x32: {  	[tilespmem:s9], [sflag:$0x2] =	stream.linear.gather @!p3 [hbm4b:s6+s9], $0x10, $0x38;
	[tilespmem:$0x880] =	vst v63  }
0x33: {  	_ =	swait.ge @!p3 [sflag:s10], $0x10  }
0x34: {  	[sflag:s10] =	ssyncset.done @!p3 $0x0  }
0x35: {  	[sflag:s10] =	ssyncadd.s32 @!p3 $0xFFFFFFF0  }
0x36: {  	[tilespmem:s8], [sflag:$0x1] =	stream.indirect.gather [hbm4b:s2+s7], $0x80, s1, s7, $0xb8;
	[tilespmem:$0x880] =	vst v63  }
0x37: {  	_ =	swait.ge [sflag:s4], $0x800  }
0x38: {  	s1 =	simm.s32 @!p1 $0x2;
	[sflag:s4] =	ssyncset.done $0x0  }
0x39: {  	s2 =	simm.s32 @!p1 $0x0;
	[sflag:s4] =	ssyncadd.s32 $0xFFFFF800;
	s4 =	simm.s32 @!p1 $0x80  }
0x3a: {  	[hbm4b:s5+s2] =	stream.linear.scatter @!p1 [tilespmem:s4], [sflag:$0x2], $0x800, $0x38;
	[tilespmem:$0x880] =	vst v63  }
0x3b: {  	_ =	swait.ge @!p1 [sflag:s1], $0x800  }
0x3c: {  	s2 =	simm.s32 @p2 $0x2;
	[sflag:s1] =	ssyncset.done @!p1 $0x0  }
0x3d: {  	s4 =	simm.s32 @p2 $0x80;
	[sflag:s1] =	ssyncadd.s32 @!p1 $0xFFFFF800;
	s1 =	simm.s32 @p2 $0x0  }
0x3e: {  	[hbm4b:s3+s1] =	stream.linear.scatter @p2 [tilespmem:s4], [sflag:$0x2], $0x800, $0x38;
	[tilespmem:$0x880] =	vst v63  }
0x3f: {  	_ =	swait.ge @p2 [sflag:s2], $0x800  }
0x40: {  	[sflag:s2] =	ssyncset.done @p2 $0x0  }
0x41: {  	[sflag:s2] =	ssyncadd.s32 @p2 $0xFFFFF800  }
0x42: {  	_ =	sfence.sel $0x180000  }
0x43: {  	[bflag:$0x0] =	sbarrier.arrive $0xFFFF  }
0x44: {  	_ =	strace $0x90000056  }
0x45: {  	s0 =	sadd.s32 @!p0 $0x100000, s0;
	[bflag:$0x2] =	sbarrier.arrive $0xFFFF  }
0x46: {  	[sflag:s0] =	ssyncadd.tile.s32 @!p0 $0x1;
	_ =	shalt  }
.Lfunc_end2:
_tile_overlayer_lowered:
.L_overlay_start_2:
0x47: {  	(tag) =	ssettag $0x2  }
0x48: {  	s0 =	rddreg [dreg:$0x0];
	s2 =	stileid.u32  }
0x49: {  	s1 =	rddreg [dreg:$0x1];
	p0 =	sne.s32 s2, $0x0  }
0x4a: {  	s3 =	rddreg [dreg:$0x2];
	[bflag:$0x3] =	sbarrier.arrive $0xFFFF;
	s2 =	simm.s32 @!p0 $0x1C02  }
0x4b: {  	[timem:s3], [sflag:s2] =	dma.local @!p0 [hbm:s0], s1  }
0x4c: {  	s0 =	simm.s32 @!p0 $0x2  }
0x4d: {  	_ =	swait.ge @!p0 [sflag:s0], s1  }
0x4e: {  	s1 =	ssub.s32 @!p0 $0x0, s1;
	[sflag:s0] =	ssyncset.done @!p0 $0x0  }
0x4f: {  	[sflag:s0] =	ssyncadd.s32 @!p0 s1  }
0x50: {  	[bflag:$0x3] =	sbarrier.arrive $0xFFFF  }
0x51: {  	_ =	shalt  }

</sc_bundles>
